<compile_context>
chip_gen: v7x
topology: tpu7x:2x2x1
jax: 0.10.2.dev20260603
libtpu: 0.0.44.dev20260713+nightly
codegen_flags: <defaults>
</compile_context>

<pallas_src>
import functools

import jax
import jax.numpy as jnp
from jax import lax
from jax.experimental import pallas as pl
from jax.experimental.pallas import tpu as pltpu
from jax.experimental.pallas import tpu_sc as plsc

_N = 262144
_F = 256
_SEL = tuple(range(0, _F, 8))

_NC = 2
_NS = 16
_NW = _NC * _NS

_N_SC = 155648
_N_TC = _N - _N_SC

_RPW = _N_SC // _NW
_CHUNK = 64
_NCHUNK = _RPW // _CHUNK
_NBUF = 4
_L = 16

_BN = 8192


def _sc_body(x_hbm, thr_hbm, out_hbm, *refs):
    bufs = refs[:_NBUF]
    out_v, thr_v = refs[_NBUF], refs[_NBUF + 1]
    sems = refs[_NBUF + 2:]
    wid = lax.axis_index("s") * _NC + lax.axis_index("c")
    row0 = wid * _RPW
    pltpu.sync_copy(thr_hbm, thr_v)
    lanes = lax.iota(jnp.int32, _L)

    tvecs = []
    for c in _SEL:
        grp = thr_v[pl.ds((c // _L) * _L, _L)]
        tvecs.append(jnp.full((_L,), grp[c % _L], jnp.float32))

    def start_fetch(i, b):
        base = row0 + i * _CHUNK
        pltpu.async_copy(x_hbm.at[pl.ds(base, _CHUNK), :], bufs[b], sems[b])

    def compute_chunk(i, b):
        buf = bufs[b]

        def group_body(g, carry2):
            rows = g * _L + lanes
            acc = jnp.full((_L,), jnp.inf, jnp.float32)
            for j, c in enumerate(_SEL):
                cols = jnp.full((_L,), c, jnp.int32)
                v = plsc.load_gather(buf, [rows, cols])
                acc = jnp.minimum(acc, v - tvecs[j])
            res = jnp.where(acc > 0.0, jnp.int32(1), jnp.int32(0))
            out_v[pl.ds(i * _CHUNK + g * _L, _L)] = res
            return carry2

        lax.fori_loop(0, _CHUNK // _L, group_body, 0, unroll=False)

    for b in range(_NBUF - 1):
        start_fetch(b, b)

    def ring_body(p, carry):
        for b in range(_NBUF):
            i = _NBUF * p + b
            pltpu.make_async_copy(
                x_hbm.at[pl.ds(0, _CHUNK), :], bufs[b], sems[b]
            ).wait()
            nxt = i + _NBUF - 1

            @pl.when(nxt < _NCHUNK)
            def _():
                start_fetch(nxt, (b + _NBUF - 1) % _NBUF)

            compute_chunk(i, b)

        return carry

    lax.fori_loop(0, _NCHUNK // _NBUF, ring_body, 0, unroll=False)
    pltpu.sync_copy(out_v, out_hbm.at[pl.ds(row0, _RPW)])


def _match_sc(x, thresholds):
    mesh = plsc.VectorSubcoreMesh(core_axis_name="c", subcore_axis_name="s")
    run = pl.kernel(
        _sc_body,
        out_type=jax.ShapeDtypeStruct((_N_SC,), jnp.int32),
        mesh=mesh,
        compiler_params=pltpu.CompilerParams(needs_layout_passes=False),
        scratch_types=(
            [pltpu.VMEM((_CHUNK, _F), jnp.float32)] * _NBUF
            + [
                pltpu.VMEM((_RPW,), jnp.int32),
                pltpu.VMEM((_F,), jnp.float32),
            ]
            + [pltpu.SemaphoreType.DMA] * _NBUF
        ),
    )
    return run(x, thresholds)


def _tc_body(x_ref, thr_ref, out_ref):
    vals = x_ref[...] - thr_ref[0:1, :]
    rowmin = jnp.min(vals, axis=1, keepdims=True)
    out_ref[...] = (rowmin > 0.0).astype(jnp.int32)


def _match_tc(x, thresholds):
    sel = (jnp.arange(_F, dtype=jnp.int32) % 8) == 0
    thr_m = jnp.where(sel, thresholds, -jnp.inf)
    thr2d = jnp.broadcast_to(thr_m[None, :], (8, _F))
    off_b = _N_SC // _BN
    out = pl.pallas_call(
        _tc_body,
        grid=(_N_TC // _BN,),
        in_specs=[
            pl.BlockSpec((_BN, _F), lambda i: (off_b + i, 0)),
            pl.BlockSpec((8, _F), lambda i: (0, 0)),
        ],
        out_specs=pl.BlockSpec((_BN, 1), lambda i: (i, 0)),
        out_shape=jax.ShapeDtypeStruct((_N_TC, 1), jnp.int32),
        compiler_params=pltpu.CompilerParams(
            dimension_semantics=("arbitrary",)
        ),
    )(x, thr2d)
    return out.reshape(_N_TC)


@jax.jit
def _match(x, thresholds):
    parts = []
    if _N_SC > 0:
        parts.append(_match_sc(x, thresholds))
    if _N_TC > 0:
        parts.append(_match_tc(x, thresholds))
    out = parts[0] if len(parts) == 1 else jnp.concatenate(parts)
    return out.astype(jnp.bool_)


def kernel(x, thresholds):
    return _match(x, thresholds)

# --- scband reference (transcript-rebuilt; emitter-appended) ---
"""Pipeline reference for scband-match-layer-31121333027528 (READ-ONLY COPY).

The authoritative reference and input builder live on the scoring server;
editing this copy changes nothing except your own understanding.
"""

import jax, jax.numpy as jnp
import numpy as np

N = 262144
F = 256
PAT_INDEX = np.arange(0, F, 8).astype(np.int32)  # 32 selected feature columns


def setup_inputs(seed: int = 0) -> dict:
    key = jax.random.key(seed)
    k1, k2 = jax.random.split(key)
    x = jax.random.normal(k1, (N, F), dtype=jnp.float32)
    # per-feature thresholds of the binarizer sub-layer (learned params)
    thresholds = jax.random.normal(k2, (F,), dtype=jnp.float32) * 0.1
    return {"x": x, "thresholds": thresholds}


def reference(x, thresholds):
    # binarizer: per-feature threshold -> boolean feature matrix [N, F]
    bouts = x > thresholds[None, :]
    # tf.gather(bouts, indices=pat_index, axis=1)
    pat_index = jnp.asarray(PAT_INDEX)
    selected = jnp.take(bouts, pat_index, axis=1)
    # tf.map_fn(tf.reduce_all, selected) -> per-row all-reduce over selected columns
    matches = jnp.all(selected, axis=1)
    return matches

if __name__ == "__main__":
    import jax
    _d = setup_inputs()
    print(jax.jit(kernel)(*tuple(_d.values())))

</pallas_src>

<mosaic_0001>
#map = affine_map<(d0, d1) -> (0, 0)>
#map1 = affine_map<(d0, d1) -> (0)>
module attributes {stable_mosaic.version = 14 : i64} {
  func.func @_sc_body(%arg0: i32, %arg1: i32, %arg2: memref<262144x256xf32, #tpu.memory_space<hbm>>, %arg3: memref<256xf32, #tpu.memory_space<hbm>>, %arg4: memref<155648xi32, #tpu.memory_space<hbm>>, %arg5: memref<64x256xf32, #tpu.memory_space<vmem>>, %arg6: memref<64x256xf32, #tpu.memory_space<vmem>>, %arg7: memref<64x256xf32, #tpu.memory_space<vmem>>, %arg8: memref<64x256xf32, #tpu.memory_space<vmem>>, %arg9: memref<4864xi32, #tpu.memory_space<vmem>>, %arg10: memref<256xf32, #tpu.memory_space<vmem>>, %arg11: memref<!tpu.dma_semaphore, #tpu.memory_space<semaphore_mem>>, %arg12: memref<!tpu.dma_semaphore, #tpu.memory_space<semaphore_mem>>, %arg13: memref<!tpu.dma_semaphore, #tpu.memory_space<semaphore_mem>>, %arg14: memref<!tpu.dma_semaphore, #tpu.memory_space<semaphore_mem>>) attributes {dimension_semantics = [#tpu.dimension_semantics<core_parallel>, #tpu.dimension_semantics<subcore_parallel>], iteration_bounds = array<i64: 2, 16>, scalar_prefetch = 0 : i64, scratch_operands = 10 : i64, tpu.core_type = #tpu.core_type<sc_vector_subcore>, window_params = [{transform_indices = #map}, {transform_indices = #map1}, {transform_indices = #map1}]} {
    %mul3A = arith.constant 2 : i32
    %mul3A_0 = arith.muli %arg1, %mul3A : i32
    %add3A = arith.addi %mul3A_0, %arg0 : i32
    %mul3A_1 = arith.constant 4864 : i32
    %mul3A_2 = arith.muli %add3A, %mul3A_1 : i32
    "tpu.region"() ({
      %run_scoped3A = tpu.sem_alloc : memref<!tpu.dma_semaphore, #tpu.memory_space<semaphore_mem>>
      tpu.enqueue_dma source(%arg3 : memref<256xf32, #tpu.memory_space<hbm>>) target(%arg10 : memref<256xf32, #tpu.memory_space<vmem>>) target_semaphore(%run_scoped3A : memref<!tpu.dma_semaphore, #tpu.memory_space<semaphore_mem>>)
      tpu.wait_dma2 semaphore(%run_scoped3A : memref<!tpu.dma_semaphore, #tpu.memory_space<semaphore_mem>>) src(%arg3 : memref<256xf32, #tpu.memory_space<hbm>>) dst(%arg10 : memref<256xf32, #tpu.memory_space<vmem>>)
      tpu.yield
    }) : () -> ()
    %iota3A = tpu.iota {dimensions = array<i32: 0>} : vector<16xi32>
    %get3A = arith.constant 0 : index
    %get3A_3 = tpu.vector_load %arg10[%get3A] {strides = array<i32>} : memref<256xf32, #tpu.memory_space<vmem>>, vector<16xf32>,
    %slice3A = vector.extract_strided_slice %get3A_3 {offsets = [0], sizes = [1], strides = [1]} : vector<16xf32> to vector<1xf32>
    %squeeze3A = vector.extract %slice3A[0] : f32 from vector<1xf32>
    %broadcast_in_dim3A = vector.broadcast %squeeze3A : f32 to vector<16xf32>
    %get3A_4 = arith.constant 0 : index
    %get3A_5 = tpu.vector_load %arg10[%get3A_4] {strides = array<i32>} : memref<256xf32, #tpu.memory_space<vmem>>, vector<16xf32>,
    %slice3A_6 = vector.extract_strided_slice %get3A_5 {offsets = [8], sizes = [1], strides = [1]} : vector<16xf32> to vector<1xf32>
    %squeeze3A_7 = vector.extract %slice3A_6[0] : f32 from vector<1xf32>
    %broadcast_in_dim3A_8 = vector.broadcast %squeeze3A_7 : f32 to vector<16xf32>
    %get3A_9 = arith.constant 16 : index
    %get3A_10 = tpu.vector_load %arg10[%get3A_9] {strides = array<i32>} : memref<256xf32, #tpu.memory_space<vmem>>, vector<16xf32>,
    %slice3A_11 = vector.extract_strided_slice %get3A_10 {offsets = [0], sizes = [1], strides = [1]} : vector<16xf32> to vector<1xf32>
    %squeeze3A_12 = vector.extract %slice3A_11[0] : f32 from vector<1xf32>
    %broadcast_in_dim3A_13 = vector.broadcast %squeeze3A_12 : f32 to vector<16xf32>
    %get3A_14 = arith.constant 16 : index
    %get3A_15 = tpu.vector_load %arg10[%get3A_14] {strides = array<i32>} : memref<256xf32, #tpu.memory_space<vmem>>, vector<16xf32>,
    %slice3A_16 = vector.extract_strided_slice %get3A_15 {offsets = [8], sizes = [1], strides = [1]} : vector<16xf32> to vector<1xf32>
    %squeeze3A_17 = vector.extract %slice3A_16[0] : f32 from vector<1xf32>
    %broadcast_in_dim3A_18 = vector.broadcast %squeeze3A_17 : f32 to vector<16xf32>
    %get3A_19 = arith.constant 32 : index
    %get3A_20 = tpu.vector_load %arg10[%get3A_19] {strides = array<i32>} : memref<256xf32, #tpu.memory_space<vmem>>, vector<16xf32>,
    %slice3A_21 = vector.extract_strided_slice %get3A_20 {offsets = [0], sizes = [1], strides = [1]} : vector<16xf32> to vector<1xf32>
    %squeeze3A_22 = vector.extract %slice3A_21[0] : f32 from vector<1xf32>
    %broadcast_in_dim3A_23 = vector.broadcast %squeeze3A_22 : f32 to vector<16xf32>
    %get3A_24 = arith.constant 32 : index
    %get3A_25 = tpu.vector_load %arg10[%get3A_24] {strides = array<i32>} : memref<256xf32, #tpu.memory_space<vmem>>, vector<16xf32>,
    %slice3A_26 = vector.extract_strided_slice %get3A_25 {offsets = [8], sizes = [1], strides = [1]} : vector<16xf32> to vector<1xf32>
    %squeeze3A_27 = vector.extract %slice3A_26[0] : f32 from vector<1xf32>
    %broadcast_in_dim3A_28 = vector.broadcast %squeeze3A_27 : f32 to vector<16xf32>
    %get3A_29 = arith.constant 48 : index
    %get3A_30 = tpu.vector_load %arg10[%get3A_29] {strides = array<i32>} : memref<256xf32, #tpu.memory_space<vmem>>, vector<16xf32>,
    %slice3A_31 = vector.extract_strided_slice %get3A_30 {offsets = [0], sizes = [1], strides = [1]} : vector<16xf32> to vector<1xf32>
    %squeeze3A_32 = vector.extract %slice3A_31[0] : f32 from vector<1xf32>
    %broadcast_in_dim3A_33 = vector.broadcast %squeeze3A_32 : f32 to vector<16xf32>
    %get3A_34 = arith.constant 48 : index
    %get3A_35 = tpu.vector_load %arg10[%get3A_34] {strides = array<i32>} : memref<256xf32, #tpu.memory_space<vmem>>, vector<16xf32>,
    %slice3A_36 = vector.extract_strided_slice %get3A_35 {offsets = [8], sizes = [1], strides = [1]} : vector<16xf32> to vector<1xf32>
    %squeeze3A_37 = vector.extract %slice3A_36[0] : f32 from vector<1xf32>
    %broadcast_in_dim3A_38 = vector.broadcast %squeeze3A_37 : f32 to vector<16xf32>
    %get3A_39 = arith.constant 64 : index
    %get3A_40 = tpu.vector_load %arg10[%get3A_39] {strides = array<i32>} : memref<256xf32, #tpu.memory_space<vmem>>, vector<16xf32>,
    %slice3A_41 = vector.extract_strided_slice %get3A_40 {offsets = [0], sizes = [1], strides = [1]} : vector<16xf32> to vector<1xf32>
    %squeeze3A_42 = vector.extract %slice3A_41[0] : f32 from vector<1xf32>
    %broadcast_in_dim3A_43 = vector.broadcast %squeeze3A_42 : f32 to vector<16xf32>
    %get3A_44 = arith.constant 64 : index
    %get3A_45 = tpu.vector_load %arg10[%get3A_44] {strides = array<i32>} : memref<256xf32, #tpu.memory_space<vmem>>, vector<16xf32>,
    %slice3A_46 = vector.extract_strided_slice %get3A_45 {offsets = [8], sizes = [1], strides = [1]} : vector<16xf32> to vector<1xf32>
    %squeeze3A_47 = vector.extract %slice3A_46[0] : f32 from vector<1xf32>
    %broadcast_in_dim3A_48 = vector.broadcast %squeeze3A_47 : f32 to vector<16xf32>
    %get3A_49 = arith.constant 80 : index
    %get3A_50 = tpu.vector_load %arg10[%get3A_49] {strides = array<i32>} : memref<256xf32, #tpu.memory_space<vmem>>, vector<16xf32>,
    %slice3A_51 = vector.extract_strided_slice %get3A_50 {offsets = [0], sizes = [1], strides = [1]} : vector<16xf32> to vector<1xf32>
    %squeeze3A_52 = vector.extract %slice3A_51[0] : f32 from vector<1xf32>
    %broadcast_in_dim3A_53 = vector.broadcast %squeeze3A_52 : f32 to vector<16xf32>
    %get3A_54 = arith.constant 80 : index
    %get3A_55 = tpu.vector_load %arg10[%get3A_54] {strides = array<i32>} : memref<256xf32, #tpu.memory_space<vmem>>, vector<16xf32>,
    %slice3A_56 = vector.extract_strided_slice %get3A_55 {offsets = [8], sizes = [1], strides = [1]} : vector<16xf32> to vector<1xf32>
    %squeeze3A_57 = vector.extract %slice3A_56[0] : f32 from vector<1xf32>
    %broadcast_in_dim3A_58 = vector.broadcast %squeeze3A_57 : f32 to vector<16xf32>
    %get3A_59 = arith.constant 96 : index
    %get3A_60 = tpu.vector_load %arg10[%get3A_59] {strides = array<i32>} : memref<256xf32, #tpu.memory_space<vmem>>, vector<16xf32>,
    %slice3A_61 = vector.extract_strided_slice %get3A_60 {offsets = [0], sizes = [1], strides = [1]} : vector<16xf32> to vector<1xf32>
    %squeeze3A_62 = vector.extract %slice3A_61[0] : f32 from vector<1xf32>
    %broadcast_in_dim3A_63 = vector.broadcast %squeeze3A_62 : f32 to vector<16xf32>
    %get3A_64 = arith.constant 96 : index
    %get3A_65 = tpu.vector_load %arg10[%get3A_64] {strides = array<i32>} : memref<256xf32, #tpu.memory_space<vmem>>, vector<16xf32>,
    %slice3A_66 = vector.extract_strided_slice %get3A_65 {offsets = [8], sizes = [1], strides = [1]} : vector<16xf32> to vector<1xf32>
    %squeeze3A_67 = vector.extract %slice3A_66[0] : f32 from vector<1xf32>
    %broadcast_in_dim3A_68 = vector.broadcast %squeeze3A_67 : f32 to vector<16xf32>
    %get3A_69 = arith.constant 112 : index
    %get3A_70 = tpu.vector_load %arg10[%get3A_69] {strides = array<i32>} : memref<256xf32, #tpu.memory_space<vmem>>, vector<16xf32>,
    %slice3A_71 = vector.extract_strided_slice %get3A_70 {offsets = [0], sizes = [1], strides = [1]} : vector<16xf32> to vector<1xf32>
    %squeeze3A_72 = vector.extract %slice3A_71[0] : f32 from vector<1xf32>
    %broadcast_in_dim3A_73 = vector.broadcast %squeeze3A_72 : f32 to vector<16xf32>
    %get3A_74 = arith.constant 112 : index
    %get3A_75 = tpu.vector_load %arg10[%get3A_74] {strides = array<i32>} : memref<256xf32, #tpu.memory_space<vmem>>, vector<16xf32>,
    %slice3A_76 = vector.extract_strided_slice %get3A_75 {offsets = [8], sizes = [1], strides = [1]} : vector<16xf32> to vector<1xf32>
    %squeeze3A_77 = vector.extract %slice3A_76[0] : f32 from vector<1xf32>
    %broadcast_in_dim3A_78 = vector.broadcast %squeeze3A_77 : f32 to vector<16xf32>
    %get3A_79 = arith.constant 128 : index
    %get3A_80 = tpu.vector_load %arg10[%get3A_79] {strides = array<i32>} : memref<256xf32, #tpu.memory_space<vmem>>, vector<16xf32>,
    %slice3A_81 = vector.extract_strided_slice %get3A_80 {offsets = [0], sizes = [1], strides = [1]} : vector<16xf32> to vector<1xf32>
    %squeeze3A_82 = vector.extract %slice3A_81[0] : f32 from vector<1xf32>
    %broadcast_in_dim3A_83 = vector.broadcast %squeeze3A_82 : f32 to vector<16xf32>
    %get3A_84 = arith.constant 128 : index
    %get3A_85 = tpu.vector_load %arg10[%get3A_84] {strides = array<i32>} : memref<256xf32, #tpu.memory_space<vmem>>, vector<16xf32>,
    %slice3A_86 = vector.extract_strided_slice %get3A_85 {offsets = [8], sizes = [1], strides = [1]} : vector<16xf32> to vector<1xf32>
    %squeeze3A_87 = vector.extract %slice3A_86[0] : f32 from vector<1xf32>
    %broadcast_in_dim3A_88 = vector.broadcast %squeeze3A_87 : f32 to vector<16xf32>
    %get3A_89 = arith.constant 144 : index
    %get3A_90 = tpu.vector_load %arg10[%get3A_89] {strides = array<i32>} : memref<256xf32, #tpu.memory_space<vmem>>, vector<16xf32>,
    %slice3A_91 = vector.extract_strided_slice %get3A_90 {offsets = [0], sizes = [1], strides = [1]} : vector<16xf32> to vector<1xf32>
    %squeeze3A_92 = vector.extract %slice3A_91[0] : f32 from vector<1xf32>
    %broadcast_in_dim3A_93 = vector.broadcast %squeeze3A_92 : f32 to vector<16xf32>
    %get3A_94 = arith.constant 144 : index
    %get3A_95 = tpu.vector_load %arg10[%get3A_94] {strides = array<i32>} : memref<256xf32, #tpu.memory_space<vmem>>, vector<16xf32>,
    %slice3A_96 = vector.extract_strided_slice %get3A_95 {offsets = [8], sizes = [1], strides = [1]} : vector<16xf32> to vector<1xf32>
    %squeeze3A_97 = vector.extract %slice3A_96[0] : f32 from vector<1xf32>
    %broadcast_in_dim3A_98 = vector.broadcast %squeeze3A_97 : f32 to vector<16xf32>
    %get3A_99 = arith.constant 160 : index
    %get3A_100 = tpu.vector_load %arg10[%get3A_99] {strides = array<i32>} : memref<256xf32, #tpu.memory_space<vmem>>, vector<16xf32>,
    %slice3A_101 = vector.extract_strided_slice %get3A_100 {offsets = [0], sizes = [1], strides = [1]} : vector<16xf32> to vector<1xf32>
    %squeeze3A_102 = vector.extract %slice3A_101[0] : f32 from vector<1xf32>
    %broadcast_in_dim3A_103 = vector.broadcast %squeeze3A_102 : f32 to vector<16xf32>
    %get3A_104 = arith.constant 160 : index
    %get3A_105 = tpu.vector_load %arg10[%get3A_104] {strides = array<i32>} : memref<256xf32, #tpu.memory_space<vmem>>, vector<16xf32>,
    %slice3A_106 = vector.extract_strided_slice %get3A_105 {offsets = [8], sizes = [1], strides = [1]} : vector<16xf32> to vector<1xf32>
    %squeeze3A_107 = vector.extract %slice3A_106[0] : f32 from vector<1xf32>
    %broadcast_in_dim3A_108 = vector.broadcast %squeeze3A_107 : f32 to vector<16xf32>
    %get3A_109 = arith.constant 176 : index
    %get3A_110 = tpu.vector_load %arg10[%get3A_109] {strides = array<i32>} : memref<256xf32, #tpu.memory_space<vmem>>, vector<16xf32>,
    %slice3A_111 = vector.extract_strided_slice %get3A_110 {offsets = [0], sizes = [1], strides = [1]} : vector<16xf32> to vector<1xf32>
    %squeeze3A_112 = vector.extract %slice3A_111[0] : f32 from vector<1xf32>
    %broadcast_in_dim3A_113 = vector.broadcast %squeeze3A_112 : f32 to vector<16xf32>
    %get3A_114 = arith.constant 176 : index
    %get3A_115 = tpu.vector_load %arg10[%get3A_114] {strides = array<i32>} : memref<256xf32, #tpu.memory_space<vmem>>, vector<16xf32>,
    %slice3A_116 = vector.extract_strided_slice %get3A_115 {offsets = [8], sizes = [1], strides = [1]} : vector<16xf32> to vector<1xf32>
    %squeeze3A_117 = vector.extract %slice3A_116[0] : f32 from vector<1xf32>
    %broadcast_in_dim3A_118 = vector.broadcast %squeeze3A_117 : f32 to vector<16xf32>
    %get3A_119 = arith.constant 192 : index
    %get3A_120 = tpu.vector_load %arg10[%get3A_119] {strides = array<i32>} : memref<256xf32, #tpu.memory_space<vmem>>, vector<16xf32>,
    %slice3A_121 = vector.extract_strided_slice %get3A_120 {offsets = [0], sizes = [1], strides = [1]} : vector<16xf32> to vector<1xf32>
    %squeeze3A_122 = vector.extract %slice3A_121[0] : f32 from vector<1xf32>
    %broadcast_in_dim3A_123 = vector.broadcast %squeeze3A_122 : f32 to vector<16xf32>
    %get3A_124 = arith.constant 192 : index
    %get3A_125 = tpu.vector_load %arg10[%get3A_124] {strides = array<i32>} : memref<256xf32, #tpu.memory_space<vmem>>, vector<16xf32>,
    %slice3A_126 = vector.extract_strided_slice %get3A_125 {offsets = [8], sizes = [1], strides = [1]} : vector<16xf32> to vector<1xf32>
    %squeeze3A_127 = vector.extract %slice3A_126[0] : f32 from vector<1xf32>
    %broadcast_in_dim3A_128 = vector.broadcast %squeeze3A_127 : f32 to vector<16xf32>
    %get3A_129 = arith.constant 208 : index
    %get3A_130 = tpu.vector_load %arg10[%get3A_129] {strides = array<i32>} : memref<256xf32, #tpu.memory_space<vmem>>, vector<16xf32>,
    %slice3A_131 = vector.extract_strided_slice %get3A_130 {offsets = [0], sizes = [1], strides = [1]} : vector<16xf32> to vector<1xf32>
    %squeeze3A_132 = vector.extract %slice3A_131[0] : f32 from vector<1xf32>
    %broadcast_in_dim3A_133 = vector.broadcast %squeeze3A_132 : f32 to vector<16xf32>
    %get3A_134 = arith.constant 208 : index
    %get3A_135 = tpu.vector_load %arg10[%get3A_134] {strides = array<i32>} : memref<256xf32, #tpu.memory_space<vmem>>, vector<16xf32>,
    %slice3A_136 = vector.extract_strided_slice %get3A_135 {offsets = [8], sizes = [1], strides = [1]} : vector<16xf32> to vector<1xf32>
    %squeeze3A_137 = vector.extract %slice3A_136[0] : f32 from vector<1xf32>
    %broadcast_in_dim3A_138 = vector.broadcast %squeeze3A_137 : f32 to vector<16xf32>
    %get3A_139 = arith.constant 224 : index
    %get3A_140 = tpu.vector_load %arg10[%get3A_139] {strides = array<i32>} : memref<256xf32, #tpu.memory_space<vmem>>, vector<16xf32>,
    %slice3A_141 = vector.extract_strided_slice %get3A_140 {offsets = [0], sizes = [1], strides = [1]} : vector<16xf32> to vector<1xf32>
    %squeeze3A_142 = vector.extract %slice3A_141[0] : f32 from vector<1xf32>
    %broadcast_in_dim3A_143 = vector.broadcast %squeeze3A_142 : f32 to vector<16xf32>
    %get3A_144 = arith.constant 224 : index
    %get3A_145 = tpu.vector_load %arg10[%get3A_144] {strides = array<i32>} : memref<256xf32, #tpu.memory_space<vmem>>, vector<16xf32>,
    %slice3A_146 = vector.extract_strided_slice %get3A_145 {offsets = [8], sizes = [1], strides = [1]} : vector<16xf32> to vector<1xf32>
    %squeeze3A_147 = vector.extract %slice3A_146[0] : f32 from vector<1xf32>
    %broadcast_in_dim3A_148 = vector.broadcast %squeeze3A_147 : f32 to vector<16xf32>
    %get3A_149 = arith.constant 240 : index
    %get3A_150 = tpu.vector_load %arg10[%get3A_149] {strides = array<i32>} : memref<256xf32, #tpu.memory_space<vmem>>, vector<16xf32>,
    %slice3A_151 = vector.extract_strided_slice %get3A_150 {offsets = [0], sizes = [1], strides = [1]} : vector<16xf32> to vector<1xf32>
    %squeeze3A_152 = vector.extract %slice3A_151[0] : f32 from vector<1xf32>
    %broadcast_in_dim3A_153 = vector.broadcast %squeeze3A_152 : f32 to vector<16xf32>
    %get3A_154 = arith.constant 240 : index
    %get3A_155 = tpu.vector_load %arg10[%get3A_154] {strides = array<i32>} : memref<256xf32, #tpu.memory_space<vmem>>, vector<16xf32>,
    %slice3A_156 = vector.extract_strided_slice %get3A_155 {offsets = [8], sizes = [1], strides = [1]} : vector<16xf32> to vector<1xf32>
    %squeeze3A_157 = vector.extract %slice3A_156[0] : f32 from vector<1xf32>
    %broadcast_in_dim3A_158 = vector.broadcast %squeeze3A_157 : f32 to vector<16xf32>
    %add3A_159 = arith.constant 0 : i32
    %add3A_160 = arith.addi %mul3A_2, %add3A_159 : i32
    %dma_start3A = arith.constant 0 : i32
    %dma_start3A_161 = tpu.memref_slice %arg2[%add3A_160, %dma_start3A] : memref<262144x256xf32, #tpu.memory_space<hbm>> -> memref<64x256xf32, #tpu.memory_space<hbm>>
    %dma_start3A_162 = arith.constant 0 : i32
    %dma_start3A_163 = tpu.memref_slice %arg2[%add3A_160, %dma_start3A_162] : memref<262144x256xf32, #tpu.memory_space<hbm>> -> memref<64x256xf32, #tpu.memory_space<hbm>>
    tpu.enqueue_dma source(%dma_start3A_163 : memref<64x256xf32, #tpu.memory_space<hbm>>) target(%arg5 : memref<64x256xf32, #tpu.memory_space<vmem>>) target_semaphore(%arg11 : memref<!tpu.dma_semaphore, #tpu.memory_space<semaphore_mem>>)
    %add3A_164 = arith.constant 64 : i32
    %add3A_165 = arith.addi %mul3A_2, %add3A_164 : i32
    %dma_start3A_166 = arith.constant 0 : i32
    %dma_start3A_167 = tpu.memref_slice %arg2[%add3A_165, %dma_start3A_166] : memref<262144x256xf32, #tpu.memory_space<hbm>> -> memref<64x256xf32, #tpu.memory_space<hbm>>
    %dma_start3A_168 = arith.constant 0 : i32
    %dma_start3A_169 = tpu.memref_slice %arg2[%add3A_165, %dma_start3A_168] : memref<262144x256xf32, #tpu.memory_space<hbm>> -> memref<64x256xf32, #tpu.memory_space<hbm>>
    tpu.enqueue_dma source(%dma_start3A_169 : memref<64x256xf32, #tpu.memory_space<hbm>>) target(%arg6 : memref<64x256xf32, #tpu.memory_space<vmem>>) target_semaphore(%arg12 : memref<!tpu.dma_semaphore, #tpu.memory_space<semaphore_mem>>)
    %add3A_170 = arith.constant 128 : i32
    %add3A_171 = arith.addi %mul3A_2, %add3A_170 : i32
    %dma_start3A_172 = arith.constant 0 : i32
    %dma_start3A_173 = tpu.memref_slice %arg2[%add3A_171, %dma_start3A_172] : memref<262144x256xf32, #tpu.memory_space<hbm>> -> memref<64x256xf32, #tpu.memory_space<hbm>>
    %dma_start3A_174 = arith.constant 0 : i32
    %dma_start3A_175 = tpu.memref_slice %arg2[%add3A_171, %dma_start3A_174] : memref<262144x256xf32, #tpu.memory_space<hbm>> -> memref<64x256xf32, #tpu.memory_space<hbm>>
    tpu.enqueue_dma source(%dma_start3A_175 : memref<64x256xf32, #tpu.memory_space<hbm>>) target(%arg7 : memref<64x256xf32, #tpu.memory_space<vmem>>) target_semaphore(%arg13 : memref<!tpu.dma_semaphore, #tpu.memory_space<semaphore_mem>>)
    %scan3A = arith.constant 0 : i32
    %scan3A_176 = arith.constant 0 : i32
    %scan3A_177 = arith.constant 19 : i32
    %scan3A_178 = arith.addi %scan3A_176, %scan3A_177 : i32
    %scan3A_179 = arith.constant 1 : i32
    scf.for %scan3A_181 = %scan3A_176 to %scan3A_178 step %scan3A_179  : i32 {
      %mul3A_182 = arith.constant 4 : i32
      %mul3A_183 = arith.muli %mul3A_182, %scan3A_181 : i32
      %add3A_184 = arith.constant 0 : i32
      %add3A_185 = arith.addi %mul3A_183, %add3A_184 : i32
      %dma_wait3A = arith.constant 0 : i32
      %dma_wait3A_186 = arith.constant 0 : i32
      %dma_wait3A_187 = tpu.memref_slice %arg2[%dma_wait3A, %dma_wait3A_186] : memref<262144x256xf32, #tpu.memory_space<hbm>> -> memref<64x256xf32, #tpu.memory_space<hbm>>
      %dma_wait3A_188 = arith.constant 0 : i32
      %dma_wait3A_189 = arith.constant 0 : i32
      %dma_wait3A_190 = tpu.memref_slice %arg2[%dma_wait3A_188, %dma_wait3A_189] : memref<262144x256xf32, #tpu.memory_space<hbm>> -> memref<64x256xf32, #tpu.memory_space<hbm>>
      tpu.wait_dma2 semaphore(%arg11 : memref<!tpu.dma_semaphore, #tpu.memory_space<semaphore_mem>>) src(%dma_wait3A_190 : memref<64x256xf32, #tpu.memory_space<hbm>>) dst(%arg5 : memref<64x256xf32, #tpu.memory_space<vmem>>)
      %add3A_191 = arith.constant 4 : i32
      %add3A_192 = arith.addi %add3A_185, %add3A_191 : i32
      %sub3A = arith.constant 1 : i32
      %sub3A_193 = arith.subi %add3A_192, %sub3A : i32
      %lt3A = arith.constant 76 : i32
      %lt3A_194 = arith.cmpi slt, %sub3A_193, %lt3A : i32
      %convert_element_type3A = arith.extui %lt3A_194 : i1 to i32
      %cond3A = arith.constant 0 : i32
      %cond3A_195 = arith.cmpi ne, %convert_element_type3A, %cond3A : i32
      scf.if %cond3A_195 {
        %mul3A_277 = arith.constant 64 : i32
        %mul3A_278 = arith.muli %sub3A_193, %mul3A_277 : i32
        %add3A_279 = arith.addi %mul3A_2, %mul3A_278 : i32
        %dma_start3A_280 = arith.constant 0 : i32
        %dma_start3A_281 = tpu.memref_slice %arg2[%add3A_279, %dma_start3A_280] : memref<262144x256xf32, #tpu.memory_space<hbm>> -> memref<64x256xf32, #tpu.memory_space<hbm>>
        %dma_start3A_282 = arith.constant 0 : i32
        %dma_start3A_283 = tpu.memref_slice %arg2[%add3A_279, %dma_start3A_282] : memref<262144x256xf32, #tpu.memory_space<hbm>> -> memref<64x256xf32, #tpu.memory_space<hbm>>
        tpu.enqueue_dma source(%dma_start3A_283 : memref<64x256xf32, #tpu.memory_space<hbm>>) target(%arg8 : memref<64x256xf32, #tpu.memory_space<vmem>>) target_semaphore(%arg14 : memref<!tpu.dma_semaphore, #tpu.memory_space<semaphore_mem>>)
      } else {
      }
      %scan3A_196 = arith.constant 0 : i32
      %scan3A_197 = arith.constant 0 : i32
      %scan3A_198 = arith.constant 4 : i32
      %scan3A_199 = arith.addi %scan3A_197, %scan3A_198 : i32
      %scan3A_200 = arith.constant 1 : i32
      scf.for %scan3A_277 = %scan3A_197 to %scan3A_199 step %scan3A_200  : i32 {
        %mul3A_278 = arith.constant 16 : i32
        %mul3A_279 = arith.muli %scan3A_277, %mul3A_278 : i32
        %add3A_280 = vector.broadcast %mul3A_279 : i32 to vector<16xi32>
        %add3A_281 = arith.addi %add3A_280, %iota3A : vector<16xi32>
        %broadcast_in_dim3A_282 = arith.constant 0x7F800000 : f32
        %broadcast_in_dim3A_283 = vector.broadcast %broadcast_in_dim3A_282 : f32 to vector<16xf32>
        %broadcast_in_dim3A_284 = arith.constant 0 : i32
        %broadcast_in_dim3A_285 = vector.broadcast %broadcast_in_dim3A_284 : i32 to vector<16xi32>
        %gather3A = tpu.vector_load_idx %arg5[%add3A_281, %broadcast_in_dim3A_285] : memref<64x256xf32, #tpu.memory_space<vmem>>[vector<16xi32>, vector<16xi32>], vector<16xf32>,
        %sub3A_286 = arith.subf %gather3A, %broadcast_in_dim3A : vector<16xf32>
        %min3A = arith.minimumf %broadcast_in_dim3A_283, %sub3A_286 : vector<16xf32>
        %broadcast_in_dim3A_287 = arith.constant 8 : i32
        %broadcast_in_dim3A_288 = vector.broadcast %broadcast_in_dim3A_287 : i32 to vector<16xi32>
        %gather3A_289 = tpu.vector_load_idx %arg5[%add3A_281, %broadcast_in_dim3A_288] : memref<64x256xf32, #tpu.memory_space<vmem>>[vector<16xi32>, vector<16xi32>], vector<16xf32>,
        %sub3A_290 = arith.subf %gather3A_289, %broadcast_in_dim3A_8 : vector<16xf32>
        %min3A_291 = arith.minimumf %min3A, %sub3A_290 : vector<16xf32>
        %broadcast_in_dim3A_292 = arith.constant 16 : i32
        %broadcast_in_dim3A_293 = vector.broadcast %broadcast_in_dim3A_292 : i32 to vector<16xi32>
        %gather3A_294 = tpu.vector_load_idx %arg5[%add3A_281, %broadcast_in_dim3A_293] : memref<64x256xf32, #tpu.memory_space<vmem>>[vector<16xi32>, vector<16xi32>], vector<16xf32>,
        %sub3A_295 = arith.subf %gather3A_294, %broadcast_in_dim3A_13 : vector<16xf32>
        %min3A_296 = arith.minimumf %min3A_291, %sub3A_295 : vector<16xf32>
        %broadcast_in_dim3A_297 = arith.constant 24 : i32
        %broadcast_in_dim3A_298 = vector.broadcast %broadcast_in_dim3A_297 : i32 to vector<16xi32>
        %gather3A_299 = tpu.vector_load_idx %arg5[%add3A_281, %broadcast_in_dim3A_298] : memref<64x256xf32, #tpu.memory_space<vmem>>[vector<16xi32>, vector<16xi32>], vector<16xf32>,
        %sub3A_300 = arith.subf %gather3A_299, %broadcast_in_dim3A_18 : vector<16xf32>
        %min3A_301 = arith.minimumf %min3A_296, %sub3A_300 : vector<16xf32>
        %broadcast_in_dim3A_302 = arith.constant 32 : i32
        %broadcast_in_dim3A_303 = vector.broadcast %broadcast_in_dim3A_302 : i32 to vector<16xi32>
        %gather3A_304 = tpu.vector_load_idx %arg5[%add3A_281, %broadcast_in_dim3A_303] : memref<64x256xf32, #tpu.memory_space<vmem>>[vector<16xi32>, vector<16xi32>], vector<16xf32>,
        %sub3A_305 = arith.subf %gather3A_304, %broadcast_in_dim3A_23 : vector<16xf32>
        %min3A_306 = arith.minimumf %min3A_301, %sub3A_305 : vector<16xf32>
        %broadcast_in_dim3A_307 = arith.constant 40 : i32
        %broadcast_in_dim3A_308 = vector.broadcast %broadcast_in_dim3A_307 : i32 to vector<16xi32>
        %gather3A_309 = tpu.vector_load_idx %arg5[%add3A_281, %broadcast_in_dim3A_308] : memref<64x256xf32, #tpu.memory_space<vmem>>[vector<16xi32>, vector<16xi32>], vector<16xf32>,
        %sub3A_310 = arith.subf %gather3A_309, %broadcast_in_dim3A_28 : vector<16xf32>
        %min3A_311 = arith.minimumf %min3A_306, %sub3A_310 : vector<16xf32>
        %broadcast_in_dim3A_312 = arith.constant 48 : i32
        %broadcast_in_dim3A_313 = vector.broadcast %broadcast_in_dim3A_312 : i32 to vector<16xi32>
        %gather3A_314 = tpu.vector_load_idx %arg5[%add3A_281, %broadcast_in_dim3A_313] : memref<64x256xf32, #tpu.memory_space<vmem>>[vector<16xi32>, vector<16xi32>], vector<16xf32>,
        %sub3A_315 = arith.subf %gather3A_314, %broadcast_in_dim3A_33 : vector<16xf32>
        %min3A_316 = arith.minimumf %min3A_311, %sub3A_315 : vector<16xf32>
        %broadcast_in_dim3A_317 = arith.constant 56 : i32
        %broadcast_in_dim3A_318 = vector.broadcast %broadcast_in_dim3A_317 : i32 to vector<16xi32>
        %gather3A_319 = tpu.vector_load_idx %arg5[%add3A_281, %broadcast_in_dim3A_318] : memref<64x256xf32, #tpu.memory_space<vmem>>[vector<16xi32>, vector<16xi32>], vector<16xf32>,
        %sub3A_320 = arith.subf %gather3A_319, %broadcast_in_dim3A_38 : vector<16xf32>
        %min3A_321 = arith.minimumf %min3A_316, %sub3A_320 : vector<16xf32>
        %broadcast_in_dim3A_322 = arith.constant 64 : i32
        %broadcast_in_dim3A_323 = vector.broadcast %broadcast_in_dim3A_322 : i32 to vector<16xi32>
        %gather3A_324 = tpu.vector_load_idx %arg5[%add3A_281, %broadcast_in_dim3A_323] : memref<64x256xf32, #tpu.memory_space<vmem>>[vector<16xi32>, vector<16xi32>], vector<16xf32>,
        %sub3A_325 = arith.subf %gather3A_324, %broadcast_in_dim3A_43 : vector<16xf32>
        %min3A_326 = arith.minimumf %min3A_321, %sub3A_325 : vector<16xf32>
        %broadcast_in_dim3A_327 = arith.constant 72 : i32
        %broadcast_in_dim3A_328 = vector.broadcast %broadcast_in_dim3A_327 : i32 to vector<16xi32>
        %gather3A_329 = tpu.vector_load_idx %arg5[%add3A_281, %broadcast_in_dim3A_328] : memref<64x256xf32, #tpu.memory_space<vmem>>[vector<16xi32>, vector<16xi32>], vector<16xf32>,
        %sub3A_330 = arith.subf %gather3A_329, %broadcast_in_dim3A_48 : vector<16xf32>
        %min3A_331 = arith.minimumf %min3A_326, %sub3A_330 : vector<16xf32>
        %broadcast_in_dim3A_332 = arith.constant 80 : i32
        %broadcast_in_dim3A_333 = vector.broadcast %broadcast_in_dim3A_332 : i32 to vector<16xi32>
        %gather3A_334 = tpu.vector_load_idx %arg5[%add3A_281, %broadcast_in_dim3A_333] : memref<64x256xf32, #tpu.memory_space<vmem>>[vector<16xi32>, vector<16xi32>], vector<16xf32>,
        %sub3A_335 = arith.subf %gather3A_334, %broadcast_in_dim3A_53 : vector<16xf32>
        %min3A_336 = arith.minimumf %min3A_331, %sub3A_335 : vector<16xf32>
        %broadcast_in_dim3A_337 = arith.constant 88 : i32
        %broadcast_in_dim3A_338 = vector.broadcast %broadcast_in_dim3A_337 : i32 to vector<16xi32>
        %gather3A_339 = tpu.vector_load_idx %arg5[%add3A_281, %broadcast_in_dim3A_338] : memref<64x256xf32, #tpu.memory_space<vmem>>[vector<16xi32>, vector<16xi32>], vector<16xf32>,
        %sub3A_340 = arith.subf %gather3A_339, %broadcast_in_dim3A_58 : vector<16xf32>
        %min3A_341 = arith.minimumf %min3A_336, %sub3A_340 : vector<16xf32>
        %broadcast_in_dim3A_342 = arith.constant 96 : i32
        %broadcast_in_dim3A_343 = vector.broadcast %broadcast_in_dim3A_342 : i32 to vector<16xi32>
        %gather3A_344 = tpu.vector_load_idx %arg5[%add3A_281, %broadcast_in_dim3A_343] : memref<64x256xf32, #tpu.memory_space<vmem>>[vector<16xi32>, vector<16xi32>], vector<16xf32>,
        %sub3A_345 = arith.subf %gather3A_344, %broadcast_in_dim3A_63 : vector<16xf32>
        %min3A_346 = arith.minimumf %min3A_341, %sub3A_345 : vector<16xf32>
        %broadcast_in_dim3A_347 = arith.constant 104 : i32
        %broadcast_in_dim3A_348 = vector.broadcast %broadcast_in_dim3A_347 : i32 to vector<16xi32>
        %gather3A_349 = tpu.vector_load_idx %arg5[%add3A_281, %broadcast_in_dim3A_348] : memref<64x256xf32, #tpu.memory_space<vmem>>[vector<16xi32>, vector<16xi32>], vector<16xf32>,
        %sub3A_350 = arith.subf %gather3A_349, %broadcast_in_dim3A_68 : vector<16xf32>
        %min3A_351 = arith.minimumf %min3A_346, %sub3A_350 : vector<16xf32>
        %broadcast_in_dim3A_352 = arith.constant 112 : i32
        %broadcast_in_dim3A_353 = vector.broadcast %broadcast_in_dim3A_352 : i32 to vector<16xi32>
        %gather3A_354 = tpu.vector_load_idx %arg5[%add3A_281, %broadcast_in_dim3A_353] : memref<64x256xf32, #tpu.memory_space<vmem>>[vector<16xi32>, vector<16xi32>], vector<16xf32>,
        %sub3A_355 = arith.subf %gather3A_354, %broadcast_in_dim3A_73 : vector<16xf32>
        %min3A_356 = arith.minimumf %min3A_351, %sub3A_355 : vector<16xf32>
        %broadcast_in_dim3A_357 = arith.constant 120 : i32
        %broadcast_in_dim3A_358 = vector.broadcast %broadcast_in_dim3A_357 : i32 to vector<16xi32>
        %gather3A_359 = tpu.vector_load_idx %arg5[%add3A_281, %broadcast_in_dim3A_358] : memref<64x256xf32, #tpu.memory_space<vmem>>[vector<16xi32>, vector<16xi32>], vector<16xf32>,
        %sub3A_360 = arith.subf %gather3A_359, %broadcast_in_dim3A_78 : vector<16xf32>
        %min3A_361 = arith.minimumf %min3A_356, %sub3A_360 : vector<16xf32>
        %broadcast_in_dim3A_362 = arith.constant 128 : i32
        %broadcast_in_dim3A_363 = vector.broadcast %broadcast_in_dim3A_362 : i32 to vector<16xi32>
        %gather3A_364 = tpu.vector_load_idx %arg5[%add3A_281, %broadcast_in_dim3A_363] : memref<64x256xf32, #tpu.memory_space<vmem>>[vector<16xi32>, vector<16xi32>], vector<16xf32>,
        %sub3A_365 = arith.subf %gather3A_364, %broadcast_in_dim3A_83 : vector<16xf32>
        %min3A_366 = arith.minimumf %min3A_361, %sub3A_365 : vector<16xf32>
        %broadcast_in_dim3A_367 = arith.constant 136 : i32
        %broadcast_in_dim3A_368 = vector.broadcast %broadcast_in_dim3A_367 : i32 to vector<16xi32>
        %gather3A_369 = tpu.vector_load_idx %arg5[%add3A_281, %broadcast_in_dim3A_368] : memref<64x256xf32, #tpu.memory_space<vmem>>[vector<16xi32>, vector<16xi32>], vector<16xf32>,
        %sub3A_370 = arith.subf %gather3A_369, %broadcast_in_dim3A_88 : vector<16xf32>
        %min3A_371 = arith.minimumf %min3A_366, %sub3A_370 : vector<16xf32>
        %broadcast_in_dim3A_372 = arith.constant 144 : i32
        %broadcast_in_dim3A_373 = vector.broadcast %broadcast_in_dim3A_372 : i32 to vector<16xi32>
        %gather3A_374 = tpu.vector_load_idx %arg5[%add3A_281, %broadcast_in_dim3A_373] : memref<64x256xf32, #tpu.memory_space<vmem>>[vector<16xi32>, vector<16xi32>], vector<16xf32>,
        %sub3A_375 = arith.subf %gather3A_374, %broadcast_in_dim3A_93 : vector<16xf32>
        %min3A_376 = arith.minimumf %min3A_371, %sub3A_375 : vector<16xf32>
        %broadcast_in_dim3A_377 = arith.constant 152 : i32
        %broadcast_in_dim3A_378 = vector.broadcast %broadcast_in_dim3A_377 : i32 to vector<16xi32>
        %gather3A_379 = tpu.vector_load_idx %arg5[%add3A_281, %broadcast_in_dim3A_378] : memref<64x256xf32, #tpu.memory_space<vmem>>[vector<16xi32>, vector<16xi32>], vector<16xf32>,
        %sub3A_380 = arith.subf %gather3A_379, %broadcast_in_dim3A_98 : vector<16xf32>
        %min3A_381 = arith.minimumf %min3A_376, %sub3A_380 : vector<16xf32>
        %broadcast_in_dim3A_382 = arith.constant 160 : i32
        %broadcast_in_dim3A_383 = vector.broadcast %broadcast_in_dim3A_382 : i32 to vector<16xi32>
        %gather3A_384 = tpu.vector_load_idx %arg5[%add3A_281, %broadcast_in_dim3A_383] : memref<64x256xf32, #tpu.memory_space<vmem>>[vector<16xi32>, vector<16xi32>], vector<16xf32>,
        %sub3A_385 = arith.subf %gather3A_384, %broadcast_in_dim3A_103 : vector<16xf32>
        %min3A_386 = arith.minimumf %min3A_381, %sub3A_385 : vector<16xf32>
        %broadcast_in_dim3A_387 = arith.constant 168 : i32
        %broadcast_in_dim3A_388 = vector.broadcast %broadcast_in_dim3A_387 : i32 to vector<16xi32>
        %gather3A_389 = tpu.vector_load_idx %arg5[%add3A_281, %broadcast_in_dim3A_388] : memref<64x256xf32, #tpu.memory_space<vmem>>[vector<16xi32>, vector<16xi32>], vector<16xf32>,
        %sub3A_390 = arith.subf %gather3A_389, %broadcast_in_dim3A_108 : vector<16xf32>
        %min3A_391 = arith.minimumf %min3A_386, %sub3A_390 : vector<16xf32>
        %broadcast_in_dim3A_392 = arith.constant 176 : i32
        %broadcast_in_dim3A_393 = vector.broadcast %broadcast_in_dim3A_392 : i32 to vector<16xi32>
        %gather3A_394 = tpu.vector_load_idx %arg5[%add3A_281, %broadcast_in_dim3A_393] : memref<64x256xf32, #tpu.memory_space<vmem>>[vector<16xi32>, vector<16xi32>], vector<16xf32>,
        %sub3A_395 = arith.subf %gather3A_394, %broadcast_in_dim3A_113 : vector<16xf32>
        %min3A_396 = arith.minimumf %min3A_391, %sub3A_395 : vector<16xf32>
        %broadcast_in_dim3A_397 = arith.constant 184 : i32
        %broadcast_in_dim3A_398 = vector.broadcast %broadcast_in_dim3A_397 : i32 to vector<16xi32>
        %gather3A_399 = tpu.vector_load_idx %arg5[%add3A_281, %broadcast_in_dim3A_398] : memref<64x256xf32, #tpu.memory_space<vmem>>[vector<16xi32>, vector<16xi32>], vector<16xf32>,
        %sub3A_400 = arith.subf %gather3A_399, %broadcast_in_dim3A_118 : vector<16xf32>
        %min3A_401 = arith.minimumf %min3A_396, %sub3A_400 : vector<16xf32>
        %broadcast_in_dim3A_402 = arith.constant 192 : i32
        %broadcast_in_dim3A_403 = vector.broadcast %broadcast_in_dim3A_402 : i32 to vector<16xi32>
        %gather3A_404 = tpu.vector_load_idx %arg5[%add3A_281, %broadcast_in_dim3A_403] : memref<64x256xf32, #tpu.memory_space<vmem>>[vector<16xi32>, vector<16xi32>], vector<16xf32>,
        %sub3A_405 = arith.subf %gather3A_404, %broadcast_in_dim3A_123 : vector<16xf32>
        %min3A_406 = arith.minimumf %min3A_401, %sub3A_405 : vector<16xf32>
        %broadcast_in_dim3A_407 = arith.constant 200 : i32
        %broadcast_in_dim3A_408 = vector.broadcast %broadcast_in_dim3A_407 : i32 to vector<16xi32>
        %gather3A_409 = tpu.vector_load_idx %arg5[%add3A_281, %broadcast_in_dim3A_408] : memref<64x256xf32, #tpu.memory_space<vmem>>[vector<16xi32>, vector<16xi32>], vector<16xf32>,
        %sub3A_410 = arith.subf %gather3A_409, %broadcast_in_dim3A_128 : vector<16xf32>
        %min3A_411 = arith.minimumf %min3A_406, %sub3A_410 : vector<16xf32>
        %broadcast_in_dim3A_412 = arith.constant 208 : i32
        %broadcast_in_dim3A_413 = vector.broadcast %broadcast_in_dim3A_412 : i32 to vector<16xi32>
        %gather3A_414 = tpu.vector_load_idx %arg5[%add3A_281, %broadcast_in_dim3A_413] : memref<64x256xf32, #tpu.memory_space<vmem>>[vector<16xi32>, vector<16xi32>], vector<16xf32>,
        %sub3A_415 = arith.subf %gather3A_414, %broadcast_in_dim3A_133 : vector<16xf32>
        %min3A_416 = arith.minimumf %min3A_411, %sub3A_415 : vector<16xf32>
        %broadcast_in_dim3A_417 = arith.constant 216 : i32
        %broadcast_in_dim3A_418 = vector.broadcast %broadcast_in_dim3A_417 : i32 to vector<16xi32>
        %gather3A_419 = tpu.vector_load_idx %arg5[%add3A_281, %broadcast_in_dim3A_418] : memref<64x256xf32, #tpu.memory_space<vmem>>[vector<16xi32>, vector<16xi32>], vector<16xf32>,
        %sub3A_420 = arith.subf %gather3A_419, %broadcast_in_dim3A_138 : vector<16xf32>
        %min3A_421 = arith.minimumf %min3A_416, %sub3A_420 : vector<16xf32>
        %broadcast_in_dim3A_422 = arith.constant 224 : i32
        %broadcast_in_dim3A_423 = vector.broadcast %broadcast_in_dim3A_422 : i32 to vector<16xi32>
        %gather3A_424 = tpu.vector_load_idx %arg5[%add3A_281, %broadcast_in_dim3A_423] : memref<64x256xf32, #tpu.memory_space<vmem>>[vector<16xi32>, vector<16xi32>], vector<16xf32>,
        %sub3A_425 = arith.subf %gather3A_424, %broadcast_in_dim3A_143 : vector<16xf32>
        %min3A_426 = arith.minimumf %min3A_421, %sub3A_425 : vector<16xf32>
        %broadcast_in_dim3A_427 = arith.constant 232 : i32
        %broadcast_in_dim3A_428 = vector.broadcast %broadcast_in_dim3A_427 : i32 to vector<16xi32>
        %gather3A_429 = tpu.vector_load_idx %arg5[%add3A_281, %broadcast_in_dim3A_428] : memref<64x256xf32, #tpu.memory_space<vmem>>[vector<16xi32>, vector<16xi32>], vector<16xf32>,
        %sub3A_430 = arith.subf %gather3A_429, %broadcast_in_dim3A_148 : vector<16xf32>
        %min3A_431 = arith.minimumf %min3A_426, %sub3A_430 : vector<16xf32>
        %broadcast_in_dim3A_432 = arith.constant 240 : i32
        %broadcast_in_dim3A_433 = vector.broadcast %broadcast_in_dim3A_432 : i32 to vector<16xi32>
        %gather3A_434 = tpu.vector_load_idx %arg5[%add3A_281, %broadcast_in_dim3A_433] : memref<64x256xf32, #tpu.memory_space<vmem>>[vector<16xi32>, vector<16xi32>], vector<16xf32>,
        %sub3A_435 = arith.subf %gather3A_434, %broadcast_in_dim3A_153 : vector<16xf32>
        %min3A_436 = arith.minimumf %min3A_431, %sub3A_435 : vector<16xf32>
        %broadcast_in_dim3A_437 = arith.constant 248 : i32
        %broadcast_in_dim3A_438 = vector.broadcast %broadcast_in_dim3A_437 : i32 to vector<16xi32>
        %gather3A_439 = tpu.vector_load_idx %arg5[%add3A_281, %broadcast_in_dim3A_438] : memref<64x256xf32, #tpu.memory_space<vmem>>[vector<16xi32>, vector<16xi32>], vector<16xf32>,
        %sub3A_440 = arith.subf %gather3A_439, %broadcast_in_dim3A_158 : vector<16xf32>
        %min3A_441 = arith.minimumf %min3A_436, %sub3A_440 : vector<16xf32>
        %gt3A = arith.constant 0.000000e+00 : f32
        %gt3A_442 = vector.broadcast %gt3A : f32 to vector<16xf32>
        %gt3A_443 = arith.cmpf ogt, %min3A_441, %gt3A_442 : vector<16xf32>
        %jit3A = arith.constant 1 : i32
        %jit3A_444 = arith.constant 0 : i32
        %broadcast_in_dim3A_445 = vector.broadcast %jit3A : i32 to vector<16xi32>
        %broadcast_in_dim3A_446 = vector.broadcast %jit3A_444 : i32 to vector<16xi32>
        %select_n3A = arith.select %gt3A_443, %broadcast_in_dim3A_445, %broadcast_in_dim3A_446 : vector<16xi1>, vector<16xi32>
        %mul3A_447 = arith.constant 64 : i32
        %mul3A_448 = arith.muli %add3A_185, %mul3A_447 : i32
        %mul3A_449 = arith.constant 16 : i32
        %mul3A_450 = arith.muli %scan3A_277, %mul3A_449 : i32
        %add3A_451 = arith.addi %mul3A_448, %mul3A_450 : i32
        %swap3A = arith.index_cast %add3A_451 : i32 to index
        %swap3A_452 = tpu.vector_load %arg9[%swap3A] {strides = array<i32>} : memref<4864xi32, #tpu.memory_space<vmem>>, vector<16xi32>,
        tpu.vector_store %arg9[%swap3A], %select_n3A {strides = array<i32>} : memref<4864xi32, #tpu.memory_space<vmem>>, vector<16xi32>,
      }
      %scan3A_201 = arith.constant 4 : i32
      %mul3A_202 = arith.constant 4 : i32
      %mul3A_203 = arith.muli %mul3A_202, %scan3A_181 : i32
      %add3A_204 = arith.constant 1 : i32
      %add3A_205 = arith.addi %mul3A_203, %add3A_204 : i32
      %dma_wait3A_206 = arith.constant 0 : i32
      %dma_wait3A_207 = arith.constant 0 : i32
      %dma_wait3A_208 = tpu.memref_slice %arg2[%dma_wait3A_206, %dma_wait3A_207] : memref<262144x256xf32, #tpu.memory_space<hbm>> -> memref<64x256xf32, #tpu.memory_space<hbm>>
      %dma_wait3A_209 = arith.constant 0 : i32
      %dma_wait3A_210 = arith.constant 0 : i32
      %dma_wait3A_211 = tpu.memref_slice %arg2[%dma_wait3A_209, %dma_wait3A_210] : memref<262144x256xf32, #tpu.memory_space<hbm>> -> memref<64x256xf32, #tpu.memory_space<hbm>>
      tpu.wait_dma2 semaphore(%arg12 : memref<!tpu.dma_semaphore, #tpu.memory_space<semaphore_mem>>) src(%dma_wait3A_211 : memref<64x256xf32, #tpu.memory_space<hbm>>) dst(%arg6 : memref<64x256xf32, #tpu.memory_space<vmem>>)
      %add3A_212 = arith.constant 4 : i32
      %add3A_213 = arith.addi %add3A_205, %add3A_212 : i32
      %sub3A_214 = arith.constant 1 : i32
      %sub3A_215 = arith.subi %add3A_213, %sub3A_214 : i32
      %lt3A_216 = arith.constant 76 : i32
      %lt3A_217 = arith.cmpi slt, %sub3A_215, %lt3A_216 : i32
      %convert_element_type3A_218 = arith.extui %lt3A_217 : i1 to i32
      %cond3A_219 = arith.constant 0 : i32
      %cond3A_220 = arith.cmpi ne, %convert_element_type3A_218, %cond3A_219 : i32
      scf.if %cond3A_220 {
        %mul3A_277 = arith.constant 64 : i32
        %mul3A_278 = arith.muli %sub3A_215, %mul3A_277 : i32
        %add3A_279 = arith.addi %mul3A_2, %mul3A_278 : i32
        %dma_start3A_280 = arith.constant 0 : i32
        %dma_start3A_281 = tpu.memref_slice %arg2[%add3A_279, %dma_start3A_280] : memref<262144x256xf32, #tpu.memory_space<hbm>> -> memref<64x256xf32, #tpu.memory_space<hbm>>
        %dma_start3A_282 = arith.constant 0 : i32
        %dma_start3A_283 = tpu.memref_slice %arg2[%add3A_279, %dma_start3A_282] : memref<262144x256xf32, #tpu.memory_space<hbm>> -> memref<64x256xf32, #tpu.memory_space<hbm>>
        tpu.enqueue_dma source(%dma_start3A_283 : memref<64x256xf32, #tpu.memory_space<hbm>>) target(%arg5 : memref<64x256xf32, #tpu.memory_space<vmem>>) target_semaphore(%arg11 : memref<!tpu.dma_semaphore, #tpu.memory_space<semaphore_mem>>)
      } else {
      }
      %scan3A_221 = arith.constant 0 : i32
      %scan3A_222 = arith.constant 0 : i32
      %scan3A_223 = arith.constant 4 : i32
      %scan3A_224 = arith.addi %scan3A_222, %scan3A_223 : i32
      %scan3A_225 = arith.constant 1 : i32
      scf.for %scan3A_277 = %scan3A_222 to %scan3A_224 step %scan3A_225  : i32 {
        %mul3A_278 = arith.constant 16 : i32
        %mul3A_279 = arith.muli %scan3A_277, %mul3A_278 : i32
        %add3A_280 = vector.broadcast %mul3A_279 : i32 to vector<16xi32>
        %add3A_281 = arith.addi %add3A_280, %iota3A : vector<16xi32>
        %broadcast_in_dim3A_282 = arith.constant 0x7F800000 : f32
        %broadcast_in_dim3A_283 = vector.broadcast %broadcast_in_dim3A_282 : f32 to vector<16xf32>
        %broadcast_in_dim3A_284 = arith.constant 0 : i32
        %broadcast_in_dim3A_285 = vector.broadcast %broadcast_in_dim3A_284 : i32 to vector<16xi32>
        %gather3A = tpu.vector_load_idx %arg6[%add3A_281, %broadcast_in_dim3A_285] : memref<64x256xf32, #tpu.memory_space<vmem>>[vector<16xi32>, vector<16xi32>], vector<16xf32>,
        %sub3A_286 = arith.subf %gather3A, %broadcast_in_dim3A : vector<16xf32>
        %min3A = arith.minimumf %broadcast_in_dim3A_283, %sub3A_286 : vector<16xf32>
        %broadcast_in_dim3A_287 = arith.constant 8 : i32
        %broadcast_in_dim3A_288 = vector.broadcast %broadcast_in_dim3A_287 : i32 to vector<16xi32>
        %gather3A_289 = tpu.vector_load_idx %arg6[%add3A_281, %broadcast_in_dim3A_288] : memref<64x256xf32, #tpu.memory_space<vmem>>[vector<16xi32>, vector<16xi32>], vector<16xf32>,
        %sub3A_290 = arith.subf %gather3A_289, %broadcast_in_dim3A_8 : vector<16xf32>
        %min3A_291 = arith.minimumf %min3A, %sub3A_290 : vector<16xf32>
        %broadcast_in_dim3A_292 = arith.constant 16 : i32
        %broadcast_in_dim3A_293 = vector.broadcast %broadcast_in_dim3A_292 : i32 to vector<16xi32>
        %gather3A_294 = tpu.vector_load_idx %arg6[%add3A_281, %broadcast_in_dim3A_293] : memref<64x256xf32, #tpu.memory_space<vmem>>[vector<16xi32>, vector<16xi32>], vector<16xf32>,
        %sub3A_295 = arith.subf %gather3A_294, %broadcast_in_dim3A_13 : vector<16xf32>
        %min3A_296 = arith.minimumf %min3A_291, %sub3A_295 : vector<16xf32>
        %broadcast_in_dim3A_297 = arith.constant 24 : i32
        %broadcast_in_dim3A_298 = vector.broadcast %broadcast_in_dim3A_297 : i32 to vector<16xi32>
        %gather3A_299 = tpu.vector_load_idx %arg6[%add3A_281, %broadcast_in_dim3A_298] : memref<64x256xf32, #tpu.memory_space<vmem>>[vector<16xi32>, vector<16xi32>], vector<16xf32>,
        %sub3A_300 = arith.subf %gather3A_299, %broadcast_in_dim3A_18 : vector<16xf32>
        %min3A_301 = arith.minimumf %min3A_296, %sub3A_300 : vector<16xf32>
        %broadcast_in_dim3A_302 = arith.constant 32 : i32
        %broadcast_in_dim3A_303 = vector.broadcast %broadcast_in_dim3A_302 : i32 to vector<16xi32>
        %gather3A_304 = tpu.vector_load_idx %arg6[%add3A_281, %broadcast_in_dim3A_303] : memref<64x256xf32, #tpu.memory_space<vmem>>[vector<16xi32>, vector<16xi32>], vector<16xf32>,
        %sub3A_305 = arith.subf %gather3A_304, %broadcast_in_dim3A_23 : vector<16xf32>
        %min3A_306 = arith.minimumf %min3A_301, %sub3A_305 : vector<16xf32>
        %broadcast_in_dim3A_307 = arith.constant 40 : i32
        %broadcast_in_dim3A_308 = vector.broadcast %broadcast_in_dim3A_307 : i32 to vector<16xi32>
        %gather3A_309 = tpu.vector_load_idx %arg6[%add3A_281, %broadcast_in_dim3A_308] : memref<64x256xf32, #tpu.memory_space<vmem>>[vector<16xi32>, vector<16xi32>], vector<16xf32>,
        %sub3A_310 = arith.subf %gather3A_309, %broadcast_in_dim3A_28 : vector<16xf32>
        %min3A_311 = arith.minimumf %min3A_306, %sub3A_310 : vector<16xf32>
        %broadcast_in_dim3A_312 = arith.constant 48 : i32
        %broadcast_in_dim3A_313 = vector.broadcast %broadcast_in_dim3A_312 : i32 to vector<16xi32>
        %gather3A_314 = tpu.vector_load_idx %arg6[%add3A_281, %broadcast_in_dim3A_313] : memref<64x256xf32, #tpu.memory_space<vmem>>[vector<16xi32>, vector<16xi32>], vector<16xf32>,
        %sub3A_315 = arith.subf %gather3A_314, %broadcast_in_dim3A_33 : vector<16xf32>
        %min3A_316 = arith.minimumf %min3A_311, %sub3A_315 : vector<16xf32>
        %broadcast_in_dim3A_317 = arith.constant 56 : i32
        %broadcast_in_dim3A_318 = vector.broadcast %broadcast_in_dim3A_317 : i32 to vector<16xi32>
        %gather3A_319 = tpu.vector_load_idx %arg6[%add3A_281, %broadcast_in_dim3A_318] : memref<64x256xf32, #tpu.memory_space<vmem>>[vector<16xi32>, vector<16xi32>], vector<16xf32>,
        %sub3A_320 = arith.subf %gather3A_319, %broadcast_in_dim3A_38 : vector<16xf32>
        %min3A_321 = arith.minimumf %min3A_316, %sub3A_320 : vector<16xf32>
        %broadcast_in_dim3A_322 = arith.constant 64 : i32
        %broadcast_in_dim3A_323 = vector.broadcast %broadcast_in_dim3A_322 : i32 to vector<16xi32>
        %gather3A_324 = tpu.vector_load_idx %arg6[%add3A_281, %broadcast_in_dim3A_323] : memref<64x256xf32, #tpu.memory_space<vmem>>[vector<16xi32>, vector<16xi32>], vector<16xf32>,
        %sub3A_325 = arith.subf %gather3A_324, %broadcast_in_dim3A_43 : vector<16xf32>
        %min3A_326 = arith.minimumf %min3A_321, %sub3A_325 : vector<16xf32>
        %broadcast_in_dim3A_327 = arith.constant 72 : i32
        %broadcast_in_dim3A_328 = vector.broadcast %broadcast_in_dim3A_327 : i32 to vector<16xi32>
        %gather3A_329 = tpu.vector_load_idx %arg6[%add3A_281, %broadcast_in_dim3A_328] : memref<64x256xf32, #tpu.memory_space<vmem>>[vector<16xi32>, vector<16xi32>], vector<16xf32>,
        %sub3A_330 = arith.subf %gather3A_329, %broadcast_in_dim3A_48 : vector<16xf32>
        %min3A_331 = arith.minimumf %min3A_326, %sub3A_330 : vector<16xf32>
        %broadcast_in_dim3A_332 = arith.constant 80 : i32
        %broadcast_in_dim3A_333 = vector.broadcast %broadcast_in_dim3A_332 : i32 to vector<16xi32>
        %gather3A_334 = tpu.vector_load_idx %arg6[%add3A_281, %broadcast_in_dim3A_333] : memref<64x256xf32, #tpu.memory_space<vmem>>[vector<16xi32>, vector<16xi32>], vector<16xf32>,
        %sub3A_335 = arith.subf %gather3A_334, %broadcast_in_dim3A_53 : vector<16xf32>
        %min3A_336 = arith.minimumf %min3A_331, %sub3A_335 : vector<16xf32>
        %broadcast_in_dim3A_337 = arith.constant 88 : i32
        %broadcast_in_dim3A_338 = vector.broadcast %broadcast_in_dim3A_337 : i32 to vector<16xi32>
        %gather3A_339 = tpu.vector_load_idx %arg6[%add3A_281, %broadcast_in_dim3A_338] : memref<64x256xf32, #tpu.memory_space<vmem>>[vector<16xi32>, vector<16xi32>], vector<16xf32>,
        %sub3A_340 = arith.subf %gather3A_339, %broadcast_in_dim3A_58 : vector<16xf32>
        %min3A_341 = arith.minimumf %min3A_336, %sub3A_340 : vector<16xf32>
        %broadcast_in_dim3A_342 = arith.constant 96 : i32
        %broadcast_in_dim3A_343 = vector.broadcast %broadcast_in_dim3A_342 : i32 to vector<16xi32>
        %gather3A_344 = tpu.vector_load_idx %arg6[%add3A_281, %broadcast_in_dim3A_343] : memref<64x256xf32, #tpu.memory_space<vmem>>[vector<16xi32>, vector<16xi32>], vector<16xf32>,
        %sub3A_345 = arith.subf %gather3A_344, %broadcast_in_dim3A_63 : vector<16xf32>
        %min3A_346 = arith.minimumf %min3A_341, %sub3A_345 : vector<16xf32>
        %broadcast_in_dim3A_347 = arith.constant 104 : i32
        %broadcast_in_dim3A_348 = vector.broadcast %broadcast_in_dim3A_347 : i32 to vector<16xi32>
        %gather3A_349 = tpu.vector_load_idx %arg6[%add3A_281, %broadcast_in_dim3A_348] : memref<64x256xf32, #tpu.memory_space<vmem>>[vector<16xi32>, vector<16xi32>], vector<16xf32>,
        %sub3A_350 = arith.subf %gather3A_349, %broadcast_in_dim3A_68 : vector<16xf32>
        %min3A_351 = arith.minimumf %min3A_346, %sub3A_350 : vector<16xf32>
        %broadcast_in_dim3A_352 = arith.constant 112 : i32
        %broadcast_in_dim3A_353 = vector.broadcast %broadcast_in_dim3A_352 : i32 to vector<16xi32>
        %gather3A_354 = tpu.vector_load_idx %arg6[%add3A_281, %broadcast_in_dim3A_353] : memref<64x256xf32, #tpu.memory_space<vmem>>[vector<16xi32>, vector<16xi32>], vector<16xf32>,
        %sub3A_355 = arith.subf %gather3A_354, %broadcast_in_dim3A_73 : vector<16xf32>
        %min3A_356 = arith.minimumf %min3A_351, %sub3A_355 : vector<16xf32>
        %broadcast_in_dim3A_357 = arith.constant 120 : i32
        %broadcast_in_dim3A_358 = vector.broadcast %broadcast_in_dim3A_357 : i32 to vector<16xi32>
        %gather3A_359 = tpu.vector_load_idx %arg6[%add3A_281, %broadcast_in_dim3A_358] : memref<64x256xf32, #tpu.memory_space<vmem>>[vector<16xi32>, vector<16xi32>], vector<16xf32>,
        %sub3A_360 = arith.subf %gather3A_359, %broadcast_in_dim3A_78 : vector<16xf32>
        %min3A_361 = arith.minimumf %min3A_356, %sub3A_360 : vector<16xf32>
        %broadcast_in_dim3A_362 = arith.constant 128 : i32
        %broadcast_in_dim3A_363 = vector.broadcast %broadcast_in_dim3A_362 : i32 to vector<16xi32>
        %gather3A_364 = tpu.vector_load_idx %arg6[%add3A_281, %broadcast_in_dim3A_363] : memref<64x256xf32, #tpu.memory_space<vmem>>[vector<16xi32>, vector<16xi32>], vector<16xf32>,
        %sub3A_365 = arith.subf %gather3A_364, %broadcast_in_dim3A_83 : vector<16xf32>
        %min3A_366 = arith.minimumf %min3A_361, %sub3A_365 : vector<16xf32>
        %broadcast_in_dim3A_367 = arith.constant 136 : i32
        %broadcast_in_dim3A_368 = vector.broadcast %broadcast_in_dim3A_367 : i32 to vector<16xi32>
        %gather3A_369 = tpu.vector_load_idx %arg6[%add3A_281, %broadcast_in_dim3A_368] : memref<64x256xf32, #tpu.memory_space<vmem>>[vector<16xi32>, vector<16xi32>], vector<16xf32>,
        %sub3A_370 = arith.subf %gather3A_369, %broadcast_in_dim3A_88 : vector<16xf32>
        %min3A_371 = arith.minimumf %min3A_366, %sub3A_370 : vector<16xf32>
        %broadcast_in_dim3A_372 = arith.constant 144 : i32
        %broadcast_in_dim3A_373 = vector.broadcast %broadcast_in_dim3A_372 : i32 to vector<16xi32>
        %gather3A_374 = tpu.vector_load_idx %arg6[%add3A_281, %broadcast_in_dim3A_373] : memref<64x256xf32, #tpu.memory_space<vmem>>[vector<16xi32>, vector<16xi32>], vector<16xf32>,
        %sub3A_375 = arith.subf %gather3A_374, %broadcast_in_dim3A_93 : vector<16xf32>
        %min3A_376 = arith.minimumf %min3A_371, %sub3A_375 : vector<16xf32>
        %broadcast_in_dim3A_377 = arith.constant 152 : i32
        %broadcast_in_dim3A_378 = vector.broadcast %broadcast_in_dim3A_377 : i32 to vector<16xi32>
        %gather3A_379 = tpu.vector_load_idx %arg6[%add3A_281, %broadcast_in_dim3A_378] : memref<64x256xf32, #tpu.memory_space<vmem>>[vector<16xi32>, vector<16xi32>], vector<16xf32>,
        %sub3A_380 = arith.subf %gather3A_379, %broadcast_in_dim3A_98 : vector<16xf32>
        %min3A_381 = arith.minimumf %min3A_376, %sub3A_380 : vector<16xf32>
        %broadcast_in_dim3A_382 = arith.constant 160 : i32
        %broadcast_in_dim3A_383 = vector.broadcast %broadcast_in_dim3A_382 : i32 to vector<16xi32>
        %gather3A_384 = tpu.vector_load_idx %arg6[%add3A_281, %broadcast_in_dim3A_383] : memref<64x256xf32, #tpu.memory_space<vmem>>[vector<16xi32>, vector<16xi32>], vector<16xf32>,
        %sub3A_385 = arith.subf %gather3A_384, %broadcast_in_dim3A_103 : vector<16xf32>
        %min3A_386 = arith.minimumf %min3A_381, %sub3A_385 : vector<16xf32>
        %broadcast_in_dim3A_387 = arith.constant 168 : i32
        %broadcast_in_dim3A_388 = vector.broadcast %broadcast_in_dim3A_387 : i32 to vector<16xi32>
        %gather3A_389 = tpu.vector_load_idx %arg6[%add3A_281, %broadcast_in_dim3A_388] : memref<64x256xf32, #tpu.memory_space<vmem>>[vector<16xi32>, vector<16xi32>], vector<16xf32>,
        %sub3A_390 = arith.subf %gather3A_389, %broadcast_in_dim3A_108 : vector<16xf32>
        %min3A_391 = arith.minimumf %min3A_386, %sub3A_390 : vector<16xf32>
        %broadcast_in_dim3A_392 = arith.constant 176 : i32
        %broadcast_in_dim3A_393 = vector.broadcast %broadcast_in_dim3A_392 : i32 to vector<16xi32>
        %gather3A_394 = tpu.vector_load_idx %arg6[%add3A_281, %broadcast_in_dim3A_393] : memref<64x256xf32, #tpu.memory_space<vmem>>[vector<16xi32>, vector<16xi32>], vector<16xf32>,
        %sub3A_395 = arith.subf %gather3A_394, %broadcast_in_dim3A_113 : vector<16xf32>
        %min3A_396 = arith.minimumf %min3A_391, %sub3A_395 : vector<16xf32>
        %broadcast_in_dim3A_397 = arith.constant 184 : i32
        %broadcast_in_dim3A_398 = vector.broadcast %broadcast_in_dim3A_397 : i32 to vector<16xi32>
        %gather3A_399 = tpu.vector_load_idx %arg6[%add3A_281, %broadcast_in_dim3A_398] : memref<64x256xf32, #tpu.memory_space<vmem>>[vector<16xi32>, vector<16xi32>], vector<16xf32>,
        %sub3A_400 = arith.subf %gather3A_399, %broadcast_in_dim3A_118 : vector<16xf32>
        %min3A_401 = arith.minimumf %min3A_396, %sub3A_400 : vector<16xf32>
        %broadcast_in_dim3A_402 = arith.constant 192 : i32
        %broadcast_in_dim3A_403 = vector.broadcast %broadcast_in_dim3A_402 : i32 to vector<16xi32>
        %gather3A_404 = tpu.vector_load_idx %arg6[%add3A_281, %broadcast_in_dim3A_403] : memref<64x256xf32, #tpu.memory_space<vmem>>[vector<16xi32>, vector<16xi32>], vector<16xf32>,
        %sub3A_405 = arith.subf %gather3A_404, %broadcast_in_dim3A_123 : vector<16xf32>
        %min3A_406 = arith.minimumf %min3A_401, %sub3A_405 : vector<16xf32>
        %broadcast_in_dim3A_407 = arith.constant 200 : i32
        %broadcast_in_dim3A_408 = vector.broadcast %broadcast_in_dim3A_407 : i32 to vector<16xi32>
        %gather3A_409 = tpu.vector_load_idx %arg6[%add3A_281, %broadcast_in_dim3A_408] : memref<64x256xf32, #tpu.memory_space<vmem>>[vector<16xi32>, vector<16xi32>], vector<16xf32>,
        %sub3A_410 = arith.subf %gather3A_409, %broadcast_in_dim3A_128 : vector<16xf32>
        %min3A_411 = arith.minimumf %min3A_406, %sub3A_410 : vector<16xf32>
        %broadcast_in_dim3A_412 = arith.constant 208 : i32
        %broadcast_in_dim3A_413 = vector.broadcast %broadcast_in_dim3A_412 : i32 to vector<16xi32>
        %gather3A_414 = tpu.vector_load_idx %arg6[%add3A_281, %broadcast_in_dim3A_413] : memref<64x256xf32, #tpu.memory_space<vmem>>[vector<16xi32>, vector<16xi32>], vector<16xf32>,
        %sub3A_415 = arith.subf %gather3A_414, %broadcast_in_dim3A_133 : vector<16xf32>
        %min3A_416 = arith.minimumf %min3A_411, %sub3A_415 : vector<16xf32>
        %broadcast_in_dim3A_417 = arith.constant 216 : i32
        %broadcast_in_dim3A_418 = vector.broadcast %broadcast_in_dim3A_417 : i32 to vector<16xi32>
        %gather3A_419 = tpu.vector_load_idx %arg6[%add3A_281, %broadcast_in_dim3A_418] : memref<64x256xf32, #tpu.memory_space<vmem>>[vector<16xi32>, vector<16xi32>], vector<16xf32>,
        %sub3A_420 = arith.subf %gather3A_419, %broadcast_in_dim3A_138 : vector<16xf32>
        %min3A_421 = arith.minimumf %min3A_416, %sub3A_420 : vector<16xf32>
        %broadcast_in_dim3A_422 = arith.constant 224 : i32
        %broadcast_in_dim3A_423 = vector.broadcast %broadcast_in_dim3A_422 : i32 to vector<16xi32>
        %gather3A_424 = tpu.vector_load_idx %arg6[%add3A_281, %broadcast_in_dim3A_423] : memref<64x256xf32, #tpu.memory_space<vmem>>[vector<16xi32>, vector<16xi32>], vector<16xf32>,
        %sub3A_425 = arith.subf %gather3A_424, %broadcast_in_dim3A_143 : vector<16xf32>
        %min3A_426 = arith.minimumf %min3A_421, %sub3A_425 : vector<16xf32>
        %broadcast_in_dim3A_427 = arith.constant 232 : i32
        %broadcast_in_dim3A_428 = vector.broadcast %broadcast_in_dim3A_427 : i32 to vector<16xi32>
        %gather3A_429 = tpu.vector_load_idx %arg6[%add3A_281, %broadcast_in_dim3A_428] : memref<64x256xf32, #tpu.memory_space<vmem>>[vector<16xi32>, vector<16xi32>], vector<16xf32>,
        %sub3A_430 = arith.subf %gather3A_429, %broadcast_in_dim3A_148 : vector<16xf32>
        %min3A_431 = arith.minimumf %min3A_426, %sub3A_430 : vector<16xf32>
        %broadcast_in_dim3A_432 = arith.constant 240 : i32
        %broadcast_in_dim3A_433 = vector.broadcast %broadcast_in_dim3A_432 : i32 to vector<16xi32>
        %gather3A_434 = tpu.vector_load_idx %arg6[%add3A_281, %broadcast_in_dim3A_433] : memref<64x256xf32, #tpu.memory_space<vmem>>[vector<16xi32>, vector<16xi32>], vector<16xf32>,
        %sub3A_435 = arith.subf %gather3A_434, %broadcast_in_dim3A_153 : vector<16xf32>
        %min3A_436 = arith.minimumf %min3A_431, %sub3A_435 : vector<16xf32>
        %broadcast_in_dim3A_437 = arith.constant 248 : i32
        %broadcast_in_dim3A_438 = vector.broadcast %broadcast_in_dim3A_437 : i32 to vector<16xi32>
        %gather3A_439 = tpu.vector_load_idx %arg6[%add3A_281, %broadcast_in_dim3A_438] : memref<64x256xf32, #tpu.memory_space<vmem>>[vector<16xi32>, vector<16xi32>], vector<16xf32>,
        %sub3A_440 = arith.subf %gather3A_439, %broadcast_in_dim3A_158 : vector<16xf32>
        %min3A_441 = arith.minimumf %min3A_436, %sub3A_440 : vector<16xf32>
        %gt3A = arith.constant 0.000000e+00 : f32
        %gt3A_442 = vector.broadcast %gt3A : f32 to vector<16xf32>
        %gt3A_443 = arith.cmpf ogt, %min3A_441, %gt3A_442 : vector<16xf32>
        %jit3A = arith.constant 1 : i32
        %jit3A_444 = arith.constant 0 : i32
        %broadcast_in_dim3A_445 = vector.broadcast %jit3A : i32 to vector<16xi32>
        %broadcast_in_dim3A_446 = vector.broadcast %jit3A_444 : i32 to vector<16xi32>
        %select_n3A = arith.select %gt3A_443, %broadcast_in_dim3A_445, %broadcast_in_dim3A_446 : vector<16xi1>, vector<16xi32>
        %mul3A_447 = arith.constant 64 : i32
        %mul3A_448 = arith.muli %add3A_205, %mul3A_447 : i32
        %mul3A_449 = arith.constant 16 : i32
        %mul3A_450 = arith.muli %scan3A_277, %mul3A_449 : i32
        %add3A_451 = arith.addi %mul3A_448, %mul3A_450 : i32
        %swap3A = arith.index_cast %add3A_451 : i32 to index
        %swap3A_452 = tpu.vector_load %arg9[%swap3A] {strides = array<i32>} : memref<4864xi32, #tpu.memory_space<vmem>>, vector<16xi32>,
        tpu.vector_store %arg9[%swap3A], %select_n3A {strides = array<i32>} : memref<4864xi32, #tpu.memory_space<vmem>>, vector<16xi32>,
      }
      %scan3A_226 = arith.constant 4 : i32
      %mul3A_227 = arith.constant 4 : i32
      %mul3A_228 = arith.muli %mul3A_227, %scan3A_181 : i32
      %add3A_229 = arith.constant 2 : i32
      %add3A_230 = arith.addi %mul3A_228, %add3A_229 : i32
      %dma_wait3A_231 = arith.constant 0 : i32
      %dma_wait3A_232 = arith.constant 0 : i32
      %dma_wait3A_233 = tpu.memref_slice %arg2[%dma_wait3A_231, %dma_wait3A_232] : memref<262144x256xf32, #tpu.memory_space<hbm>> -> memref<64x256xf32, #tpu.memory_space<hbm>>
      %dma_wait3A_234 = arith.constant 0 : i32
      %dma_wait3A_235 = arith.constant 0 : i32
      %dma_wait3A_236 = tpu.memref_slice %arg2[%dma_wait3A_234, %dma_wait3A_235] : memref<262144x256xf32, #tpu.memory_space<hbm>> -> memref<64x256xf32, #tpu.memory_space<hbm>>
      tpu.wait_dma2 semaphore(%arg13 : memref<!tpu.dma_semaphore, #tpu.memory_space<semaphore_mem>>) src(%dma_wait3A_236 : memref<64x256xf32, #tpu.memory_space<hbm>>) dst(%arg7 : memref<64x256xf32, #tpu.memory_space<vmem>>)
      %add3A_237 = arith.constant 4 : i32
      %add3A_238 = arith.addi %add3A_230, %add3A_237 : i32
      %sub3A_239 = arith.constant 1 : i32
      %sub3A_240 = arith.subi %add3A_238, %sub3A_239 : i32
      %lt3A_241 = arith.constant 76 : i32
      %lt3A_242 = arith.cmpi slt, %sub3A_240, %lt3A_241 : i32
      %convert_element_type3A_243 = arith.extui %lt3A_242 : i1 to i32
      %cond3A_244 = arith.constant 0 : i32
      %cond3A_245 = arith.cmpi ne, %convert_element_type3A_243, %cond3A_244 : i32
      scf.if %cond3A_245 {
        %mul3A_277 = arith.constant 64 : i32
        %mul3A_278 = arith.muli %sub3A_240, %mul3A_277 : i32
        %add3A_279 = arith.addi %mul3A_2, %mul3A_278 : i32
        %dma_start3A_280 = arith.constant 0 : i32
        %dma_start3A_281 = tpu.memref_slice %arg2[%add3A_279, %dma_start3A_280] : memref<262144x256xf32, #tpu.memory_space<hbm>> -> memref<64x256xf32, #tpu.memory_space<hbm>>
        %dma_start3A_282 = arith.constant 0 : i32
        %dma_start3A_283 = tpu.memref_slice %arg2[%add3A_279, %dma_start3A_282] : memref<262144x256xf32, #tpu.memory_space<hbm>> -> memref<64x256xf32, #tpu.memory_space<hbm>>
        tpu.enqueue_dma source(%dma_start3A_283 : memref<64x256xf32, #tpu.memory_space<hbm>>) target(%arg6 : memref<64x256xf32, #tpu.memory_space<vmem>>) target_semaphore(%arg12 : memref<!tpu.dma_semaphore, #tpu.memory_space<semaphore_mem>>)
      } else {
      }
      %scan3A_246 = arith.constant 0 : i32
      %scan3A_247 = arith.constant 0 : i32
      %scan3A_248 = arith.constant 4 : i32
      %scan3A_249 = arith.addi %scan3A_247, %scan3A_248 : i32
      %scan3A_250 = arith.constant 1 : i32
      scf.for %scan3A_277 = %scan3A_247 to %scan3A_249 step %scan3A_250  : i32 {
        %mul3A_278 = arith.constant 16 : i32
        %mul3A_279 = arith.muli %scan3A_277, %mul3A_278 : i32
        %add3A_280 = vector.broadcast %mul3A_279 : i32 to vector<16xi32>
        %add3A_281 = arith.addi %add3A_280, %iota3A : vector<16xi32>
        %broadcast_in_dim3A_282 = arith.constant 0x7F800000 : f32
        %broadcast_in_dim3A_283 = vector.broadcast %broadcast_in_dim3A_282 : f32 to vector<16xf32>
        %broadcast_in_dim3A_284 = arith.constant 0 : i32
        %broadcast_in_dim3A_285 = vector.broadcast %broadcast_in_dim3A_284 : i32 to vector<16xi32>
        %gather3A = tpu.vector_load_idx %arg7[%add3A_281, %broadcast_in_dim3A_285] : memref<64x256xf32, #tpu.memory_space<vmem>>[vector<16xi32>, vector<16xi32>], vector<16xf32>,
        %sub3A_286 = arith.subf %gather3A, %broadcast_in_dim3A : vector<16xf32>
        %min3A = arith.minimumf %broadcast_in_dim3A_283, %sub3A_286 : vector<16xf32>
        %broadcast_in_dim3A_287 = arith.constant 8 : i32
        %broadcast_in_dim3A_288 = vector.broadcast %broadcast_in_dim3A_287 : i32 to vector<16xi32>
        %gather3A_289 = tpu.vector_load_idx %arg7[%add3A_281, %broadcast_in_dim3A_288] : memref<64x256xf32, #tpu.memory_space<vmem>>[vector<16xi32>, vector<16xi32>], vector<16xf32>,
        %sub3A_290 = arith.subf %gather3A_289, %broadcast_in_dim3A_8 : vector<16xf32>
        %min3A_291 = arith.minimumf %min3A, %sub3A_290 : vector<16xf32>
        %broadcast_in_dim3A_292 = arith.constant 16 : i32
        %broadcast_in_dim3A_293 = vector.broadcast %broadcast_in_dim3A_292 : i32 to vector<16xi32>
        %gather3A_294 = tpu.vector_load_idx %arg7[%add3A_281, %broadcast_in_dim3A_293] : memref<64x256xf32, #tpu.memory_space<vmem>>[vector<16xi32>, vector<16xi32>], vector<16xf32>,
        %sub3A_295 = arith.subf %gather3A_294, %broadcast_in_dim3A_13 : vector<16xf32>
        %min3A_296 = arith.minimumf %min3A_291, %sub3A_295 : vector<16xf32>
        %broadcast_in_dim3A_297 = arith.constant 24 : i32
        %broadcast_in_dim3A_298 = vector.broadcast %broadcast_in_dim3A_297 : i32 to vector<16xi32>
        %gather3A_299 = tpu.vector_load_idx %arg7[%add3A_281, %broadcast_in_dim3A_298] : memref<64x256xf32, #tpu.memory_space<vmem>>[vector<16xi32>, vector<16xi32>], vector<16xf32>,
        %sub3A_300 = arith.subf %gather3A_299, %broadcast_in_dim3A_18 : vector<16xf32>
        %min3A_301 = arith.minimumf %min3A_296, %sub3A_300 : vector<16xf32>
        %broadcast_in_dim3A_302 = arith.constant 32 : i32
        %broadcast_in_dim3A_303 = vector.broadcast %broadcast_in_dim3A_302 : i32 to vector<16xi32>
        %gather3A_304 = tpu.vector_load_idx %arg7[%add3A_281, %broadcast_in_dim3A_303] : memref<64x256xf32, #tpu.memory_space<vmem>>[vector<16xi32>, vector<16xi32>], vector<16xf32>,
        %sub3A_305 = arith.subf %gather3A_304, %broadcast_in_dim3A_23 : vector<16xf32>
        %min3A_306 = arith.minimumf %min3A_301, %sub3A_305 : vector<16xf32>
        %broadcast_in_dim3A_307 = arith.constant 40 : i32
        %broadcast_in_dim3A_308 = vector.broadcast %broadcast_in_dim3A_307 : i32 to vector<16xi32>
        %gather3A_309 = tpu.vector_load_idx %arg7[%add3A_281, %broadcast_in_dim3A_308] : memref<64x256xf32, #tpu.memory_space<vmem>>[vector<16xi32>, vector<16xi32>], vector<16xf32>,
        %sub3A_310 = arith.subf %gather3A_309, %broadcast_in_dim3A_28 : vector<16xf32>
        %min3A_311 = arith.minimumf %min3A_306, %sub3A_310 : vector<16xf32>
        %broadcast_in_dim3A_312 = arith.constant 48 : i32
        %broadcast_in_dim3A_313 = vector.broadcast %broadcast_in_dim3A_312 : i32 to vector<16xi32>
        %gather3A_314 = tpu.vector_load_idx %arg7[%add3A_281, %broadcast_in_dim3A_313] : memref<64x256xf32, #tpu.memory_space<vmem>>[vector<16xi32>, vector<16xi32>], vector<16xf32>,
        %sub3A_315 = arith.subf %gather3A_314, %broadcast_in_dim3A_33 : vector<16xf32>
        %min3A_316 = arith.minimumf %min3A_311, %sub3A_315 : vector<16xf32>
        %broadcast_in_dim3A_317 = arith.constant 56 : i32
        %broadcast_in_dim3A_318 = vector.broadcast %broadcast_in_dim3A_317 : i32 to vector<16xi32>
        %gather3A_319 = tpu.vector_load_idx %arg7[%add3A_281, %broadcast_in_dim3A_318] : memref<64x256xf32, #tpu.memory_space<vmem>>[vector<16xi32>, vector<16xi32>], vector<16xf32>,
        %sub3A_320 = arith.subf %gather3A_319, %broadcast_in_dim3A_38 : vector<16xf32>
        %min3A_321 = arith.minimumf %min3A_316, %sub3A_320 : vector<16xf32>
        %broadcast_in_dim3A_322 = arith.constant 64 : i32
        %broadcast_in_dim3A_323 = vector.broadcast %broadcast_in_dim3A_322 : i32 to vector<16xi32>
        %gather3A_324 = tpu.vector_load_idx %arg7[%add3A_281, %broadcast_in_dim3A_323] : memref<64x256xf32, #tpu.memory_space<vmem>>[vector<16xi32>, vector<16xi32>], vector<16xf32>,
        %sub3A_325 = arith.subf %gather3A_324, %broadcast_in_dim3A_43 : vector<16xf32>
        %min3A_326 = arith.minimumf %min3A_321, %sub3A_325 : vector<16xf32>
        %broadcast_in_dim3A_327 = arith.constant 72 : i32
        %broadcast_in_dim3A_328 = vector.broadcast %broadcast_in_dim3A_327 : i32 to vector<16xi32>
        %gather3A_329 = tpu.vector_load_idx %arg7[%add3A_281, %broadcast_in_dim3A_328] : memref<64x256xf32, #tpu.memory_space<vmem>>[vector<16xi32>, vector<16xi32>], vector<16xf32>,
        %sub3A_330 = arith.subf %gather3A_329, %broadcast_in_dim3A_48 : vector<16xf32>
        %min3A_331 = arith.minimumf %min3A_326, %sub3A_330 : vector<16xf32>
        %broadcast_in_dim3A_332 = arith.constant 80 : i32
        %broadcast_in_dim3A_333 = vector.broadcast %broadcast_in_dim3A_332 : i32 to vector<16xi32>
        %gather3A_334 = tpu.vector_load_idx %arg7[%add3A_281, %broadcast_in_dim3A_333] : memref<64x256xf32, #tpu.memory_space<vmem>>[vector<16xi32>, vector<16xi32>], vector<16xf32>,
        %sub3A_335 = arith.subf %gather3A_334, %broadcast_in_dim3A_53 : vector<16xf32>
        %min3A_336 = arith.minimumf %min3A_331, %sub3A_335 : vector<16xf32>
        %broadcast_in_dim3A_337 = arith.constant 88 : i32
        %broadcast_in_dim3A_338 = vector.broadcast %broadcast_in_dim3A_337 : i32 to vector<16xi32>
        %gather3A_339 = tpu.vector_load_idx %arg7[%add3A_281, %broadcast_in_dim3A_338] : memref<64x256xf32, #tpu.memory_space<vmem>>[vector<16xi32>, vector<16xi32>], vector<16xf32>,
        %sub3A_340 = arith.subf %gather3A_339, %broadcast_in_dim3A_58 : vector<16xf32>
        %min3A_341 = arith.minimumf %min3A_336, %sub3A_340 : vector<16xf32>
        %broadcast_in_dim3A_342 = arith.constant 96 : i32
        %broadcast_in_dim3A_343 = vector.broadcast %broadcast_in_dim3A_342 : i32 to vector<16xi32>
        %gather3A_344 = tpu.vector_load_idx %arg7[%add3A_281, %broadcast_in_dim3A_343] : memref<64x256xf32, #tpu.memory_space<vmem>>[vector<16xi32>, vector<16xi32>], vector<16xf32>,
        %sub3A_345 = arith.subf %gather3A_344, %broadcast_in_dim3A_63 : vector<16xf32>
        %min3A_346 = arith.minimumf %min3A_341, %sub3A_345 : vector<16xf32>
        %broadcast_in_dim3A_347 = arith.constant 104 : i32
        %broadcast_in_dim3A_348 = vector.broadcast %broadcast_in_dim3A_347 : i32 to vector<16xi32>
        %gather3A_349 = tpu.vector_load_idx %arg7[%add3A_281, %broadcast_in_dim3A_348] : memref<64x256xf32, #tpu.memory_space<vmem>>[vector<16xi32>, vector<16xi32>], vector<16xf32>,
        %sub3A_350 = arith.subf %gather3A_349, %broadcast_in_dim3A_68 : vector<16xf32>
        %min3A_351 = arith.minimumf %min3A_346, %sub3A_350 : vector<16xf32>
        %broadcast_in_dim3A_352 = arith.constant 112 : i32
        %broadcast_in_dim3A_353 = vector.broadcast %broadcast_in_dim3A_352 : i32 to vector<16xi32>
        %gather3A_354 = tpu.vector_load_idx %arg7[%add3A_281, %broadcast_in_dim3A_353] : memref<64x256xf32, #tpu.memory_space<vmem>>[vector<16xi32>, vector<16xi32>], vector<16xf32>,
        %sub3A_355 = arith.subf %gather3A_354, %broadcast_in_dim3A_73 : vector<16xf32>
        %min3A_356 = arith.minimumf %min3A_351, %sub3A_355 : vector<16xf32>
        %broadcast_in_dim3A_357 = arith.constant 120 : i32
        %broadcast_in_dim3A_358 = vector.broadcast %broadcast_in_dim3A_357 : i32 to vector<16xi32>
        %gather3A_359 = tpu.vector_load_idx %arg7[%add3A_281, %broadcast_in_dim3A_358] : memref<64x256xf32, #tpu.memory_space<vmem>>[vector<16xi32>, vector<16xi32>], vector<16xf32>,
        %sub3A_360 = arith.subf %gather3A_359, %broadcast_in_dim3A_78 : vector<16xf32>
        %min3A_361 = arith.minimumf %min3A_356, %sub3A_360 : vector<16xf32>
        %broadcast_in_dim3A_362 = arith.constant 128 : i32
        %broadcast_in_dim3A_363 = vector.broadcast %broadcast_in_dim3A_362 : i32 to vector<16xi32>
        %gather3A_364 = tpu.vector_load_idx %arg7[%add3A_281, %broadcast_in_dim3A_363] : memref<64x256xf32, #tpu.memory_space<vmem>>[vector<16xi32>, vector<16xi32>], vector<16xf32>,
        %sub3A_365 = arith.subf %gather3A_364, %broadcast_in_dim3A_83 : vector<16xf32>
        %min3A_366 = arith.minimumf %min3A_361, %sub3A_365 : vector<16xf32>
        %broadcast_in_dim3A_367 = arith.constant 136 : i32
        %broadcast_in_dim3A_368 = vector.broadcast %broadcast_in_dim3A_367 : i32 to vector<16xi32>
        %gather3A_369 = tpu.vector_load_idx %arg7[%add3A_281, %broadcast_in_dim3A_368] : memref<64x256xf32, #tpu.memory_space<vmem>>[vector<16xi32>, vector<16xi32>], vector<16xf32>,
        %sub3A_370 = arith.subf %gather3A_369, %broadcast_in_dim3A_88 : vector<16xf32>
        %min3A_371 = arith.minimumf %min3A_366, %sub3A_370 : vector<16xf32>
        %broadcast_in_dim3A_372 = arith.constant 144 : i32
        %broadcast_in_dim3A_373 = vector.broadcast %broadcast_in_dim3A_372 : i32 to vector<16xi32>
        %gather3A_374 = tpu.vector_load_idx %arg7[%add3A_281, %broadcast_in_dim3A_373] : memref<64x256xf32, #tpu.memory_space<vmem>>[vector<16xi32>, vector<16xi32>], vector<16xf32>,
        %sub3A_375 = arith.subf %gather3A_374, %broadcast_in_dim3A_93 : vector<16xf32>
        %min3A_376 = arith.minimumf %min3A_371, %sub3A_375 : vector<16xf32>
        %broadcast_in_dim3A_377 = arith.constant 152 : i32
        %broadcast_in_dim3A_378 = vector.broadcast %broadcast_in_dim3A_377 : i32 to vector<16xi32>
        %gather3A_379 = tpu.vector_load_idx %arg7[%add3A_281, %broadcast_in_dim3A_378] : memref<64x256xf32, #tpu.memory_space<vmem>>[vector<16xi32>, vector<16xi32>], vector<16xf32>,
        %sub3A_380 = arith.subf %gather3A_379, %broadcast_in_dim3A_98 : vector<16xf32>
        %min3A_381 = arith.minimumf %min3A_376, %sub3A_380 : vector<16xf32>
        %broadcast_in_dim3A_382 = arith.constant 160 : i32
        %broadcast_in_dim3A_383 = vector.broadcast %broadcast_in_dim3A_382 : i32 to vector<16xi32>
        %gather3A_384 = tpu.vector_load_idx %arg7[%add3A_281, %broadcast_in_dim3A_383] : memref<64x256xf32, #tpu.memory_space<vmem>>[vector<16xi32>, vector<16xi32>], vector<16xf32>,
        %sub3A_385 = arith.subf %gather3A_384, %broadcast_in_dim3A_103 : vector<16xf32>
        %min3A_386 = arith.minimumf %min3A_381, %sub3A_385 : vector<16xf32>
        %broadcast_in_dim3A_387 = arith.constant 168 : i32
        %broadcast_in_dim3A_388 = vector.broadcast %broadcast_in_dim3A_387 : i32 to vector<16xi32>
        %gather3A_389 = tpu.vector_load_idx %arg7[%add3A_281, %broadcast_in_dim3A_388] : memref<64x256xf32, #tpu.memory_space<vmem>>[vector<16xi32>, vector<16xi32>], vector<16xf32>,
        %sub3A_390 = arith.subf %gather3A_389, %broadcast_in_dim3A_108 : vector<16xf32>
        %min3A_391 = arith.minimumf %min3A_386, %sub3A_390 : vector<16xf32>
        %broadcast_in_dim3A_392 = arith.constant 176 : i32
        %broadcast_in_dim3A_393 = vector.broadcast %broadcast_in_dim3A_392 : i32 to vector<16xi32>
        %gather3A_394 = tpu.vector_load_idx %arg7[%add3A_281, %broadcast_in_dim3A_393] : memref<64x256xf32, #tpu.memory_space<vmem>>[vector<16xi32>, vector<16xi32>], vector<16xf32>,
        %sub3A_395 = arith.subf %gather3A_394, %broadcast_in_dim3A_113 : vector<16xf32>
        %min3A_396 = arith.minimumf %min3A_391, %sub3A_395 : vector<16xf32>
        %broadcast_in_dim3A_397 = arith.constant 184 : i32
        %broadcast_in_dim3A_398 = vector.broadcast %broadcast_in_dim3A_397 : i32 to vector<16xi32>
        %gather3A_399 = tpu.vector_load_idx %arg7[%add3A_281, %broadcast_in_dim3A_398] : memref<64x256xf32, #tpu.memory_space<vmem>>[vector<16xi32>, vector<16xi32>], vector<16xf32>,
        %sub3A_400 = arith.subf %gather3A_399, %broadcast_in_dim3A_118 : vector<16xf32>
        %min3A_401 = arith.minimumf %min3A_396, %sub3A_400 : vector<16xf32>
        %broadcast_in_dim3A_402 = arith.constant 192 : i32
        %broadcast_in_dim3A_403 = vector.broadcast %broadcast_in_dim3A_402 : i32 to vector<16xi32>
        %gather3A_404 = tpu.vector_load_idx %arg7[%add3A_281, %broadcast_in_dim3A_403] : memref<64x256xf32, #tpu.memory_space<vmem>>[vector<16xi32>, vector<16xi32>], vector<16xf32>,
        %sub3A_405 = arith.subf %gather3A_404, %broadcast_in_dim3A_123 : vector<16xf32>
        %min3A_406 = arith.minimumf %min3A_401, %sub3A_405 : vector<16xf32>
        %broadcast_in_dim3A_407 = arith.constant 200 : i32
        %broadcast_in_dim3A_408 = vector.broadcast %broadcast_in_dim3A_407 : i32 to vector<16xi32>
        %gather3A_409 = tpu.vector_load_idx %arg7[%add3A_281, %broadcast_in_dim3A_408] : memref<64x256xf32, #tpu.memory_space<vmem>>[vector<16xi32>, vector<16xi32>], vector<16xf32>,
        %sub3A_410 = arith.subf %gather3A_409, %broadcast_in_dim3A_128 : vector<16xf32>
        %min3A_411 = arith.minimumf %min3A_406, %sub3A_410 : vector<16xf32>
        %broadcast_in_dim3A_412 = arith.constant 208 : i32
        %broadcast_in_dim3A_413 = vector.broadcast %broadcast_in_dim3A_412 : i32 to vector<16xi32>
        %gather3A_414 = tpu.vector_load_idx %arg7[%add3A_281, %broadcast_in_dim3A_413] : memref<64x256xf32, #tpu.memory_space<vmem>>[vector<16xi32>, vector<16xi32>], vector<16xf32>,
        %sub3A_415 = arith.subf %gather3A_414, %broadcast_in_dim3A_133 : vector<16xf32>
        %min3A_416 = arith.minimumf %min3A_411, %sub3A_415 : vector<16xf32>
        %broadcast_in_dim3A_417 = arith.constant 216 : i32
        %broadcast_in_dim3A_418 = vector.broadcast %broadcast_in_dim3A_417 : i32 to vector<16xi32>
        %gather3A_419 = tpu.vector_load_idx %arg7[%add3A_281, %broadcast_in_dim3A_418] : memref<64x256xf32, #tpu.memory_space<vmem>>[vector<16xi32>, vector<16xi32>], vector<16xf32>,
        %sub3A_420 = arith.subf %gather3A_419, %broadcast_in_dim3A_138 : vector<16xf32>
        %min3A_421 = arith.minimumf %min3A_416, %sub3A_420 : vector<16xf32>
        %broadcast_in_dim3A_422 = arith.constant 224 : i32
        %broadcast_in_dim3A_423 = vector.broadcast %broadcast_in_dim3A_422 : i32 to vector<16xi32>
        %gather3A_424 = tpu.vector_load_idx %arg7[%add3A_281, %broadcast_in_dim3A_423] : memref<64x256xf32, #tpu.memory_space<vmem>>[vector<16xi32>, vector<16xi32>], vector<16xf32>,
        %sub3A_425 = arith.subf %gather3A_424, %broadcast_in_dim3A_143 : vector<16xf32>
        %min3A_426 = arith.minimumf %min3A_421, %sub3A_425 : vector<16xf32>
        %broadcast_in_dim3A_427 = arith.constant 232 : i32
        %broadcast_in_dim3A_428 = vector.broadcast %broadcast_in_dim3A_427 : i32 to vector<16xi32>
        %gather3A_429 = tpu.vector_load_idx %arg7[%add3A_281, %broadcast_in_dim3A_428] : memref<64x256xf32, #tpu.memory_space<vmem>>[vector<16xi32>, vector<16xi32>], vector<16xf32>,
        %sub3A_430 = arith.subf %gather3A_429, %broadcast_in_dim3A_148 : vector<16xf32>
        %min3A_431 = arith.minimumf %min3A_426, %sub3A_430 : vector<16xf32>
        %broadcast_in_dim3A_432 = arith.constant 240 : i32
        %broadcast_in_dim3A_433 = vector.broadcast %broadcast_in_dim3A_432 : i32 to vector<16xi32>
        %gather3A_434 = tpu.vector_load_idx %arg7[%add3A_281, %broadcast_in_dim3A_433] : memref<64x256xf32, #tpu.memory_space<vmem>>[vector<16xi32>, vector<16xi32>], vector<16xf32>,
        %sub3A_435 = arith.subf %gather3A_434, %broadcast_in_dim3A_153 : vector<16xf32>
        %min3A_436 = arith.minimumf %min3A_431, %sub3A_435 : vector<16xf32>
        %broadcast_in_dim3A_437 = arith.constant 248 : i32
        %broadcast_in_dim3A_438 = vector.broadcast %broadcast_in_dim3A_437 : i32 to vector<16xi32>
        %gather3A_439 = tpu.vector_load_idx %arg7[%add3A_281, %broadcast_in_dim3A_438] : memref<64x256xf32, #tpu.memory_space<vmem>>[vector<16xi32>, vector<16xi32>], vector<16xf32>,
        %sub3A_440 = arith.subf %gather3A_439, %broadcast_in_dim3A_158 : vector<16xf32>
        %min3A_441 = arith.minimumf %min3A_436, %sub3A_440 : vector<16xf32>
        %gt3A = arith.constant 0.000000e+00 : f32
        %gt3A_442 = vector.broadcast %gt3A : f32 to vector<16xf32>
        %gt3A_443 = arith.cmpf ogt, %min3A_441, %gt3A_442 : vector<16xf32>
        %jit3A = arith.constant 1 : i32
        %jit3A_444 = arith.constant 0 : i32
        %broadcast_in_dim3A_445 = vector.broadcast %jit3A : i32 to vector<16xi32>
        %broadcast_in_dim3A_446 = vector.broadcast %jit3A_444 : i32 to vector<16xi32>
        %select_n3A = arith.select %gt3A_443, %broadcast_in_dim3A_445, %broadcast_in_dim3A_446 : vector<16xi1>, vector<16xi32>
        %mul3A_447 = arith.constant 64 : i32
        %mul3A_448 = arith.muli %add3A_230, %mul3A_447 : i32
        %mul3A_449 = arith.constant 16 : i32
        %mul3A_450 = arith.muli %scan3A_277, %mul3A_449 : i32
        %add3A_451 = arith.addi %mul3A_448, %mul3A_450 : i32
        %swap3A = arith.index_cast %add3A_451 : i32 to index
        %swap3A_452 = tpu.vector_load %arg9[%swap3A] {strides = array<i32>} : memref<4864xi32, #tpu.memory_space<vmem>>, vector<16xi32>,
        tpu.vector_store %arg9[%swap3A], %select_n3A {strides = array<i32>} : memref<4864xi32, #tpu.memory_space<vmem>>, vector<16xi32>,
      }
      %scan3A_251 = arith.constant 4 : i32
      %mul3A_252 = arith.constant 4 : i32
      %mul3A_253 = arith.muli %mul3A_252, %scan3A_181 : i32
      %add3A_254 = arith.constant 3 : i32
      %add3A_255 = arith.addi %mul3A_253, %add3A_254 : i32
      %dma_wait3A_256 = arith.constant 0 : i32
      %dma_wait3A_257 = arith.constant 0 : i32
      %dma_wait3A_258 = tpu.memref_slice %arg2[%dma_wait3A_256, %dma_wait3A_257] : memref<262144x256xf32, #tpu.memory_space<hbm>> -> memref<64x256xf32, #tpu.memory_space<hbm>>
      %dma_wait3A_259 = arith.constant 0 : i32
      %dma_wait3A_260 = arith.constant 0 : i32
      %dma_wait3A_261 = tpu.memref_slice %arg2[%dma_wait3A_259, %dma_wait3A_260] : memref<262144x256xf32, #tpu.memory_space<hbm>> -> memref<64x256xf32, #tpu.memory_space<hbm>>
      tpu.wait_dma2 semaphore(%arg14 : memref<!tpu.dma_semaphore, #tpu.memory_space<semaphore_mem>>) src(%dma_wait3A_261 : memref<64x256xf32, #tpu.memory_space<hbm>>) dst(%arg8 : memref<64x256xf32, #tpu.memory_space<vmem>>)
      %add3A_262 = arith.constant 4 : i32
      %add3A_263 = arith.addi %add3A_255, %add3A_262 : i32
      %sub3A_264 = arith.constant 1 : i32
      %sub3A_265 = arith.subi %add3A_263, %sub3A_264 : i32
      %lt3A_266 = arith.constant 76 : i32
      %lt3A_267 = arith.cmpi slt, %sub3A_265, %lt3A_266 : i32
      %convert_element_type3A_268 = arith.extui %lt3A_267 : i1 to i32
      %cond3A_269 = arith.constant 0 : i32
      %cond3A_270 = arith.cmpi ne, %convert_element_type3A_268, %cond3A_269 : i32
      scf.if %cond3A_270 {
        %mul3A_277 = arith.constant 64 : i32
        %mul3A_278 = arith.muli %sub3A_265, %mul3A_277 : i32
        %add3A_279 = arith.addi %mul3A_2, %mul3A_278 : i32
        %dma_start3A_280 = arith.constant 0 : i32
        %dma_start3A_281 = tpu.memref_slice %arg2[%add3A_279, %dma_start3A_280] : memref<262144x256xf32, #tpu.memory_space<hbm>> -> memref<64x256xf32, #tpu.memory_space<hbm>>
        %dma_start3A_282 = arith.constant 0 : i32
        %dma_start3A_283 = tpu.memref_slice %arg2[%add3A_279, %dma_start3A_282] : memref<262144x256xf32, #tpu.memory_space<hbm>> -> memref<64x256xf32, #tpu.memory_space<hbm>>
        tpu.enqueue_dma source(%dma_start3A_283 : memref<64x256xf32, #tpu.memory_space<hbm>>) target(%arg7 : memref<64x256xf32, #tpu.memory_space<vmem>>) target_semaphore(%arg13 : memref<!tpu.dma_semaphore, #tpu.memory_space<semaphore_mem>>)
      } else {
      }
      %scan3A_271 = arith.constant 0 : i32
      %scan3A_272 = arith.constant 0 : i32
      %scan3A_273 = arith.constant 4 : i32
      %scan3A_274 = arith.addi %scan3A_272, %scan3A_273 : i32
      %scan3A_275 = arith.constant 1 : i32
      scf.for %scan3A_277 = %scan3A_272 to %scan3A_274 step %scan3A_275  : i32 {
        %mul3A_278 = arith.constant 16 : i32
        %mul3A_279 = arith.muli %scan3A_277, %mul3A_278 : i32
        %add3A_280 = vector.broadcast %mul3A_279 : i32 to vector<16xi32>
        %add3A_281 = arith.addi %add3A_280, %iota3A : vector<16xi32>
        %broadcast_in_dim3A_282 = arith.constant 0x7F800000 : f32
        %broadcast_in_dim3A_283 = vector.broadcast %broadcast_in_dim3A_282 : f32 to vector<16xf32>
        %broadcast_in_dim3A_284 = arith.constant 0 : i32
        %broadcast_in_dim3A_285 = vector.broadcast %broadcast_in_dim3A_284 : i32 to vector<16xi32>
        %gather3A = tpu.vector_load_idx %arg8[%add3A_281, %broadcast_in_dim3A_285] : memref<64x256xf32, #tpu.memory_space<vmem>>[vector<16xi32>, vector<16xi32>], vector<16xf32>,
        %sub3A_286 = arith.subf %gather3A, %broadcast_in_dim3A : vector<16xf32>
        %min3A = arith.minimumf %broadcast_in_dim3A_283, %sub3A_286 : vector<16xf32>
        %broadcast_in_dim3A_287 = arith.constant 8 : i32
        %broadcast_in_dim3A_288 = vector.broadcast %broadcast_in_dim3A_287 : i32 to vector<16xi32>
        %gather3A_289 = tpu.vector_load_idx %arg8[%add3A_281, %broadcast_in_dim3A_288] : memref<64x256xf32, #tpu.memory_space<vmem>>[vector<16xi32>, vector<16xi32>], vector<16xf32>,
        %sub3A_290 = arith.subf %gather3A_289, %broadcast_in_dim3A_8 : vector<16xf32>
        %min3A_291 = arith.minimumf %min3A, %sub3A_290 : vector<16xf32>
        %broadcast_in_dim3A_292 = arith.constant 16 : i32
        %broadcast_in_dim3A_293 = vector.broadcast %broadcast_in_dim3A_292 : i32 to vector<16xi32>
        %gather3A_294 = tpu.vector_load_idx %arg8[%add3A_281, %broadcast_in_dim3A_293] : memref<64x256xf32, #tpu.memory_space<vmem>>[vector<16xi32>, vector<16xi32>], vector<16xf32>,
        %sub3A_295 = arith.subf %gather3A_294, %broadcast_in_dim3A_13 : vector<16xf32>
        %min3A_296 = arith.minimumf %min3A_291, %sub3A_295 : vector<16xf32>
        %broadcast_in_dim3A_297 = arith.constant 24 : i32
        %broadcast_in_dim3A_298 = vector.broadcast %broadcast_in_dim3A_297 : i32 to vector<16xi32>
        %gather3A_299 = tpu.vector_load_idx %arg8[%add3A_281, %broadcast_in_dim3A_298] : memref<64x256xf32, #tpu.memory_space<vmem>>[vector<16xi32>, vector<16xi32>], vector<16xf32>,
        %sub3A_300 = arith.subf %gather3A_299, %broadcast_in_dim3A_18 : vector<16xf32>
        %min3A_301 = arith.minimumf %min3A_296, %sub3A_300 : vector<16xf32>
        %broadcast_in_dim3A_302 = arith.constant 32 : i32
        %broadcast_in_dim3A_303 = vector.broadcast %broadcast_in_dim3A_302 : i32 to vector<16xi32>
        %gather3A_304 = tpu.vector_load_idx %arg8[%add3A_281, %broadcast_in_dim3A_303] : memref<64x256xf32, #tpu.memory_space<vmem>>[vector<16xi32>, vector<16xi32>], vector<16xf32>,
        %sub3A_305 = arith.subf %gather3A_304, %broadcast_in_dim3A_23 : vector<16xf32>
        %min3A_306 = arith.minimumf %min3A_301, %sub3A_305 : vector<16xf32>
        %broadcast_in_dim3A_307 = arith.constant 40 : i32
        %broadcast_in_dim3A_308 = vector.broadcast %broadcast_in_dim3A_307 : i32 to vector<16xi32>
        %gather3A_309 = tpu.vector_load_idx %arg8[%add3A_281, %broadcast_in_dim3A_308] : memref<64x256xf32, #tpu.memory_space<vmem>>[vector<16xi32>, vector<16xi32>], vector<16xf32>,
        %sub3A_310 = arith.subf %gather3A_309, %broadcast_in_dim3A_28 : vector<16xf32>
        %min3A_311 = arith.minimumf %min3A_306, %sub3A_310 : vector<16xf32>
        %broadcast_in_dim3A_312 = arith.constant 48 : i32
        %broadcast_in_dim3A_313 = vector.broadcast %broadcast_in_dim3A_312 : i32 to vector<16xi32>
        %gather3A_314 = tpu.vector_load_idx %arg8[%add3A_281, %broadcast_in_dim3A_313] : memref<64x256xf32, #tpu.memory_space<vmem>>[vector<16xi32>, vector<16xi32>], vector<16xf32>,
        %sub3A_315 = arith.subf %gather3A_314, %broadcast_in_dim3A_33 : vector<16xf32>
        %min3A_316 = arith.minimumf %min3A_311, %sub3A_315 : vector<16xf32>
        %broadcast_in_dim3A_317 = arith.constant 56 : i32
        %broadcast_in_dim3A_318 = vector.broadcast %broadcast_in_dim3A_317 : i32 to vector<16xi32>
        %gather3A_319 = tpu.vector_load_idx %arg8[%add3A_281, %broadcast_in_dim3A_318] : memref<64x256xf32, #tpu.memory_space<vmem>>[vector<16xi32>, vector<16xi32>], vector<16xf32>,
        %sub3A_320 = arith.subf %gather3A_319, %broadcast_in_dim3A_38 : vector<16xf32>
        %min3A_321 = arith.minimumf %min3A_316, %sub3A_320 : vector<16xf32>
        %broadcast_in_dim3A_322 = arith.constant 64 : i32
        %broadcast_in_dim3A_323 = vector.broadcast %broadcast_in_dim3A_322 : i32 to vector<16xi32>
        %gather3A_324 = tpu.vector_load_idx %arg8[%add3A_281, %broadcast_in_dim3A_323] : memref<64x256xf32, #tpu.memory_space<vmem>>[vector<16xi32>, vector<16xi32>], vector<16xf32>,
        %sub3A_325 = arith.subf %gather3A_324, %broadcast_in_dim3A_43 : vector<16xf32>
        %min3A_326 = arith.minimumf %min3A_321, %sub3A_325 : vector<16xf32>
        %broadcast_in_dim3A_327 = arith.constant 72 : i32
        %broadcast_in_dim3A_328 = vector.broadcast %broadcast_in_dim3A_327 : i32 to vector<16xi32>
        %gather3A_329 = tpu.vector_load_idx %arg8[%add3A_281, %broadcast_in_dim3A_328] : memref<64x256xf32, #tpu.memory_space<vmem>>[vector<16xi32>, vector<16xi32>], vector<16xf32>,
        %sub3A_330 = arith.subf %gather3A_329, %broadcast_in_dim3A_48 : vector<16xf32>
        %min3A_331 = arith.minimumf %min3A_326, %sub3A_330 : vector<16xf32>
        %broadcast_in_dim3A_332 = arith.constant 80 : i32
        %broadcast_in_dim3A_333 = vector.broadcast %broadcast_in_dim3A_332 : i32 to vector<16xi32>
        %gather3A_334 = tpu.vector_load_idx %arg8[%add3A_281, %broadcast_in_dim3A_333] : memref<64x256xf32, #tpu.memory_space<vmem>>[vector<16xi32>, vector<16xi32>], vector<16xf32>,
        %sub3A_335 = arith.subf %gather3A_334, %broadcast_in_dim3A_53 : vector<16xf32>
        %min3A_336 = arith.minimumf %min3A_331, %sub3A_335 : vector<16xf32>
        %broadcast_in_dim3A_337 = arith.constant 88 : i32
        %broadcast_in_dim3A_338 = vector.broadcast %broadcast_in_dim3A_337 : i32 to vector<16xi32>
        %gather3A_339 = tpu.vector_load_idx %arg8[%add3A_281, %broadcast_in_dim3A_338] : memref<64x256xf32, #tpu.memory_space<vmem>>[vector<16xi32>, vector<16xi32>], vector<16xf32>,
        %sub3A_340 = arith.subf %gather3A_339, %broadcast_in_dim3A_58 : vector<16xf32>
        %min3A_341 = arith.minimumf %min3A_336, %sub3A_340 : vector<16xf32>
        %broadcast_in_dim3A_342 = arith.constant 96 : i32
        %broadcast_in_dim3A_343 = vector.broadcast %broadcast_in_dim3A_342 : i32 to vector<16xi32>
        %gather3A_344 = tpu.vector_load_idx %arg8[%add3A_281, %broadcast_in_dim3A_343] : memref<64x256xf32, #tpu.memory_space<vmem>>[vector<16xi32>, vector<16xi32>], vector<16xf32>,
        %sub3A_345 = arith.subf %gather3A_344, %broadcast_in_dim3A_63 : vector<16xf32>
        %min3A_346 = arith.minimumf %min3A_341, %sub3A_345 : vector<16xf32>
        %broadcast_in_dim3A_347 = arith.constant 104 : i32
        %broadcast_in_dim3A_348 = vector.broadcast %broadcast_in_dim3A_347 : i32 to vector<16xi32>
        %gather3A_349 = tpu.vector_load_idx %arg8[%add3A_281, %broadcast_in_dim3A_348] : memref<64x256xf32, #tpu.memory_space<vmem>>[vector<16xi32>, vector<16xi32>], vector<16xf32>,
        %sub3A_350 = arith.subf %gather3A_349, %broadcast_in_dim3A_68 : vector<16xf32>
        %min3A_351 = arith.minimumf %min3A_346, %sub3A_350 : vector<16xf32>
        %broadcast_in_dim3A_352 = arith.constant 112 : i32
        %broadcast_in_dim3A_353 = vector.broadcast %broadcast_in_dim3A_352 : i32 to vector<16xi32>
        %gather3A_354 = tpu.vector_load_idx %arg8[%add3A_281, %broadcast_in_dim3A_353] : memref<64x256xf32, #tpu.memory_space<vmem>>[vector<16xi32>, vector<16xi32>], vector<16xf32>,
        %sub3A_355 = arith.subf %gather3A_354, %broadcast_in_dim3A_73 : vector<16xf32>
        %min3A_356 = arith.minimumf %min3A_351, %sub3A_355 : vector<16xf32>
        %broadcast_in_dim3A_357 = arith.constant 120 : i32
        %broadcast_in_dim3A_358 = vector.broadcast %broadcast_in_dim3A_357 : i32 to vector<16xi32>
        %gather3A_359 = tpu.vector_load_idx %arg8[%add3A_281, %broadcast_in_dim3A_358] : memref<64x256xf32, #tpu.memory_space<vmem>>[vector<16xi32>, vector<16xi32>], vector<16xf32>,
        %sub3A_360 = arith.subf %gather3A_359, %broadcast_in_dim3A_78 : vector<16xf32>
        %min3A_361 = arith.minimumf %min3A_356, %sub3A_360 : vector<16xf32>
        %broadcast_in_dim3A_362 = arith.constant 128 : i32
        %broadcast_in_dim3A_363 = vector.broadcast %broadcast_in_dim3A_362 : i32 to vector<16xi32>
        %gather3A_364 = tpu.vector_load_idx %arg8[%add3A_281, %broadcast_in_dim3A_363] : memref<64x256xf32, #tpu.memory_space<vmem>>[vector<16xi32>, vector<16xi32>], vector<16xf32>,
        %sub3A_365 = arith.subf %gather3A_364, %broadcast_in_dim3A_83 : vector<16xf32>
        %min3A_366 = arith.minimumf %min3A_361, %sub3A_365 : vector<16xf32>
        %broadcast_in_dim3A_367 = arith.constant 136 : i32
        %broadcast_in_dim3A_368 = vector.broadcast %broadcast_in_dim3A_367 : i32 to vector<16xi32>
        %gather3A_369 = tpu.vector_load_idx %arg8[%add3A_281, %broadcast_in_dim3A_368] : memref<64x256xf32, #tpu.memory_space<vmem>>[vector<16xi32>, vector<16xi32>], vector<16xf32>,
        %sub3A_370 = arith.subf %gather3A_369, %broadcast_in_dim3A_88 : vector<16xf32>
        %min3A_371 = arith.minimumf %min3A_366, %sub3A_370 : vector<16xf32>
        %broadcast_in_dim3A_372 = arith.constant 144 : i32
        %broadcast_in_dim3A_373 = vector.broadcast %broadcast_in_dim3A_372 : i32 to vector<16xi32>
        %gather3A_374 = tpu.vector_load_idx %arg8[%add3A_281, %broadcast_in_dim3A_373] : memref<64x256xf32, #tpu.memory_space<vmem>>[vector<16xi32>, vector<16xi32>], vector<16xf32>,
        %sub3A_375 = arith.subf %gather3A_374, %broadcast_in_dim3A_93 : vector<16xf32>
        %min3A_376 = arith.minimumf %min3A_371, %sub3A_375 : vector<16xf32>
        %broadcast_in_dim3A_377 = arith.constant 152 : i32
        %broadcast_in_dim3A_378 = vector.broadcast %broadcast_in_dim3A_377 : i32 to vector<16xi32>
        %gather3A_379 = tpu.vector_load_idx %arg8[%add3A_281, %broadcast_in_dim3A_378] : memref<64x256xf32, #tpu.memory_space<vmem>>[vector<16xi32>, vector<16xi32>], vector<16xf32>,
        %sub3A_380 = arith.subf %gather3A_379, %broadcast_in_dim3A_98 : vector<16xf32>
        %min3A_381 = arith.minimumf %min3A_376, %sub3A_380 : vector<16xf32>
        %broadcast_in_dim3A_382 = arith.constant 160 : i32
        %broadcast_in_dim3A_383 = vector.broadcast %broadcast_in_dim3A_382 : i32 to vector<16xi32>
        %gather3A_384 = tpu.vector_load_idx %arg8[%add3A_281, %broadcast_in_dim3A_383] : memref<64x256xf32, #tpu.memory_space<vmem>>[vector<16xi32>, vector<16xi32>], vector<16xf32>,
        %sub3A_385 = arith.subf %gather3A_384, %broadcast_in_dim3A_103 : vector<16xf32>
        %min3A_386 = arith.minimumf %min3A_381, %sub3A_385 : vector<16xf32>
        %broadcast_in_dim3A_387 = arith.constant 168 : i32
        %broadcast_in_dim3A_388 = vector.broadcast %broadcast_in_dim3A_387 : i32 to vector<16xi32>
        %gather3A_389 = tpu.vector_load_idx %arg8[%add3A_281, %broadcast_in_dim3A_388] : memref<64x256xf32, #tpu.memory_space<vmem>>[vector<16xi32>, vector<16xi32>], vector<16xf32>,
        %sub3A_390 = arith.subf %gather3A_389, %broadcast_in_dim3A_108 : vector<16xf32>
        %min3A_391 = arith.minimumf %min3A_386, %sub3A_390 : vector<16xf32>
        %broadcast_in_dim3A_392 = arith.constant 176 : i32
        %broadcast_in_dim3A_393 = vector.broadcast %broadcast_in_dim3A_392 : i32 to vector<16xi32>
        %gather3A_394 = tpu.vector_load_idx %arg8[%add3A_281, %broadcast_in_dim3A_393] : memref<64x256xf32, #tpu.memory_space<vmem>>[vector<16xi32>, vector<16xi32>], vector<16xf32>,
        %sub3A_395 = arith.subf %gather3A_394, %broadcast_in_dim3A_113 : vector<16xf32>
        %min3A_396 = arith.minimumf %min3A_391, %sub3A_395 : vector<16xf32>
        %broadcast_in_dim3A_397 = arith.constant 184 : i32
        %broadcast_in_dim3A_398 = vector.broadcast %broadcast_in_dim3A_397 : i32 to vector<16xi32>
        %gather3A_399 = tpu.vector_load_idx %arg8[%add3A_281, %broadcast_in_dim3A_398] : memref<64x256xf32, #tpu.memory_space<vmem>>[vector<16xi32>, vector<16xi32>], vector<16xf32>,
        %sub3A_400 = arith.subf %gather3A_399, %broadcast_in_dim3A_118 : vector<16xf32>
        %min3A_401 = arith.minimumf %min3A_396, %sub3A_400 : vector<16xf32>
        %broadcast_in_dim3A_402 = arith.constant 192 : i32
        %broadcast_in_dim3A_403 = vector.broadcast %broadcast_in_dim3A_402 : i32 to vector<16xi32>
        %gather3A_404 = tpu.vector_load_idx %arg8[%add3A_281, %broadcast_in_dim3A_403] : memref<64x256xf32, #tpu.memory_space<vmem>>[vector<16xi32>, vector<16xi32>], vector<16xf32>,
        %sub3A_405 = arith.subf %gather3A_404, %broadcast_in_dim3A_123 : vector<16xf32>
        %min3A_406 = arith.minimumf %min3A_401, %sub3A_405 : vector<16xf32>
        %broadcast_in_dim3A_407 = arith.constant 200 : i32
        %broadcast_in_dim3A_408 = vector.broadcast %broadcast_in_dim3A_407 : i32 to vector<16xi32>
        %gather3A_409 = tpu.vector_load_idx %arg8[%add3A_281, %broadcast_in_dim3A_408] : memref<64x256xf32, #tpu.memory_space<vmem>>[vector<16xi32>, vector<16xi32>], vector<16xf32>,
        %sub3A_410 = arith.subf %gather3A_409, %broadcast_in_dim3A_128 : vector<16xf32>
        %min3A_411 = arith.minimumf %min3A_406, %sub3A_410 : vector<16xf32>
        %broadcast_in_dim3A_412 = arith.constant 208 : i32
        %broadcast_in_dim3A_413 = vector.broadcast %broadcast_in_dim3A_412 : i32 to vector<16xi32>
        %gather3A_414 = tpu.vector_load_idx %arg8[%add3A_281, %broadcast_in_dim3A_413] : memref<64x256xf32, #tpu.memory_space<vmem>>[vector<16xi32>, vector<16xi32>], vector<16xf32>,
        %sub3A_415 = arith.subf %gather3A_414, %broadcast_in_dim3A_133 : vector<16xf32>
        %min3A_416 = arith.minimumf %min3A_411, %sub3A_415 : vector<16xf32>
        %broadcast_in_dim3A_417 = arith.constant 216 : i32
        %broadcast_in_dim3A_418 = vector.broadcast %broadcast_in_dim3A_417 : i32 to vector<16xi32>
        %gather3A_419 = tpu.vector_load_idx %arg8[%add3A_281, %broadcast_in_dim3A_418] : memref<64x256xf32, #tpu.memory_space<vmem>>[vector<16xi32>, vector<16xi32>], vector<16xf32>,
        %sub3A_420 = arith.subf %gather3A_419, %broadcast_in_dim3A_138 : vector<16xf32>
        %min3A_421 = arith.minimumf %min3A_416, %sub3A_420 : vector<16xf32>
        %broadcast_in_dim3A_422 = arith.constant 224 : i32
        %broadcast_in_dim3A_423 = vector.broadcast %broadcast_in_dim3A_422 : i32 to vector<16xi32>
        %gather3A_424 = tpu.vector_load_idx %arg8[%add3A_281, %broadcast_in_dim3A_423] : memref<64x256xf32, #tpu.memory_space<vmem>>[vector<16xi32>, vector<16xi32>], vector<16xf32>,
        %sub3A_425 = arith.subf %gather3A_424, %broadcast_in_dim3A_143 : vector<16xf32>
        %min3A_426 = arith.minimumf %min3A_421, %sub3A_425 : vector<16xf32>
        %broadcast_in_dim3A_427 = arith.constant 232 : i32
        %broadcast_in_dim3A_428 = vector.broadcast %broadcast_in_dim3A_427 : i32 to vector<16xi32>
        %gather3A_429 = tpu.vector_load_idx %arg8[%add3A_281, %broadcast_in_dim3A_428] : memref<64x256xf32, #tpu.memory_space<vmem>>[vector<16xi32>, vector<16xi32>], vector<16xf32>,
        %sub3A_430 = arith.subf %gather3A_429, %broadcast_in_dim3A_148 : vector<16xf32>
        %min3A_431 = arith.minimumf %min3A_426, %sub3A_430 : vector<16xf32>
        %broadcast_in_dim3A_432 = arith.constant 240 : i32
        %broadcast_in_dim3A_433 = vector.broadcast %broadcast_in_dim3A_432 : i32 to vector<16xi32>
        %gather3A_434 = tpu.vector_load_idx %arg8[%add3A_281, %broadcast_in_dim3A_433] : memref<64x256xf32, #tpu.memory_space<vmem>>[vector<16xi32>, vector<16xi32>], vector<16xf32>,
        %sub3A_435 = arith.subf %gather3A_434, %broadcast_in_dim3A_153 : vector<16xf32>
        %min3A_436 = arith.minimumf %min3A_431, %sub3A_435 : vector<16xf32>
        %broadcast_in_dim3A_437 = arith.constant 248 : i32
        %broadcast_in_dim3A_438 = vector.broadcast %broadcast_in_dim3A_437 : i32 to vector<16xi32>
        %gather3A_439 = tpu.vector_load_idx %arg8[%add3A_281, %broadcast_in_dim3A_438] : memref<64x256xf32, #tpu.memory_space<vmem>>[vector<16xi32>, vector<16xi32>], vector<16xf32>,
        %sub3A_440 = arith.subf %gather3A_439, %broadcast_in_dim3A_158 : vector<16xf32>
        %min3A_441 = arith.minimumf %min3A_436, %sub3A_440 : vector<16xf32>
        %gt3A = arith.constant 0.000000e+00 : f32
        %gt3A_442 = vector.broadcast %gt3A : f32 to vector<16xf32>
        %gt3A_443 = arith.cmpf ogt, %min3A_441, %gt3A_442 : vector<16xf32>
        %jit3A = arith.constant 1 : i32
        %jit3A_444 = arith.constant 0 : i32
        %broadcast_in_dim3A_445 = vector.broadcast %jit3A : i32 to vector<16xi32>
        %broadcast_in_dim3A_446 = vector.broadcast %jit3A_444 : i32 to vector<16xi32>
        %select_n3A = arith.select %gt3A_443, %broadcast_in_dim3A_445, %broadcast_in_dim3A_446 : vector<16xi1>, vector<16xi32>
        %mul3A_447 = arith.constant 64 : i32
        %mul3A_448 = arith.muli %add3A_255, %mul3A_447 : i32
        %mul3A_449 = arith.constant 16 : i32
        %mul3A_450 = arith.muli %scan3A_277, %mul3A_449 : i32
        %add3A_451 = arith.addi %mul3A_448, %mul3A_450 : i32
        %swap3A = arith.index_cast %add3A_451 : i32 to index
        %swap3A_452 = tpu.vector_load %arg9[%swap3A] {strides = array<i32>} : memref<4864xi32, #tpu.memory_space<vmem>>, vector<16xi32>,
        tpu.vector_store %arg9[%swap3A], %select_n3A {strides = array<i32>} : memref<4864xi32, #tpu.memory_space<vmem>>, vector<16xi32>,
      }
      %scan3A_276 = arith.constant 4 : i32
    }
    %scan3A_180 = arith.constant 19 : i32
    "tpu.region"() ({
      %run_scoped3A = tpu.sem_alloc : memref<!tpu.dma_semaphore, #tpu.memory_space<semaphore_mem>>
      %dma_start3A_181 = tpu.memref_slice %arg4[%mul3A_2] : memref<155648xi32, #tpu.memory_space<hbm>> -> memref<4864xi32, #tpu.memory_space<hbm>>
      %dma_start3A_182 = tpu.memref_slice %arg4[%mul3A_2] : memref<155648xi32, #tpu.memory_space<hbm>> -> memref<4864xi32, #tpu.memory_space<hbm>>
      tpu.enqueue_dma source(%arg9 : memref<4864xi32, #tpu.memory_space<vmem>>) target(%dma_start3A_182 : memref<4864xi32, #tpu.memory_space<hbm>>) target_semaphore(%run_scoped3A : memref<!tpu.dma_semaphore, #tpu.memory_space<semaphore_mem>>)
      %dma_wait3A = tpu.memref_slice %arg4[%mul3A_2] : memref<155648xi32, #tpu.memory_space<hbm>> -> memref<4864xi32, #tpu.memory_space<hbm>>
      %dma_wait3A_183 = tpu.memref_slice %arg4[%mul3A_2] : memref<155648xi32, #tpu.memory_space<hbm>> -> memref<4864xi32, #tpu.memory_space<hbm>>
      tpu.wait_dma2 semaphore(%run_scoped3A : memref<!tpu.dma_semaphore, #tpu.memory_space<semaphore_mem>>) src(%arg9 : memref<4864xi32, #tpu.memory_space<vmem>>) dst(%dma_wait3A_183 : memref<4864xi32, #tpu.memory_space<hbm>>)
      tpu.yield
    }) : () -> ()
    return
  }
}

module attributes {stable_mosaic.version = 14 : i64} {
  func.func @_tc_body(%arg0: i32, %arg1: memref<8192x256xf32, #tpu.memory_space<vmem>>, %arg2: memref<8x256xf32, #tpu.memory_space<vmem>>, %arg3: memref<8192x1xi32, #tpu.memory_space<vmem>>) attributes {dimension_semantics = [#tpu.dimension_semantics<arbitrary>], iteration_bounds = array<i64: 13>, scalar_prefetch = 0 : i64, scratch_operands = 0 : i64, tpu.core_type = #tpu.core_type<tc>, window_params = [{transform_indices = @transform_0, window_bounds = array<i64: 8192, 256>}, {pipeline_mode = #tpu.pipeline_mode<synchronous>, transform_indices = @transform_1, window_bounds = array<i64: 8, 256>}, {transform_indices = @transform_2, window_bounds = array<i64: 8192, 1>}]} {
    %get3A = arith.constant 0 : index
    %get3A_0 = arith.constant 0 : index
    %get3A_1 = vector.load %arg1[%get3A, %get3A_0] : memref<8192x256xf32, #tpu.memory_space<vmem>>, vector<8192x256xf32>
    %get3A_2 = arith.constant 0 : index
    %get3A_3 = arith.constant 0 : index
    %get3A_4 = vector.load %arg2[%get3A_2, %get3A_3] : memref<8x256xf32, #tpu.memory_space<vmem>>, vector<1x256xf32>
    %sub3A = vector.broadcast %get3A_4 : vector<1x256xf32> to vector<8192x256xf32>
    %sub3A_5 = arith.subf %get3A_1, %sub3A : vector<8192x256xf32>
    %reduce_min3A = arith.constant dense<0x7F800000> : vector<8192xf32>
    %reduce_min3A_6 = vector.multi_reduction <minimumf>, %sub3A_5, %reduce_min3A [1] : vector<8192x256xf32> to vector<8192xf32>
    %broadcast_in_dim3A = vector.shape_cast %reduce_min3A_6 : vector<8192xf32> to vector<8192x1xf32>
    %gt3A = arith.constant 0.000000e+00 : f32
    %gt3A_7 = vector.broadcast %gt3A : f32 to vector<8192x1xf32>
    %gt3A_8 = arith.cmpf ogt, %broadcast_in_dim3A, %gt3A_7 : vector<8192x1xf32>
    %convert_element_type3A = arith.extui %gt3A_8 : vector<8192x1xi1> to vector<8192x1xi32>
    %swap3A = arith.constant 0 : index
    %swap3A_9 = arith.constant 0 : index
    %swap3A_10 = vector.load %arg3[%swap3A, %swap3A_9] : memref<8192x1xi32, #tpu.memory_space<vmem>>, vector<8192x1xi32>
    tpu.vector_store %arg3[%swap3A, %swap3A_9], %convert_element_type3A {strides = array<i32>} : memref<8192x1xi32, #tpu.memory_space<vmem>>, vector<8192x1xi32>,
    return
  }
  func.func @transform_0(%arg0: i32) -> (i32, i32) {
    %add3A = arith.constant 19 : i32
    %add3A_0 = arith.addi %add3A, %arg0 : i32
    %c0_i32 = arith.constant 0 : i32
    %c0_i32_1 = arith.constant 0 : i32
    return %add3A_0, %c0_i32 : i32, i32
  }
  func.func @transform_1(%arg0: i32) -> (i32, i32) {
    %c0_i32 = arith.constant 0 : i32
    %c0_i32_0 = arith.constant 0 : i32
    %c0_i32_1 = arith.constant 0 : i32
    return %c0_i32, %c0_i32_0 : i32, i32
  }
  func.func @transform_2(%arg0: i32) -> (i32, i32) {
    %c0_i32 = arith.constant 0 : i32
    %c0_i32_0 = arith.constant 0 : i32
    return %arg0, %c0_i32 : i32, i32
  }
}

</mosaic_0001>

<sc_bundles>
// kernel: _match.4.cloned.1.call-start
scs
__scs_entry_jumppad:
0x0: {  	(pc) =	sbr.rel $0x88, $3  }
0x1: {  	(tag) =	ssettag $0x0;
	lr =	simm.s32 $0x1  }
0x2: {  	[smem:$0x3F9F] =	sst lr;
	_ =	strace $0xD0000000  }
0x3: {  	_ = 	snop  }
0x4: {  	_ = 	snop  }
0x5: {  	_ = 	snop  }
0x6: {  	_ = 	snop  }
0x7: {  	_ = 	snop  }
__scs_overlays_trampoline_lowered:
0x8: {  	[smem:$0x3FAE] =	sst s0  }
0x9: {  	[smem:$0x3FAF] =	sst s1  }
0xa: {  	[smem:$0x3FB0] =	sst s2  }
0xb: {  	[smem:$0x3FB1] =	sst s3  }
0xc: {  	[smem:$0x3FB2] =	sst s4  }
0xd: {  	[smem:$0x3FB3] =	sst s5  }
0xe: {  	[smem:$0x3FB4] =	sst s6  }
0xf: {  	[smem:$0x3FB5] =	sst s7  }
0x10: {  	[smem:$0x3FB6] =	sst s8  }
0x11: {  	[smem:$0x3FB7] =	sst s9;
	s0 =	simm.s32 @!p0 $0x0  }
0x12: {  	s1 =	sld [smem:$0x3F9D];
	s0 =	simm.s32 @p0 $0x1  }
0x13: {  	[smem:$0x3FB8] =	sst s0;
	s0 =	simm.s32 @!p1 $0x0  }
0x14: {  	s2 =	sld [smem:$0x3F9C];
	s0 =	simm.s32 @p1 $0x1  }
0x15: {  	[smem:$0x3FB9] =	sst s0;
	s0 =	simm.s32 @!p2 $0x0  }
0x16: {  	s3 =	sld [smem:$0x3FDB];
	s0 =	simm.s32 @p2 $0x1  }
0x17: {  	s4 =	simm.s32 $0x1BF5;
	[smem:$0x3FBB] =	sst s0  }
0x18: {  	s0 =	sld [smem:$0x3F9E];
	_ =	swait.ge [sflag:s4], $0x0  }
0x19: {  	s7 =	sld [smem:$0x3F9F]  }
0x1a: {  	s8 =	sadd.s32 $0xFFFFE003, lr  }
0x1b: {  	s9 =	sadd.s32 $0xFFFFFEF7, lr;
	s5 =	simm.s32 $0xFFFFFFFF;
	p2 =	slt.u32 s8, $0xFFFFF086  }
0x1c: {  	p1 =	slt.u32 s9, $0xF7A;
	s5 =	simm.s32 @!p2 $0x0  }
0x1d: {  	s5 =	simm.s32 @p1 $0x1;
	p0 =	seq.s32 s7, s2  }
0x1e: {  	s7 =	smul.u32 @!p0 $0xF7A, s2;
	p2 =	seq.s32 @!p0 s5, $0x0  }
0x1f: {  	s9 =	smul.u32 $0xF7A, s1;
	s8 =	simm.s32 @!p0 $0x1BF5;
	p2 =	por !p2, p0  }
0x20: {  	[sflag:s8] =	ssyncset.s32 @!p0 $0xFFFFF086;
	s6 =	sadd.s32 @!p0 s3, s7;
	s7 =	simm.s32 @!p0 $0x108  }
0x21: {  	s3 =	sadd.s32 s3, s9;
	s6 =	sadd.s32 @!p0 $0x88, s6;
	s7 =	simm.s32 @p2 $0x1082  }
0x22: {  	[simem:s7], [sflag:s8] =	dma.local @!p0 [hbm:s6], $0xF7A  }
0x23: {  	s9 =	sor.u32 $0xD0000000, s2;
	s6 =	simm.s32 $0x108;
	_ =	swait.ge @!p0 [sflag:s8], $0x0  }
0x24: {  	s3 =	sadd.s32 $0x88, s3;
	s6 =	simm.s32 @!p1 $0x1082;
	[sflag:s4] =	ssyncset.s32 $0xFFFFF086  }
0x25: {  	[simem:s6], [sflag:s4] =	dma.local [hbm:s3], $0xF7A  }
0x26: {  	[smem:$0x3F9F] =	sst s1;
	(tag) =	ssettag s2;
	_ =	strace s9  }
0x27: {  	s1 =	sld [smem:$0x3FAF]  }
0x28: {  	s2 =	sld [smem:$0x3FB0]  }
0x29: {  	s4 =	sld [smem:$0x3FB2]  }
0x2a: {  	p0 =	seq.s32 s5, $0x0;
	s5 =	sld [smem:$0x3FB3]  }
0x2b: {  	s6 =	sld [smem:$0x3FB4]  }
0x2c: {  	s7 =	sld [smem:$0x3FB5]  }
0x2d: {  	s3 =	simm.s32 $0x108;
	s8 =	sld [smem:$0x3FB6]  }
0x2e: {  	s3 =	simm.s32 @!p0 $0x1082;
	s9 =	sld [smem:$0x3FB7]  }
0x2f: {  	lr =	sadd.s32 s0, s3;
	s0 =	sld [smem:$0x3FAE]  }
0x30: {  	s3 =	sld [smem:$0x3FB1]  }
0x31: {  	[smem:$0x3FBA] =	sst s10  }
0x32: {  	s10 =	sld [smem:$0x3FB8];
	_ =	sdelay $0x3  }
0x33: {  	p0 =	seq.s32 s10, $0x1;
	s10 =	sld [smem:$0x3FBA];
	_ =	sdelay $0x3  }
0x34: {  	[smem:$0x3FBA] =	sst s10  }
0x35: {  	s10 =	sld [smem:$0x3FB9];
	_ =	sdelay $0x3  }
0x36: {  	p1 =	seq.s32 s10, $0x1;
	s10 =	sld [smem:$0x3FBA];
	_ =	sdelay $0x3  }
0x37: {  	[smem:$0x3FBA] =	sst s10  }
0x38: {  	s10 =	sld [smem:$0x3FBB]  }
0x39: {  	_ = 	snop;
	(pc) =	sbr.ind lr, $3  }
0x3a: {  	_ = 	snop  }
0x3b: {  	_ = 	snop  }
0x3c: {  	p2 =	seq.s32 s10, $0x1;
	s10 =	sld [smem:$0x3FBA]  }
0x3d: {  	_ =	shalt  }
0x3e: {  	_ =	shalt  }
0x3f: {  	_ =	shalt  }
0x40: {  	_ =	shalt  }
0x41: {  	_ =	shalt  }
0x42: {  	_ =	shalt  }
0x43: {  	_ =	shalt  }
0x44: {  	_ =	shalt  }
0x45: {  	_ =	shalt  }
0x46: {  	_ =	shalt  }
0x47: {  	_ =	shalt  }
0x48: {  	_ =	shalt  }
0x49: {  	_ =	shalt  }
0x4a: {  	_ =	shalt  }
0x4b: {  	_ =	shalt  }
0x4c: {  	_ =	shalt  }
0x4d: {  	_ =	shalt  }
0x4e: {  	_ =	shalt  }
0x4f: {  	_ =	shalt  }
0x50: {  	_ =	shalt  }
0x51: {  	_ =	shalt  }
0x52: {  	_ =	shalt  }
0x53: {  	_ =	shalt  }
0x54: {  	_ =	shalt  }
0x55: {  	_ =	shalt  }
0x56: {  	_ =	shalt  }
0x57: {  	_ =	shalt  }
0x58: {  	_ =	shalt  }
0x59: {  	_ =	shalt  }
0x5a: {  	_ =	shalt  }
0x5b: {  	_ =	shalt  }
0x5c: {  	_ =	shalt  }
0x5d: {  	_ =	shalt  }
0x5e: {  	_ =	shalt  }
0x5f: {  	_ =	shalt  }
0x60: {  	_ =	shalt  }
0x61: {  	_ =	shalt  }
0x62: {  	_ =	shalt  }
0x63: {  	_ =	shalt  }
0x64: {  	_ =	shalt  }
0x65: {  	_ =	shalt  }
0x66: {  	_ =	shalt  }
0x67: {  	_ =	shalt  }
0x68: {  	_ =	shalt  }
0x69: {  	_ =	shalt  }
0x6a: {  	_ =	shalt  }
0x6b: {  	_ =	shalt  }
0x6c: {  	_ =	shalt  }
0x6d: {  	_ =	shalt  }
0x6e: {  	_ =	shalt  }
0x6f: {  	_ =	shalt  }
0x70: {  	_ =	shalt  }
0x71: {  	_ =	shalt  }
0x72: {  	_ =	shalt  }
0x73: {  	_ =	shalt  }
0x74: {  	_ =	shalt  }
0x75: {  	_ =	shalt  }
0x76: {  	_ =	shalt  }
0x77: {  	_ =	shalt  }
0x78: {  	_ =	shalt  }
0x79: {  	_ =	shalt  }
0x7a: {  	_ =	shalt  }
0x7b: {  	_ =	shalt  }
0x7c: {  	_ =	shalt  }
0x7d: {  	_ =	shalt  }
0x7e: {  	_ =	shalt  }
0x7f: {  	_ =	shalt  }
0x80: {  	_ =	shalt  }
0x81: {  	_ =	shalt  }
0x82: {  	_ =	shalt  }
0x83: {  	_ =	shalt  }
0x84: {  	_ =	shalt  }
0x85: {  	_ =	shalt  }
0x86: {  	_ =	shalt  }
0x87: {  	_ =	shalt  }
.Lfunc_end0:
.L_simem_size_0:
called_computation_lowered:
.L_overlay_start_0:
0x88: {  	s2 =	sld [smem:$0x3FD9]  }
0x89: {  	s3 =	sld [smem:$0x3FFE];
	_ =	sdelay $0x1  }
0x8a: {  	s1 =	srdreg.scid  }
0x8b: {  	s0 =	sand.u32 $0x1, s1  }
0x8c: {  	s17 =	sshll.u32 s0, $0xA;
	s2 =	sadd.s32 s3, s2  }
0x8d: {  	s2 =	sadd.s32 s2, s17  }
0x8e: {  	[smem:$0x3FC6] =	sst s2  }
0x8f: {  	_ = 	snop  }
0x90: {  	s2 =	sld [smem:$0x3FC9]  }
0x91: {  	s18 =	sld [smem:$0x3FC8];
	(tm) =	ssettm $0x1  }
0x92: {  	s4 =	sld [smem:$0x3FFB];
	_ =	sdelay $0x3  }
0x93: {  	_ =	strace s4  }
0x94: {  	s4 =	sld [smem:$0x3FFC];
	_ =	sdelay $0x3  }
0x95: {  	_ =	strace s4  }
0x96: {  	s4 =	sld [smem:$0x3FFD];
	_ =	sdelay $0x3  }
0x97: {  	_ =	strace s4  }
0x98: {  	_ =	strace $0x8FFFFFFF  }
0x99: {  	s19 =	sld [smem:$0x3FDB];
	_ =	sdelay $0x1  }
0x9a: {  	s5 =	simm.s32 $_scs_section_size  }
0x9b: {  	s6 =	simm.s32 $_size__tile_overlayer_lowered;
	s7 =	simm.s32 $_tile_overlayer_lowered  }
0x9c: {  	s22 =	simm.s32 $0x1BFF;
	s21 =	sshll.u32 s7, $0x1;
	s4 =	sadd.s32 s5, s19  }
0x9d: {  	s8 =	simm.s32 $0x0;
	s20 =	sshll.u32 s6, $0x1;
	s6 =	sadd.s32 s21, s4  }
0x9e: {  	[timem:s8], [sflag:s22] =	dma.local [hbm:s6], s20  }
0x9f: {  	_ =	swait.ge [sflag:s22], s20  }
0xa0: {  	s5 =	ssub.s32 $0x0, s20;
	[sflag:s22] =	ssyncset.done $0x0  }
0xa1: {  	[sflag:s22] =	ssyncadd.s32 s5;
	_ =	sdelay $0x1  }
0xa2: {  	s23 =	simm.s32 $0x1B8B  }
0xa3: {  	_ =	swait.ge [sflag:s23], $0x1  }
0xa4: {  	[sflag:s23] =	ssyncset.done $0x0  }
0xa5: {  	s25 =	simm.s32 $0x1B8E;
	s24 =	sld [smem:$0x3FFE];
	[sflag:s23] =	ssyncadd.s32 $0xFFFFFFFF  }
0xa6: {  	s26 =	simm.s32 $execute0_lowered;
	[smem:$0x3FD2] =	sst s25  }
0xa7: {  	s6 =	sshll.u32 s26, $0x1;
	_ =	strace $0x80000046;
	[dreg:$0x1] =	wrdreg $0xFFFFFFFF  }
0xa8: {  	s28 =	simm.s32 $_size_execute0_lowered;
	s4 =	sadd.s32 s4, s6;
	[dreg:$0x0] =	wrdreg $0x0  }
0xa9: {  	s6 =	sshll.u32 s28, $0x1;
	[dreg:$0x2] =	wrdreg s4  }
0xaa: {  	[dreg:$0x3] =	wrdreg s6  }
0xab: {  	[dreg:$0x4] =	wrdreg $0xC0  }
0xac: {  	_ =	task [dreg:s8], $0x5FFFF  }
0xad: {  	[dreg:$0x1] =	wrdreg $0xFFFFFFFF  }
0xae: {  	[dreg:$0x0] =	wrdreg $0x60  }
0xaf: {  	[dreg:$0x2] =	wrdreg s2  }
0xb0: {  	[dreg:$0x3] =	wrdreg s18  }
0xb1: {  	[dreg:$0x4] =	wrdreg s24  }
0xb2: {  	[dreg:$0x5] =	wrdreg $0x9  }
0xb3: {  	_ =	task.clear_ibuf [dreg:s8], $0x6FFFF;
	_ =	strace $0x90000046  }
0xb4: {  	s29 =	simm.s32 $0x9;
	_ =	strace $0x80000048  }
0xb5: {  	_ =	swait.ge [sflag:s29], $0x1  }
0xb6: {  	[sflag:s29] =	ssyncadd.s32 $0xFFFFFFFF  }
0xb7: {  	_ =	strace $0x90000048  }
0xb8: {  	_ =	sfence  }
0xb9: {  	s30 =	sld [smem:$0x0];
	_ =	sdelay $0x2  }
0xba: {  	s31 =	sshll.u32 s1, $0xD;
	s1 =	sshrl.u32 s1, $0x2  }
0xbb: {  	s3 =	sand.u32 $0x4000, s31;
	s1 =	sadd.s32 s1, s30  }
0xbc: {  	s0 =	sor.u32 s3, s0;
	s1 =	sshll.u32 s1, $0x11  }
0xbd: {  	s0 =	sor.u32 s1, s0  }
0xbe: {  	s0 =	sadd.s32 $0x8F2B, s0  }
0xbf: {  	[sflag:s0] =	ssyncadd.remote.s32 $0x1  }
0xc0: {  	_ =	sfence.sel $0xFFFF  }
0xc1: {  	[dreg:$0x0] =	wrdreg $0xFFFFFFFF;
	(pc) =	sbr.abs _section_cstart, $3  }
0xc2: {  	[dreg:$0x1] =	wrdreg $0xFFFFFFFF  }
0xc3: {  	_ =	task.clear_ibuf [dreg:s8], $0x2FFFF;
	_ =	strace $0x9FFFFFFF  }
0xc4: {  	(tm) =	ssettm $0x7FFFFFFF  }
0xc5: {  	_ =	shalt  }
tec
execute0_lowered:
.L_overlay_start_1:
0x0: {  	(tag) =	ssettag $0x1  }
0x1: {  	s1 =	rddreg [dreg:$0x0];
	s0 =	srdreg.scid  }
0x2: {  	s2 =	stileid.u32;
	s3 =	rddreg [dreg:$0x2];
	s4 =	simm.s32 $0x0  }
0x3: {  	s15 =	simm.s32 $0x5;
	s16 =	simm.s32 $0x4000;
	s17 =	simm.s32 $0x8000  }
0x4: {  	v1 =	vlaneseq.u32;
	s18 =	simm.s32 $0x1;
	s0 =	sand.u32 $0x1, s0;
	s2 =	sshll.u32 s2, $0x1  }
0x5: {  	s19 =	simm.s32 $0xC000;
	s20 =	simm.s32 $0x2;
	v0 =	vand.u32 $0x7, v1;
	s2 =	sor.u32 s0, s2  }
0x6: {  	s21 =	simm.s32 $0x3;
	s22 =	simm.s32 $0x4;
	v48 =	vmul.u32 $0x80, v0;
	s6 =	smul.u32 $0x260, s2  }
0x7: {  	s23 =	simm.s32 $0x10000;
	s0 =	ssub.s32 $0x2, s0;
	s7 =	smul.u32 $0x26000, s2  }
0x8: {  	[smem:$0x7FF] =	sst s4;
	v23 =	vmul.u32 $0x100, v1;
	s8 =	sshrl.u32 s0, $0x1;
	s5 =	smul.u32 $0x130000, s2;
	v25 =	vor.u32 $0x10, v48  }
0x9: {  	s24 =	simm.s32 $0x0;
	_ =	strace $0x80000047;
	s0 =	ssub.s32 s0, s8;
	v26 =	vor.u32 $0x18, v48;
	v27 =	vor.u32 $0x20, v48;
	v28 =	vor.u32 $0x28, v48  }
0xa: {  	v29 =	vor.u32 $0x30, v48;
	v30 =	vor.u32 $0x38, v48;
	v51 =	vor.u32 $0x60, v48;
	s31 =	sadd.s32 s6, s3;
	s6 =	sadd.s32 s1, s7;
	s9 =	sadd.s32 $0x10000, s5  }
0xb: {  	v31 =	vor.u32 $0x40, v48;
	v32 =	vor.u32 $0x48, v48;
	v56 =	vor.u32 $0x68, v48;
	s10 =	sadd.s32 $0x14000, s5;
	s11 =	sadd.s32 $0x18000, s5;
	s13 =	smax.u32 s0, $0x1;
	[tilespmem:$0x1FFE0] =	vst v51  }
0xc: {  	v24 =	vor.u32 $0x8, v48;
	v33 =	vor.u32 $0x50, v48;
	v34 =	vor.u32 $0x58, v48;
	[tilespmem:$0x1FFF0] =	vst v56;
	s7 =	sadd.s32 $0x800, s6;
	s8 =	sadd.s32 $0x1000, s6;
	s12 =	sadd.s32 $0x200, s31  }
.LBB2_1:
0xd: {  	s0 =	rddreg [dreg:$0x1];
	s2 =	simm.s32 $0x11300  }
0xe: {  	[tilespmem:s2], [sflag:$0x5] =	stream.linear.gather [hbm4b:s0+s4], $0x100, $0x38;
	[tilespmem:$0x11400] =	vst v63  }
0xf: {  	_ =	swait.ge [sflag:s15], $0x100  }
0x10: {  	[sflag:s15] =	ssyncset.done $0x0  }
0x11: {  	[sflag:s15] =	ssyncadd.s32 $0xFFFFFF00  }
0x12: {  	v1 =	vld [tilespmem:$0x11300]  }
0x13: {  	v2 =	vld [tilespmem:$0x11310]  }
0x14: {  	v3 =	vld [tilespmem:$0x11320]  }
0x15: {  	v4 =	vld [tilespmem:$0x11330]  }
0x16: {  	v5 =	vld [tilespmem:$0x11340]  }
0x17: {  	v6 =	vld [tilespmem:$0x11350]  }
0x18: {  	v7 =	vld [tilespmem:$0x11360]  }
0x19: {  	v35 =	vld [tilespmem:$0x11380]  }
0x1a: {  	v58 =	vld [tilespmem:$0x11390]  }
0x1b: {  	v59 =	vld [tilespmem:$0x113A0]  }
0x1c: {  	v60 =	vld [tilespmem:$0x113B0]  }
0x1d: {  	v63 =	vld [tilespmem:$0x113D0]  }
0x1e: {  	v62 =	vld [tilespmem:$0x113C0];
	v0 =	vbroadcast v1, $0x0  }
0x1f: {  	v45 =	vld [tilespmem:$0x113E0];
	v57 =	vbroadcast v1, $0x8;
	v9 =	vbroadcast v35, $0x0  }
0x20: {  	v46 =	vld [tilespmem:$0x113F0];
	v43 =	vbroadcast v35, $0x8;
	v53 =	vbroadcast v58, $0x0  }
0x21: {  	v1 =	vld [tilespmem:$0x11370];
	v41 =	vbroadcast v58, $0x8;
	[tilespmem:s4], [sflag:$0x1] =	stream.linear.gather [hbm4b:s6+s4], $0x4000, $0x38;
	v35 =	vbroadcast v59, $0x0  }
0x22: {  	v52 =	vbroadcast v59, $0x8;
	v55 =	vbroadcast v63, $0x0;
	[tilespmem:$0x1FDF0] =	vst v0  }
0x23: {  	v11 =	vbroadcast v60, $0x0;
	v58 =	vbroadcast v63, $0x8;
	[tilespmem:s16], [sflag:$0x2] =	stream.linear.gather [hbm4b:s7+s4], $0x4000, $0x38;
	[tilespmem:$0x11400] =	vst v63  }
0x24: {  	v12 =	vbroadcast v60, $0x8;
	v59 =	vbroadcast v45, $0x0;
	[tilespmem:$0x1FE00] =	vst v55  }
0x25: {  	v22 =	vbroadcast v62, $0x0;
	v60 =	vbroadcast v45, $0x8;
	[tilespmem:$0x1FE10] =	vst v58  }
0x26: {  	v21 =	vbroadcast v62, $0x8;
	v62 =	vbroadcast v46, $0x0;
	[tilespmem:$0x1FE20] =	vst v59  }
0x27: {  	v63 =	vbroadcast v46, $0x8;
	[tilespmem:$0x1FE30] =	vst v60  }
0x28: {  	v15 =	vbroadcast v3, $0x8;
	[tilespmem:$0x1FE40] =	vst v62  }
0x29: {  	v19 =	vbroadcast v4, $0x0;
	[tilespmem:$0x1FE50] =	vst v63  }
0x2a: {  	v16 =	vbroadcast v4, $0x8;
	[tilespmem:$0x1FE60] =	vst v15  }
0x2b: {  	v47 =	vbroadcast v5, $0x0;
	[tilespmem:$0x1FE70] =	vst v19  }
0x2c: {  	v36 =	vbroadcast v5, $0x8;
	[tilespmem:$0x1FE80] =	vst v16  }
0x2d: {  	v37 =	vbroadcast v6, $0x0;
	[tilespmem:$0x1FE90] =	vst v47  }
0x2e: {  	v38 =	vbroadcast v6, $0x8;
	[tilespmem:$0x1FEA0] =	vst v36  }
0x2f: {  	v54 =	vbroadcast v7, $0x0;
	[tilespmem:$0x1FEB0] =	vst v37  }
0x30: {  	v39 =	vbroadcast v7, $0x8;
	[tilespmem:$0x1FEC0] =	vst v38  }
0x31: {  	[tilespmem:$0x1FED0] =	vst v54  }
0x32: {  	[tilespmem:$0x1FEE0] =	vst v39  }
0x33: {  	[tilespmem:$0x1FF10] =	vst v9  }
0x34: {  	[tilespmem:$0x1FF20] =	vst v43  }
0x35: {  	[tilespmem:$0x1FF30] =	vst v53  }
0x36: {  	[tilespmem:$0x1FF40] =	vst v41  }
0x37: {  	[tilespmem:$0x1FF50] =	vst v35  }
0x38: {  	[tilespmem:$0x1FF60] =	vst v52  }
0x39: {  	[tilespmem:$0x1FF70] =	vst v11  }
0x3a: {  	[tilespmem:$0x1FF80] =	vst v12  }
0x3b: {  	v61 =	vbroadcast v2, $0x0;
	[tilespmem:$0x1FF90] =	vst v21  }
0x3c: {  	v50 =	vbroadcast v2, $0x8;
	[tilespmem:$0x1FFA0] =	vst v57  }
0x3d: {  	v18 =	vbroadcast v3, $0x0;
	[tilespmem:$0x1FFB0] =	vst v61  }
0x3e: {  	[tilespmem:$0x1FFC0] =	vst v50  }
0x3f: {  	[tilespmem:$0x1FFD0] =	vst v18;
	v40 =	vbroadcast v1, $0x0  }
0x40: {  	[tilespmem:s17], [sflag:$0x3] =	stream.linear.gather [hbm4b:s8+s4], $0x4000, $0x38;
	v49 =	vbroadcast v1, $0x8;
	[tilespmem:$0x11400] =	vst v63  }
0x41: {  	s3 =	simm.s32 $0x10040;
	s26 =	simm.s32 $0x10080;
	[tilespmem:$0x1FEF0] =	vst v40  }
0x42: {  	s28 =	simm.s32 $0x100C0;
	s29 =	simm.s32 $0x10000;
	s30 =	simm.s32 $0x0;
	[tilespmem:$0x1FF00] =	vst v49  }
.LBB2_2:
0x43: {  	s0 =	simm.s32 $0x0;
	_ =	swait.ge [sflag:s18], $0x4000;
	v0 =	vor.u32 $0x478, v48  }
0x44: {  	s2 =	sshll.u32 s30, $0x10;
	v1 =	vmov s0;
	[tilespmem:$0x1FD10] =	vst v0;
	v0 =	vor.u32 $0x468, v48  }
0x45: {  	s2 =	sadd.s32 s2, s5;
	v1 =	vshll.u32 v1, $0x8;
	[tilespmem:$0x1FD20] =	vst v0;
	v0 =	vor.u32 $0x470, v48  }
0x46: {  	s2 =	sadd.s32 $0xC000, s2;
	v1 =	vor.u32 v23, v1;
	[tilespmem:$0x1FD30] =	vst v0;
	v0 =	vor.u32 $0x458, v48  }
0x47: {  	[sflag:s18] =	ssyncset.done $0x0;
	s2 =	sshrl.u32 s2, $0x3;
	v3 =	vand.u32 $0x3800, v1;
	[tilespmem:$0x1FD40] =	vst v0;
	v0 =	vor.u32 $0x460, v48  }
0x48: {  	s14 =	simm.s32 $0x10;
	v58 =	vld [tilespmem:$0x1FE00];
	[sflag:s18] =	ssyncadd.s32 $0xFFFFC000;
	s2 =	sadd.s32 s1, s2;
	v1 =	vor.u32 v48, v3;
	[tilespmem:$0x1FD50] =	vst v0  }
0x49: {  	v52 =	vld [tilespmem:$0x1FE10];
	v2 =	vor.u32 v24, v3;
	v0 =	vor.u32 $0x448, v48;
	[tilespmem:s19], [sflag:$0x4] =	stream.linear.gather [hbm4b:s2+s0], $0x4000, $0x38  }
0x4a: {  	v42 =	vmovc v15;
	v41 =	vmovc v19;
	v6 =	vmov s14;
	v59 =	vld [tilespmem:$0x1FE20];
	v4 =	vor.u32 v25, v3;
	[tilespmem:$0x1FD60] =	vst v0;
	v0 =	vor.u32 $0x450, v48  }
0x4b: {  	v35 =	vmovc v9;
	v60 =	vmovc v57;
	v57 =	vld [tilespmem:$0x1FE30];
	v6 =	vshll.u32 v6, $0x8;
	v5 =	vor.u32 v26, v3;
	[tilespmem:$0x1FD70] =	vst v0;
	v0 =	vor.u32 $0x440, v48  }
0x4c: {  	v46 =	vmovc v18;
	v45 =	vld [tilespmem:$0x1FE40];
	v6 =	vor.u32 v23, v6;
	v10 =	vor.u32 v27, v3;
	[tilespmem:$0x1FD80] =	vst v0;
	v0 =	vor.u32 $0x438, v48  }
0x4d: {  	v8 =	vor.u32 v34, v3;
	[tilespmem:$0x1FD90] =	vst v0;
	v0 =	vor.u32 $0x430, v48;
	v9 =	vld.idx.msk [tilespmem:v1+s4+$0x0], $0xffff;
	v1 =	vor.u32 v28, v3  }
0x4e: {  	v20 =	vor.u32 v29, v3;
	v17 =	vor.u32 v30, v3;
	[tilespmem:$0x1FDA0] =	vst v0;
	v11 =	vld.idx.msk [tilespmem:v2+s4+$0x0], $0xffff;
	v0 =	vor.u32 $0x428, v48  }
0x4f: {  	v19 =	vor.u32 v31, v3;
	v18 =	vor.u32 v32, v3;
	v12 =	vld.idx.msk [tilespmem:v4+s4+$0x0], $0xffff;
	[tilespmem:$0x1FDB0] =	vst v0;
	v0 =	vor.u32 $0x420, v48  }
0x50: {  	v44 =	vmovc v16;
	v16 =	vor.u32 v33, v3;
	v2 =	vand.u32 $0x3800, v6;
	v13 =	vld.idx.msk [tilespmem:v5+s4+$0x0], $0xffff;
	[tilespmem:$0x1FDC0] =	vst v0;
	v0 =	vor.u32 $0x410, v48  }
0x51: {  	v14 =	vld.idx.msk [tilespmem:v10+s4+$0x0], $0xffff;
	v6 =	vor.u32 v48, v2;
	v4 =	vor.u32 v24, v2;
	[tilespmem:$0x1FDD0] =	vst v0;
	v0 =	vor.u32 $0x418, v48  }
0x52: {  	s31 =	smov.u32 s29;
	s25 =	smov.u32 s29;
	v55 =	vmov v21;
	s0 =	simm.s32 $0x20;
	v5 =	vor.u32 v25, v2;
	v7 =	vor.u32 v34, v2;
	[tilespmem:$0x1FDE0] =	vst v0;
	v10 =	vld.idx.msk [tilespmem:v1+s4+$0x0], $0xffff  }
.LBB2_3:
0x53: {  	v0 =	vld [tilespmem:$0x1FDF0];
	_ =	sdelay $0x3  }
0x54: {  	v20 =	vld.idx.msk [tilespmem:v20+s4+$0x0], $0xffff  }
0x55: {  	v17 =	vld.idx.msk [tilespmem:v17+s4+$0x0], $0xffff;
	v21 =	vor.u32 v51, v3;
	v11 =	vsub.f32 v11, v60;
	v9 =	vsub.f32 v9, v0  }
0x56: {  	v19 =	vld.idx.msk [tilespmem:v19+s4+$0x0], $0xffff;
	v12 =	vsub.f32 v12, v61;
	v0 =	vmov v22;
	v22 =	vor.u32 v56, v3  }
0x57: {  	v1 =	vor.u32 $0x70, v48;
	v8 =	vld.idx.msk [tilespmem:v8+s4+$0x0], $0xffff;
	v9 =	vmin.f32 v9, v11;
	v11 =	vsub.f32 v13, v50  }
0x58: {  	v13 =	vld.idx.msk [tilespmem:v18+s4+$0x0], $0xffff;
	v18 =	vor.u32 v1, v3;
	v9 =	vmin.f32 v9, v12;
	v12 =	vsub.f32 v14, v46  }
0x59: {  	v15 =	vor.u32 $0x78, v48;
	v10 =	vsub.f32 v10, v42;
	v14 =	vld.idx.msk [tilespmem:v16+s4+$0x0], $0xffff;
	v9 =	vmin.f32 v9, v11  }
0x5a: {  	v16 =	vor.u32 v15, v3;
	v9 =	vmin.f32 v9, v12;
	v12 =	vsub.f32 v20, v41;
	v20 =	vld.idx.msk [tilespmem:v21+s4+$0x0], $0xffff  }
0x5b: {  	v63 =	vor.u32 $0x400, v48;
	v9 =	vmin.f32 v9, v10;
	v10 =	vsub.f32 v17, v44;
	v17 =	vld.idx.msk [tilespmem:v22+s4+$0x0], $0xffff  }
0x5c: {  	v11 =	vor.u32 v63, v3;
	v22 =	vld [tilespmem:$0x1FDD0]  }
0x5d: {  	v62 =	vor.u32 $0x408, v48;
	v18 =	vld.idx.msk [tilespmem:v18+s4+$0x0], $0xffff  }
0x5e: {  	v21 =	vor.u32 v62, v3;
	v9 =	vmin.f32 v9, v12;
	v12 =	vsub.f32 v19, v47;
	v19 =	vld [tilespmem:$0x1FDE0]  }
0x5f: {  	v9 =	vmin.f32 v9, v10;
	v10 =	vsub.f32 v13, v36;
	v13 =	vld.idx.msk [tilespmem:v16+s4+$0x0], $0xffff  }
0x60: {  	v16 =	vld [tilespmem:$0x1FDC0]  }
0x61: {  	v9 =	vmin.f32 v9, v12;
	v12 =	vsub.f32 v14, v37;
	v11 =	vld.idx.msk [tilespmem:v11+s4+$0x0], $0xffff;
	v22 =	vor.u32 v22, v3  }
0x62: {  	v8 =	vsub.f32 v8, v38;
	v14 =	vld [tilespmem:$0x1FDB0];
	v9 =	vmin.f32 v9, v10  }
0x63: {  	v10 =	vld.idx.msk [tilespmem:v21+s4+$0x0], $0xffff;
	v9 =	vmin.f32 v9, v12;
	v12 =	vsub.f32 v20, v54;
	v19 =	vor.u32 v19, v3  }
0x64: {  	v21 =	vld [tilespmem:$0x1FDA0];
	v8 =	vmin.f32 v9, v8;
	v9 =	vsub.f32 v17, v39  }
0x65: {  	v16 =	vor.u32 v16, v3;
	v8 =	vmin.f32 v8, v12;
	v12 =	vsub.f32 v18, v40;
	v18 =	vld [tilespmem:$0x1FD60]  }
0x66: {  	v20 =	vld.idx.msk [tilespmem:v22+s4+$0x0], $0xffff  }
0x67: {  	v14 =	vor.u32 v14, v3;
	v8 =	vmin.f32 v8, v9;
	v9 =	vsub.f32 v13, v49;
	v22 =	vld [tilespmem:$0x1FD90]  }
0x68: {  	v11 =	vsub.f32 v11, v35;
	v8 =	vmin.f32 v8, v12;
	v17 =	vld.idx.msk [tilespmem:v19+s4+$0x0], $0xffff  }
0x69: {  	v21 =	vor.u32 v21, v3;
	v8 =	vmin.f32 v8, v9;
	v9 =	vsub.f32 v10, v43;
	v19 =	vld [tilespmem:$0x1FD80]  }
0x6a: {  	v8 =	vmin.f32 v8, v11;
	v16 =	vld.idx.msk [tilespmem:v16+s4+$0x0], $0xffff  }
0x6b: {  	v8 =	vmin.f32 v8, v9;
	v9 =	vld [tilespmem:$0x1FF40]  }
0x6c: {  	v13 =	vld.idx.msk [tilespmem:v14+s4+$0x0], $0xffff  }
0x6d: {  	v18 =	vor.u32 v18, v3;
	v14 =	vld [tilespmem:$0x1FD70]  }
0x6e: {  	v12 =	vld.idx.msk [tilespmem:v21+s4+$0x0], $0xffff  }
0x6f: {  	v21 =	vld [tilespmem:$0x1FD40];
	v22 =	vor.u32 v22, v3;
	v11 =	vsub.f32 v20, v53  }
0x70: {  	v20 =	vld [tilespmem:$0x1FD20]  }
0x71: {  	v8 =	vmin.f32 v8, v11;
	v11 =	vld [tilespmem:$0x1FF50]  }
0x72: {  	v9 =	vsub.f32 v17, v9;
	v17 =	vld.idx.msk [tilespmem:v18+s4+$0x0], $0xffff  }
0x73: {  	v18 =	vld [tilespmem:$0x1FD30]  }
0x74: {  	v10 =	vld.idx.msk [tilespmem:v22+s4+$0x0], $0xffff  }
0x75: {  	v22 =	vld [tilespmem:$0x1FD50]  }
0x76: {  	v11 =	vsub.f32 v16, v11;
	v16 =	vld [tilespmem:$0x1FD10];
	_ =	sdelay $0x2  }
0x77: {  	v19 =	vor.u32 v19, v3  }
0x78: {  	v14 =	vor.u32 v14, v3;
	v21 =	vor.u32 v21, v3;
	v20 =	vor.u32 v20, v3  }
0x79: {  	v18 =	vor.u32 v18, v3;
	v22 =	vor.u32 v22, v3;
	v16 =	vor.u32 v16, v3;
	v3 =	vld [tilespmem:$0x1FF60];
	_ =	sdelay $0x3  }
0x7a: {  	v9 =	vmin.f32 v8, v9;
	v8 =	vmov v7;
	v7 =	vld [tilespmem:$0x1FF70]  }
0x7b: {  	v13 =	vsub.f32 v13, v3;
	v3 =	vmov v2;
	v2 =	vmin.f32 v9, v11;
	v11 =	vld [tilespmem:$0x1FF80]  }
0x7c: {  	v19 =	vld.idx.msk [tilespmem:v19+s4+$0x0], $0xffff;
	_ =	sdelay $0x1  }
0x7d: {  	v14 =	vld.idx.msk [tilespmem:v14+s4+$0x0], $0xffff  }
0x7e: {  	v21 =	vld.idx.msk [tilespmem:v21+s4+$0x0], $0xffff;
	v7 =	vsub.f32 v12, v7  }
0x7f: {  	v9 =	vld.idx.msk [tilespmem:v22+s4+$0x0], $0xffff;
	v2 =	vmin.f32 v2, v13;
	v10 =	vsub.f32 v10, v11  }
0x80: {  	v2 =	vmin.f32 v2, v7;
	v7 =	vsub.f32 v19, v0;
	v11 =	vld.idx.msk [tilespmem:v20+s4+$0x0], $0xffff  }
0x81: {  	v2 =	vmin.f32 v2, v10;
	v10 =	vsub.f32 v17, v55  }
0x82: {  	v2 =	vmin.f32 v2, v7;
	v7 =	vsub.f32 v14, v58  }
0x83: {  	v2 =	vmin.f32 v2, v10;
	v10 =	vsub.f32 v21, v52  }
0x84: {  	v2 =	vmin.f32 v2, v7;
	v7 =	vsub.f32 v9, v59  }
0x85: {  	v12 =	vld.idx.msk [tilespmem:v18+s4+$0x0], $0xffff;
	v9 =	vsub.f32 v11, v57;
	v2 =	vmin.f32 v2, v10  }
0x86: {  	v13 =	vld.idx.msk [tilespmem:v16+s4+$0x0], $0xffff;
	v2 =	vmin.f32 v2, v7  }
0x87: {  	v2 =	vmin.f32 v2, v9;
	v9 =	vld [tilespmem:$0x1FE50];
	_ =	sdelay $0x3  }
0x88: {  	v7 =	vsub.f32 v12, v45  }
0x89: {  	v9 =	vsub.f32 v13, v9  }
0x8a: {  	v2 =	vmin.f32 v2, v7  }
0x8b: {  	v2 =	vmin.f32 v2, v9  }
0x8c: {  	vm0 =	vgt.f32 v2, $0.0e+00;
	v2 =	vimm.s32 $0x0  }
0x8d: {  	s2 =	smov.u32 s0;
	v10 =	vor.u32 v27, v3;
	v2 =	vsel vm0, $0x1, v2  }
0x8e: {  	v16 =	vor.u32 v28, v3;
	v9 =	vmov s2;
	[tilespmem:s25+$0x0] =	vst v2  }
0x8f: {  	p0 =	sne.s32 s0, $0x30;
	v7 =	vor.u32 v26, v3;
	v2 =	vshll.u32 v9, $0x8;
	v9 =	vld.idx.msk [tilespmem:v6+s4+$0x0], $0xffff  }
.Ltmp0:
0x90: {  	v11 =	vld.idx.msk [tilespmem:v4+s4+$0x0], $0xffff;
	(pc) =	sbr.rel @p0 .LBB2_3-.Ltmp0, $4  }
0x91: {  	v18 =	vor.u32 v32, v3;
	v2 =	vor.u32 v23, v2;
	v12 =	vld.idx.msk [tilespmem:v5+s4+$0x0], $0xffff  }
0x92: {  	v22 =	vmovc v0;
	v19 =	vor.u32 v31, v3;
	v20 =	vor.u32 v29, v3;
	v14 =	vld.idx.msk [tilespmem:v10+s4+$0x0], $0xffff;
	v2 =	vand.u32 $0x3800, v2  }
0x93: {  	s31 =	sadd.s32 $0x10, s31;
	v17 =	vor.u32 v30, v3;
	v10 =	vld.idx.msk [tilespmem:v16+s4+$0x0], $0xffff;
	v16 =	vor.u32 v33, v3;
	v6 =	vor.u32 v48, v2  }
0x94: {  	s0 =	sadd.s32 $0x10, s0;
	s25 =	smov.u32 s31;
	v13 =	vld.idx.msk [tilespmem:v7+s4+$0x0], $0xffff;
	v4 =	vor.u32 v24, v2;
	v5 =	vor.u32 v25, v2;
	v7 =	vor.u32 v34, v2  }
0x95: {  	_ =	sdelay $0x3  }
0x96: {  	v20 =	vld.idx.msk [tilespmem:v20+s4+$0x0], $0xffff  }
0x97: {  	v21 =	vld [tilespmem:$0x1FDF0]  }
0x98: {  	v17 =	vld.idx.msk [tilespmem:v17+s4+$0x0], $0xffff  }
0x99: {  	v18 =	vld.idx.msk [tilespmem:v18+s4+$0x0], $0xffff  }
0x9a: {  	v19 =	vld.idx.msk [tilespmem:v19+s4+$0x0], $0xffff  }
0x9b: {  	v8 =	vld.idx.msk [tilespmem:v8+s4+$0x0], $0xffff  }
0x9c: {  	v11 =	vsub.f32 v11, v60;
	v16 =	vld.idx.msk [tilespmem:v16+s4+$0x0], $0xffff;
	v12 =	vsub.f32 v12, v61  }
0x9d: {  	v10 =	vsub.f32 v10, v42;
	v42 =	vld [tilespmem:$0x1FDD0];
	v9 =	vsub.f32 v9, v21;
	v21 =	vor.u32 v51, v3  }
0x9e: {  	v14 =	vsub.f32 v14, v46;
	v46 =	vor.u32 v62, v3;
	v18 =	vsub.f32 v18, v36;
	v36 =	vld [tilespmem:$0x1FDB0]  }
0x9f: {  	v13 =	vsub.f32 v13, v50;
	v19 =	vsub.f32 v19, v47;
	v47 =	vld [tilespmem:$0x1FD60];
	v9 =	vmin.f32 v9, v11  }
0xa0: {  	v8 =	vsub.f32 v8, v38;
	v38 =	vld [tilespmem:$0x1FD20];
	v11 =	vor.u32 v56, v3;
	v9 =	vmin.f32 v9, v12  }
0xa1: {  	v56 =	vmov v50;
	v50 =	vld [tilespmem:$0x1FDC0];
	v9 =	vmin.f32 v9, v13  }
0xa2: {  	v12 =	vor.u32 v1, v3;
	v9 =	vmin.f32 v9, v14;
	v21 =	vld.idx.msk [tilespmem:v21+s4+$0x0], $0xffff  }
0xa3: {  	v20 =	vsub.f32 v20, v41;
	v13 =	vor.u32 v15, v3;
	v9 =	vmin.f32 v9, v10;
	v10 =	vld.idx.msk [tilespmem:v46+s4+$0x0], $0xffff  }
0xa4: {  	v17 =	vsub.f32 v17, v44;
	v46 =	vld [tilespmem:$0x1FD90]  }
0xa5: {  	v14 =	vor.u32 v63, v3;
	v11 =	vld.idx.msk [tilespmem:v11+s4+$0x0], $0xffff;
	v9 =	vmin.f32 v9, v20  }
0xa6: {  	v9 =	vmin.f32 v9, v17;
	v17 =	vld [tilespmem:$0x1FDE0]  }
0xa7: {  	v12 =	vld.idx.msk [tilespmem:v12+s4+$0x0], $0xffff  }
0xa8: {  	v13 =	vld.idx.msk [tilespmem:v13+s4+$0x0], $0xffff  }
0xa9: {  	v20 =	vor.u32 v42, v3;
	v9 =	vmin.f32 v9, v19;
	v19 =	vor.u32 v50, v3;
	v50 =	vld [tilespmem:$0x1FD40]  }
0xaa: {  	v14 =	vld.idx.msk [tilespmem:v14+s4+$0x0], $0xffff  }
0xab: {  	v16 =	vsub.f32 v16, v37;
	v21 =	vsub.f32 v21, v54;
	v54 =	vld [tilespmem:$0x1FD80];
	v17 =	vor.u32 v17, v3  }
0xac: {  	v9 =	vmin.f32 v9, v18;
	v18 =	vor.u32 v36, v3;
	v36 =	vld [tilespmem:$0x1FF50]  }
0xad: {  	v9 =	vmin.f32 v9, v16;
	v16 =	vld [tilespmem:$0x1FDA0]  }
0xae: {  	v20 =	vld.idx.msk [tilespmem:v20+s4+$0x0], $0xffff;
	v8 =	vmin.f32 v9, v8;
	v11 =	vsub.f32 v11, v39  }
0xaf: {  	v8 =	vmin.f32 v8, v21;
	v12 =	vsub.f32 v12, v40;
	v40 =	vld [tilespmem:$0x1FF40]  }
0xb0: {  	v8 =	vmin.f32 v8, v11;
	v13 =	vsub.f32 v13, v49;
	v17 =	vld.idx.msk [tilespmem:v17+s4+$0x0], $0xffff  }
0xb1: {  	v19 =	vld.idx.msk [tilespmem:v19+s4+$0x0], $0xffff;
	v8 =	vmin.f32 v8, v12;
	v14 =	vsub.f32 v14, v35  }
0xb2: {  	v10 =	vsub.f32 v10, v43;
	v18 =	vld.idx.msk [tilespmem:v18+s4+$0x0], $0xffff;
	v8 =	vmin.f32 v8, v13  }
0xb3: {  	v9 =	vor.u32 v46, v3;
	v12 =	vld [tilespmem:$0x1FD70];
	v8 =	vmin.f32 v8, v14  }
0xb4: {  	v11 =	vor.u32 v47, v3;
	v8 =	vmin.f32 v8, v10;
	v10 =	vor.u32 v38, v3;
	v38 =	vld [tilespmem:$0x1FF60]  }
0xb5: {  	v16 =	vor.u32 v16, v3;
	v17 =	vsub.f32 v17, v40;
	v40 =	vld [tilespmem:$0x1FD30]  }
0xb6: {  	v39 =	vmov v35;
	v35 =	vld [tilespmem:$0x1FD10]  }
0xb7: {  	v14 =	vld [tilespmem:$0x1FD50];
	v20 =	vsub.f32 v20, v53  }
0xb8: {  	v21 =	vor.u32 v54, v3;
	v9 =	vld.idx.msk [tilespmem:v9+s4+$0x0], $0xffff  }
0xb9: {  	v11 =	vld.idx.msk [tilespmem:v11+s4+$0x0], $0xffff;
	v8 =	vmin.f32 v8, v20;
	v19 =	vsub.f32 v19, v36;
	v12 =	vor.u32 v12, v3  }
0xba: {  	v16 =	vld.idx.msk [tilespmem:v16+s4+$0x0], $0xffff;
	v8 =	vmin.f32 v8, v17;
	v17 =	vsub.f32 v18, v38;
	v20 =	vor.u32 v40, v3  }
0xbb: {  	v13 =	vor.u32 v50, v3;
	v18 =	vld [tilespmem:$0x1FF70];
	v8 =	vmin.f32 v8, v19  }
0xbc: {  	v14 =	vor.u32 v14, v3;
	v8 =	vmin.f32 v8, v17;
	v17 =	vld [tilespmem:$0x1FF80]  }
0xbd: {  	v21 =	vld.idx.msk [tilespmem:v21+s4+$0x0], $0xffff  }
0xbe: {  	v12 =	vld.idx.msk [tilespmem:v12+s4+$0x0], $0xffff;
	v3 =	vor.u32 v35, v3  }
0xbf: {  	v53 =	vld.idx.msk [tilespmem:v20+s4+$0x0], $0xffff  }
0xc0: {  	v13 =	vld.idx.msk [tilespmem:v13+s4+$0x0], $0xffff;
	v16 =	vsub.f32 v16, v18  }
0xc1: {  	v14 =	vld.idx.msk [tilespmem:v14+s4+$0x0], $0xffff;
	v9 =	vsub.f32 v9, v17  }
0xc2: {  	v10 =	vld.idx.msk [tilespmem:v10+s4+$0x0], $0xffff;
	v8 =	vmin.f32 v8, v16;
	v16 =	vsub.f32 v21, v22  }
0xc3: {  	v11 =	vsub.f32 v11, v55;
	v3 =	vld.idx.msk [tilespmem:v3+s4+$0x0], $0xffff;
	v8 =	vmin.f32 v8, v9  }
0xc4: {  	v12 =	vsub.f32 v12, v58;
	v8 =	vmin.f32 v8, v16;
	v9 =	vsub.f32 v53, v45;
	v53 =	vld [tilespmem:$0x1FE50]  }
0xc5: {  	v19 =	vmov v55;
	v55 =	vsub.f32 v13, v52;
	v8 =	vmin.f32 v8, v11  }
0xc6: {  	v8 =	vmin.f32 v8, v12;
	v12 =	vsub.f32 v14, v59  }
0xc7: {  	v10 =	vsub.f32 v10, v57;
	v8 =	vmin.f32 v8, v55  }
0xc8: {  	v8 =	vmin.f32 v8, v12  }
0xc9: {  	v8 =	vmin.f32 v8, v10;
	v3 =	vsub.f32 v3, v53  }
0xca: {  	v8 =	vmin.f32 v8, v9  }
0xcb: {  	v3 =	vmin.f32 v8, v3  }
0xcc: {  	v21 =	vld [tilespmem:$0x1FEE0];
	v8 =	vimm.s32 $0x0;
	vm0 =	vgt.f32 v3, $0.0e+00  }
0xcd: {  	v20 =	vld [tilespmem:$0x1FE60];
	v55 =	vor.u32 v27, v2;
	v8 =	vsel vm0, $0x1, v8  }
0xce: {  	v57 =	vor.u32 v29, v2;
	v53 =	vld [tilespmem:$0x1FDF0];
	[tilespmem:s25+$0x0] =	vst v8  }
0xcf: {  	v59 =	vor.u32 v30, v2;
	v6 =	vld.idx.msk [tilespmem:v6+s4+$0x0], $0xffff  }
0xd0: {  	v4 =	vld.idx.msk [tilespmem:v4+s4+$0x0], $0xffff  }
0xd1: {  	v5 =	vld.idx.msk [tilespmem:v5+s4+$0x0], $0xffff  }
0xd2: {  	v3 =	vor.u32 v26, v2;
	v9 =	vld.idx.msk [tilespmem:v55+s4+$0x0], $0xffff  }
0xd3: {  	v8 =	vor.u32 v28, v2;
	v10 =	vld.idx.msk [tilespmem:v57+s4+$0x0], $0xffff  }
0xd4: {  	v12 =	vor.u32 v31, v2;
	v11 =	vld.idx.msk [tilespmem:v59+s4+$0x0], $0xffff  }
0xd5: {  	v13 =	vor.u32 v32, v2;
	v59 =	vld [tilespmem:$0x1FFF0]  }
0xd6: {  	v14 =	vor.u32 v33, v2;
	v55 =	vld [tilespmem:$0x1FFD0]  }
0xd7: {  	v3 =	vld.idx.msk [tilespmem:v3+s4+$0x0], $0xffff  }
0xd8: {  	v8 =	vld.idx.msk [tilespmem:v8+s4+$0x0], $0xffff  }
0xd9: {  	v16 =	vor.u32 v51, v2;
	v12 =	vld.idx.msk [tilespmem:v12+s4+$0x0], $0xffff;
	v6 =	vsub.f32 v6, v53;
	v4 =	vsub.f32 v4, v60  }
0xda: {  	v13 =	vld.idx.msk [tilespmem:v13+s4+$0x0], $0xffff  }
0xdb: {  	v14 =	vld.idx.msk [tilespmem:v14+s4+$0x0], $0xffff;
	v5 =	vsub.f32 v5, v61;
	v4 =	vmin.f32 v6, v4;
	v6 =	vor.u32 v59, v2  }
0xdc: {  	v7 =	vld.idx.msk [tilespmem:v7+s4+$0x0], $0xffff;
	v3 =	vsub.f32 v3, v56  }
0xdd: {  	v9 =	vsub.f32 v9, v55;
	v4 =	vmin.f32 v4, v5;
	v8 =	vsub.f32 v8, v20;
	v20 =	vld [tilespmem:$0x1FEA0]  }
0xde: {  	v16 =	vld.idx.msk [tilespmem:v16+s4+$0x0], $0xffff;
	v5 =	vor.u32 v1, v2;
	v3 =	vmin.f32 v4, v3  }
0xdf: {  	v57 =	vld [tilespmem:$0x1FDE0];
	v10 =	vsub.f32 v10, v41;
	v3 =	vmin.f32 v3, v9  }
0xe0: {  	v4 =	vor.u32 v15, v2;
	v3 =	vmin.f32 v3, v8;
	v6 =	vld.idx.msk [tilespmem:v6+s4+$0x0], $0xffff  }
0xe1: {  	v9 =	vor.u32 v63, v2;
	v3 =	vmin.f32 v3, v10;
	v10 =	vor.u32 v42, v2;
	v42 =	vld [tilespmem:$0x1FE90]  }
0xe2: {  	v11 =	vsub.f32 v11, v44;
	v13 =	vsub.f32 v13, v20;
	v20 =	vld [tilespmem:$0x1FEC0]  }
0xe3: {  	v8 =	vor.u32 v62, v2;
	v5 =	vld.idx.msk [tilespmem:v5+s4+$0x0], $0xffff  }
0xe4: {  	v3 =	vmin.f32 v3, v11;
	v11 =	vor.u32 v57, v2;
	v57 =	vld [tilespmem:$0x1FF40]  }
0xe5: {  	v4 =	vld.idx.msk [tilespmem:v4+s4+$0x0], $0xffff  }
0xe6: {  	v9 =	vld.idx.msk [tilespmem:v9+s4+$0x0], $0xffff  }
0xe7: {  	v7 =	vsub.f32 v7, v20;
	v20 =	vld [tilespmem:$0x1FED0]  }
0xe8: {  	v8 =	vld.idx.msk [tilespmem:v8+s4+$0x0], $0xffff;
	v12 =	vsub.f32 v12, v42  }
0xe9: {  	v10 =	vld.idx.msk [tilespmem:v10+s4+$0x0], $0xffff  }
0xea: {  	v14 =	vsub.f32 v14, v37;
	v3 =	vmin.f32 v3, v12;
	v12 =	vld [tilespmem:$0x1FDC0]  }
0xeb: {  	v3 =	vmin.f32 v3, v13;
	v13 =	vld [tilespmem:$0x1FDB0]  }
0xec: {  	v3 =	vmin.f32 v3, v14;
	v14 =	vld [tilespmem:$0x1FDA0];
	v16 =	vsub.f32 v16, v20  }
0xed: {  	v11 =	vld.idx.msk [tilespmem:v11+s4+$0x0], $0xffff;
	v3 =	vmin.f32 v3, v7  }
0xee: {  	v7 =	vor.u32 v46, v2;
	v3 =	vmin.f32 v3, v16;
	v16 =	vor.u32 v54, v2;
	v54 =	vld [tilespmem:$0x1FEF0]  }
0xef: {  	v6 =	vsub.f32 v6, v21;
	v4 =	vsub.f32 v4, v49;
	v49 =	vld [tilespmem:$0x1FF30];
	v12 =	vor.u32 v12, v2  }
0xf0: {  	v9 =	vsub.f32 v9, v39;
	v39 =	vld [tilespmem:$0x1FD20];
	v13 =	vor.u32 v13, v2  }
0xf1: {  	v14 =	vor.u32 v14, v2;
	v3 =	vmin.f32 v3, v6;
	v6 =	vor.u32 v47, v2;
	v47 =	vld [tilespmem:$0x1FD70]  }
0xf2: {  	v8 =	vsub.f32 v8, v43;
	v43 =	vld [tilespmem:$0x1FD50]  }
0xf3: {  	v7 =	vld.idx.msk [tilespmem:v7+s4+$0x0], $0xffff;
	v5 =	vsub.f32 v5, v54  }
0xf4: {  	v40 =	vor.u32 v40, v2;
	v12 =	vld.idx.msk [tilespmem:v12+s4+$0x0], $0xffff  }
0xf5: {  	v13 =	vld.idx.msk [tilespmem:v13+s4+$0x0], $0xffff;
	v3 =	vmin.f32 v3, v5  }
0xf6: {  	v14 =	vld.idx.msk [tilespmem:v14+s4+$0x0], $0xffff;
	v5 =	vor.u32 v47, v2;
	v3 =	vmin.f32 v3, v4  }
0xf7: {  	v10 =	vsub.f32 v10, v49;
	v16 =	vld.idx.msk [tilespmem:v16+s4+$0x0], $0xffff;
	v4 =	vor.u32 v50, v2;
	v3 =	vmin.f32 v3, v9  }
0xf8: {  	v6 =	vld.idx.msk [tilespmem:v6+s4+$0x0], $0xffff;
	v9 =	vor.u32 v43, v2;
	v3 =	vmin.f32 v3, v8  }
0xf9: {  	v11 =	vsub.f32 v11, v57;
	v3 =	vmin.f32 v3, v10;
	v10 =	vld.idx.msk [tilespmem:v40+s4+$0x0], $0xffff  }
0xfa: {  	v12 =	vsub.f32 v12, v36;
	v40 =	vld [tilespmem:$0x1FE20]  }
0xfb: {  	v46 =	vmov v50;
	v50 =	vsub.f32 v13, v38;
	v5 =	vld.idx.msk [tilespmem:v5+s4+$0x0], $0xffff;
	v3 =	vmin.f32 v3, v11  }
0xfc: {  	v8 =	vor.u32 v39, v2;
	v4 =	vld.idx.msk [tilespmem:v4+s4+$0x0], $0xffff;
	v3 =	vmin.f32 v3, v12;
	v12 =	vsub.f32 v14, v18  }
0xfd: {  	v7 =	vsub.f32 v7, v17;
	v9 =	vld.idx.msk [tilespmem:v9+s4+$0x0], $0xffff;
	v3 =	vmin.f32 v3, v50  }
0xfe: {  	v2 =	vor.u32 v35, v2;
	v18 =	vsub.f32 v16, v22;
	v3 =	vmin.f32 v3, v12  }
0xff: {  	v6 =	vsub.f32 v6, v19;
	v3 =	vmin.f32 v3, v7  }
0x100: {  	v3 =	vmin.f32 v3, v18;
	v5 =	vsub.f32 v5, v58  }
0x101: {  	v8 =	vld.idx.msk [tilespmem:v8+s4+$0x0], $0xffff;
	v3 =	vmin.f32 v3, v6;
	v4 =	vsub.f32 v4, v52  }
0x102: {  	v52 =	vld [tilespmem:$0x1FE30];
	v3 =	vmin.f32 v3, v5;
	v5 =	vsub.f32 v9, v40  }
0x103: {  	v2 =	vld.idx.msk [tilespmem:v2+s4+$0x0], $0xffff;
	v3 =	vmin.f32 v3, v4  }
0x104: {  	v3 =	vmin.f32 v3, v5;
	v5 =	vsub.f32 v10, v45;
	v45 =	vld [tilespmem:$0x1FE50];
	_ =	sdelay $0x2  }
0x105: {  	v4 =	vsub.f32 v8, v52;
	_ =	sdelay $0x1  }
0x106: {  	s0 =	simm.s32 $0x0;
	v3 =	vmin.f32 v3, v4;
	v2 =	vsub.f32 v2, v45  }
0x107: {  	v4 =	vmov s0;
	v3 =	vmin.f32 v3, v5  }
0x108: {  	v2 =	vmin.f32 v3, v2;
	v3 =	vshll.u32 v4, $0x8  }
0x109: {  	vm15 =	vgt.f32 v2, $0.0e+00;
	v2 =	vor.u32 v23, v3;
	v3 =	vimm.s32 $0x0  }
0x10a: {  	s14 =	sadd.s32 $0x10, s31;
	v3 =	vsel vm15, $0x1, v3  }
0x10b: {  	[tilespmem:s14+$0x0] =	vst v3  }
0x10c: {  	p0 =	seq.s32 s30, $0x12;
	v2 =	vand.u32 $0x3800, v2;
	_ =	swait.ge [sflag:s20], $0x4000  }
0x10d: {  	s31 =	sshll.u32 @!p0 s30, $0x10;
	v3 =	vor.u32 v48, v2;
	v38 =	vld [tilespmem:$0x1FE60]  }
0x10e: {  	s0 =	sadd.s32 @!p0 s31, s9;
	v4 =	vor.u32 v24, v2;
	v50 =	vld [tilespmem:$0x1FDD0]  }
0x10f: {  	s0 =	sshrl.u32 @!p0 s0, $0x3;
	v5 =	vor.u32 v25, v2;
	[sflag:s20] =	ssyncset.done $0x0;
	v18 =	vld [tilespmem:$0x1FDC0]  }
0x110: {  	s2 =	simm.s32 @!p0 $0x0;
	s0 =	sadd.s32 @!p0 s1, s0;
	v6 =	vor.u32 v26, v2;
	v19 =	vld [tilespmem:$0x1FEB0];
	[sflag:s20] =	ssyncadd.s32 $0xFFFFC000  }
0x111: {  	v7 =	vor.u32 v27, v2;
	v17 =	vld [tilespmem:$0x1FF50];
	[tilespmem:s2], [sflag:$0x1] =	stream.linear.gather @!p0 [hbm4b:s0+s2], $0x4000, $0x38  }
0x112: {  	v8 =	vor.u32 v28, v2;
	v3 =	vld.idx.msk [tilespmem:v3+s16+$0x0], $0xffff  }
0x113: {  	v35 =	vor.u32 v29, v2;
	v4 =	vld.idx.msk [tilespmem:v4+s16+$0x0], $0xffff  }
0x114: {  	v36 =	vor.u32 v30, v2;
	v5 =	vld.idx.msk [tilespmem:v5+s16+$0x0], $0xffff  }
0x115: {  	v37 =	vor.u32 v31, v2;
	v6 =	vld.idx.msk [tilespmem:v6+s16+$0x0], $0xffff  }
0x116: {  	v12 =	vor.u32 v32, v2;
	v7 =	vld.idx.msk [tilespmem:v7+s16+$0x0], $0xffff  }
0x117: {  	v13 =	vor.u32 v33, v2;
	v8 =	vld.idx.msk [tilespmem:v8+s16+$0x0], $0xffff  }
0x118: {  	v14 =	vor.u32 v34, v2;
	v9 =	vld.idx.msk [tilespmem:v35+s16+$0x0], $0xffff  }
0x119: {  	v16 =	vor.u32 v51, v2;
	v10 =	vld.idx.msk [tilespmem:v36+s16+$0x0], $0xffff  }
0x11a: {  	v11 =	vld.idx.msk [tilespmem:v37+s16+$0x0], $0xffff  }
0x11b: {  	v12 =	vld.idx.msk [tilespmem:v12+s16+$0x0], $0xffff  }
0x11c: {  	v13 =	vld.idx.msk [tilespmem:v13+s16+$0x0], $0xffff  }
0x11d: {  	v14 =	vld.idx.msk [tilespmem:v14+s16+$0x0], $0xffff  }
0x11e: {  	v16 =	vld.idx.msk [tilespmem:v16+s16+$0x0], $0xffff;
	v3 =	vsub.f32 v3, v53;
	v4 =	vsub.f32 v4, v60  }
0x11f: {  	v58 =	vmovc v53;
	v35 =	vld [tilespmem:$0x1FEC0];
	v5 =	vsub.f32 v5, v61;
	v53 =	vmov v61;
	v6 =	vsub.f32 v6, v56  }
0x120: {  	v7 =	vsub.f32 v7, v55;
	v61 =	vmovc v55;
	v55 =	vld [tilespmem:$0x1FDE0];
	v3 =	vmin.f32 v3, v4;
	v4 =	vor.u32 v59, v2  }
0x121: {  	v60 =	vmovc v56;
	v8 =	vsub.f32 v8, v38;
	v56 =	vld [tilespmem:$0x1FEA0];
	v3 =	vmin.f32 v3, v5;
	v5 =	vor.u32 v1, v2  }
0x122: {  	v9 =	vsub.f32 v9, v41;
	v41 =	vld [tilespmem:$0x1FF00];
	v3 =	vmin.f32 v3, v6;
	v6 =	vor.u32 v15, v2  }
0x123: {  	v11 =	vsub.f32 v11, v42;
	v42 =	vld [tilespmem:$0x1FF10];
	v3 =	vmin.f32 v3, v7  }
0x124: {  	v10 =	vsub.f32 v10, v44;
	v44 =	vld [tilespmem:$0x1FF20];
	v7 =	vor.u32 v63, v2;
	v3 =	vmin.f32 v3, v8  }
0x125: {  	v3 =	vmin.f32 v3, v9;
	v4 =	vld.idx.msk [tilespmem:v4+s16+$0x0], $0xffff  }
0x126: {  	v12 =	vsub.f32 v12, v56;
	v8 =	vor.u32 v62, v2;
	v3 =	vmin.f32 v3, v10;
	v5 =	vld.idx.msk [tilespmem:v5+s16+$0x0], $0xffff  }
0x127: {  	v9 =	vor.u32 v50, v2;
	v3 =	vmin.f32 v3, v11;
	v6 =	vld.idx.msk [tilespmem:v6+s16+$0x0], $0xffff  }
0x128: {  	v13 =	vsub.f32 v13, v19;
	v3 =	vmin.f32 v3, v12;
	v12 =	vld [tilespmem:$0x1FDB0]  }
0x129: {  	v7 =	vld.idx.msk [tilespmem:v7+s16+$0x0], $0xffff  }
0x12a: {  	v3 =	vmin.f32 v3, v13;
	v13 =	vld [tilespmem:$0x1FDA0]  }
0x12b: {  	v14 =	vsub.f32 v14, v35;
	v10 =	vor.u32 v55, v2;
	v8 =	vld.idx.msk [tilespmem:v8+s16+$0x0], $0xffff  }
0x12c: {  	v9 =	vld.idx.msk [tilespmem:v9+s16+$0x0], $0xffff  }
0x12d: {  	v16 =	vsub.f32 v16, v20;
	v3 =	vmin.f32 v3, v14;
	v14 =	vld [tilespmem:$0x1FD90];
	v12 =	vor.u32 v12, v2  }
0x12e: {  	v4 =	vsub.f32 v4, v21;
	v21 =	vld [tilespmem:$0x1FF90]  }
0x12f: {  	v11 =	vor.u32 v18, v2;
	v3 =	vmin.f32 v3, v16;
	v16 =	vld [tilespmem:$0x1FD80]  }
0x130: {  	v10 =	vld.idx.msk [tilespmem:v10+s16+$0x0], $0xffff  }
0x131: {  	v13 =	vor.u32 v13, v2;
	v9 =	vsub.f32 v9, v49;
	v49 =	vld [tilespmem:$0x1FF60]  }
0x132: {  	v12 =	vld.idx.msk [tilespmem:v12+s16+$0x0], $0xffff  }
0x133: {  	v5 =	vsub.f32 v5, v54;
	v3 =	vmin.f32 v3, v4;
	v4 =	vld [tilespmem:$0x1FD60]  }
0x134: {  	v11 =	vld.idx.msk [tilespmem:v11+s16+$0x0], $0xffff  }
0x135: {  	v3 =	vmin.f32 v3, v5;
	v5 =	vor.u32 v47, v2;
	v47 =	vld [tilespmem:$0x1FD10]  }
0x136: {  	v6 =	vsub.f32 v6, v41;
	v14 =	vor.u32 v14, v2;
	v13 =	vld.idx.msk [tilespmem:v13+s16+$0x0], $0xffff  }
0x137: {  	v50 =	vsub.f32 v12, v49;
	v12 =	vld [tilespmem:$0x1FF70]  }
0x138: {  	v3 =	vmin.f32 v3, v6;
	v6 =	vor.u32 v46, v2;
	v46 =	vld [tilespmem:$0x1FD30];
	v16 =	vor.u32 v16, v2  }
0x139: {  	v10 =	vsub.f32 v10, v57;
	v57 =	vld [tilespmem:$0x1FE00];
	v4 =	vor.u32 v4, v2  }
0x13a: {  	v7 =	vsub.f32 v7, v42;
	v5 =	vld.idx.msk [tilespmem:v5+s16+$0x0], $0xffff  }
0x13b: {  	v8 =	vsub.f32 v8, v44;
	v14 =	vld.idx.msk [tilespmem:v14+s16+$0x0], $0xffff  }
0x13c: {  	v3 =	vmin.f32 v3, v7;
	v54 =	vsub.f32 v13, v12;
	v13 =	vld [tilespmem:$0x1FF80]  }
0x13d: {  	v3 =	vmin.f32 v3, v8;
	v8 =	vor.u32 v39, v2;
	v16 =	vld.idx.msk [tilespmem:v16+s16+$0x0], $0xffff  }
0x13e: {  	v3 =	vmin.f32 v3, v9;
	v11 =	vsub.f32 v11, v17;
	v4 =	vld.idx.msk [tilespmem:v4+s16+$0x0], $0xffff  }
0x13f: {  	v3 =	vmin.f32 v3, v10;
	v6 =	vld.idx.msk [tilespmem:v6+s16+$0x0], $0xffff  }
0x140: {  	v7 =	vor.u32 v43, v2;
	v3 =	vmin.f32 v3, v11;
	v49 =	vld [tilespmem:$0x1FE10]  }
0x141: {  	v9 =	vor.u32 v46, v2;
	v3 =	vmin.f32 v3, v50;
	v55 =	vsub.f32 v14, v13  }
0x142: {  	v8 =	vld.idx.msk [tilespmem:v8+s16+$0x0], $0xffff;
	v56 =	vsub.f32 v16, v22;
	v3 =	vmin.f32 v3, v54  }
0x143: {  	v2 =	vor.u32 v47, v2;
	v4 =	vsub.f32 v4, v21;
	v3 =	vmin.f32 v3, v55  }
0x144: {  	v5 =	vsub.f32 v5, v57;
	v3 =	vmin.f32 v3, v56  }
0x145: {  	v7 =	vld.idx.msk [tilespmem:v7+s16+$0x0], $0xffff;
	v3 =	vmin.f32 v3, v4;
	v4 =	vsub.f32 v6, v49  }
0x146: {  	v9 =	vld.idx.msk [tilespmem:v9+s16+$0x0], $0xffff;
	v3 =	vmin.f32 v3, v5  }
0x147: {  	v14 =	vmov v52;
	v3 =	vmin.f32 v3, v4;
	v4 =	vsub.f32 v8, v52;
	v52 =	vld [tilespmem:$0x1FE40]  }
0x148: {  	v2 =	vld.idx.msk [tilespmem:v2+s16+$0x0], $0xffff  }
0x149: {  	s25 =	simm.s32 $0x10  }
0x14a: {  	v6 =	vsub.f32 v7, v40;
	v5 =	vmov s25  }
0x14b: {  	v5 =	vshll.u32 v5, $0x8  }
0x14c: {  	v50 =	vmovc v40;
	v5 =	vor.u32 v23, v5;
	v3 =	vmin.f32 v3, v6;
	v7 =	vsub.f32 v9, v52  }
0x14d: {  	v56 =	vmovc v58;
	v58 =	vmovc v53;
	v8 =	vsub.f32 v2, v45;
	v2 =	vand.u32 $0x3800, v5;
	v4 =	vmin.f32 v3, v4  }
0x14e: {  	v55 =	vmovc v51;
	v6 =	vor.u32 v48, v2;
	v3 =	vor.u32 v24, v2;
	v4 =	vmin.f32 v4, v7  }
0x14f: {  	s0 =	simm.s32 $0x20;
	s2 =	smov.u32 s3;
	v57 =	vld [tilespmem:$0x1FFA0];
	v51 =	vmovc v14;
	s25 =	smov.u32 s3;
	v5 =	vor.u32 v25, v2;
	v7 =	vmin.f32 v4, v8;
	v4 =	vor.u32 v26, v2  }
.LBB2_5:
0x150: {  	v22 =	vld [tilespmem:$0x1FDD0]  }
0x151: {  	v35 =	vmov v23;
	v23 =	vld [tilespmem:$0x1FDE0]  }
0x152: {  	v36 =	vmov v24;
	v24 =	vld [tilespmem:$0x1FDC0]  }
0x153: {  	v37 =	vmov v25;
	v25 =	vld [tilespmem:$0x1FDB0]  }
0x154: {  	v38 =	vmov v26;
	v26 =	vld [tilespmem:$0x1FDA0]  }
0x155: {  	v8 =	vor.u32 v27, v2;
	v39 =	vmov v27;
	v27 =	vld [tilespmem:$0x1FD90]  }
0x156: {  	v9 =	vor.u32 v28, v2;
	v40 =	vmov v28;
	v28 =	vld [tilespmem:$0x1FD80]  }
0x157: {  	vm0 =	vgt.f32 v7, $0.0e+00;
	v7 =	vor.u32 v29, v2;
	v11 =	vimm.s32 $0x0;
	v41 =	vmovc v29;
	v29 =	vld [tilespmem:$0x1FD60]  }
0x158: {  	v10 =	vor.u32 v30, v2;
	v42 =	vmov v30;
	v30 =	vld [tilespmem:$0x1FD70];
	v11 =	vsel vm0, $0x1, v11  }
0x159: {  	v12 =	vor.u32 v31, v2;
	v43 =	vmov v31;
	v31 =	vld [tilespmem:$0x1FD40];
	[tilespmem:s2+$0x0] =	vst v11  }
0x15a: {  	v6 =	vld.idx.msk [tilespmem:v6+s16+$0x0], $0xffff  }
0x15b: {  	v3 =	vld.idx.msk [tilespmem:v3+s16+$0x0], $0xffff  }
0x15c: {  	v5 =	vld.idx.msk [tilespmem:v5+s16+$0x0], $0xffff  }
0x15d: {  	v45 =	vld [tilespmem:$0x1FD50]  }
0x15e: {  	v46 =	vld [tilespmem:$0x1FD20]  }
0x15f: {  	v53 =	vld [tilespmem:$0x1FD30]  }
0x160: {  	v4 =	vld.idx.msk [tilespmem:v4+s16+$0x0], $0xffff;
	v6 =	vsub.f32 v6, v56;
	v3 =	vsub.f32 v3, v57  }
0x161: {  	v8 =	vld.idx.msk [tilespmem:v8+s16+$0x0], $0xffff;
	v5 =	vsub.f32 v5, v58  }
0x162: {  	v9 =	vld.idx.msk [tilespmem:v9+s16+$0x0], $0xffff;
	v3 =	vmin.f32 v6, v3  }
0x163: {  	v13 =	vor.u32 v32, v2;
	v14 =	vor.u32 v33, v2;
	v3 =	vmin.f32 v3, v5;
	v5 =	vld [tilespmem:$0x1FE60]  }
0x164: {  	v16 =	vor.u32 v55, v2;
	v17 =	vor.u32 v59, v2;
	v18 =	vor.u32 v1, v2;
	v54 =	vld [tilespmem:$0x1FD10]  }
0x165: {  	v19 =	vor.u32 v15, v2;
	v20 =	vor.u32 v63, v2;
	v47 =	vmov v21;
	v7 =	vld.idx.msk [tilespmem:v7+s16+$0x0], $0xffff  }
0x166: {  	v21 =	vor.u32 v62, v2;
	v11 =	vor.u32 v34, v2;
	v10 =	vld.idx.msk [tilespmem:v10+s16+$0x0], $0xffff;
	v4 =	vsub.f32 v4, v60  }
0x167: {  	v22 =	vor.u32 v22, v2;
	v23 =	vor.u32 v23, v2;
	v12 =	vld.idx.msk [tilespmem:v12+s16+$0x0], $0xffff;
	v6 =	vsub.f32 v8, v61  }
0x168: {  	v24 =	vor.u32 v24, v2;
	v3 =	vmin.f32 v3, v4;
	v4 =	vld [tilespmem:$0x1FE70];
	v5 =	vsub.f32 v9, v5  }
0x169: {  	v25 =	vor.u32 v25, v2;
	v26 =	vor.u32 v26, v2;
	v3 =	vmin.f32 v3, v6;
	v6 =	vld [tilespmem:$0x1FE80]  }
0x16a: {  	v27 =	vor.u32 v27, v2;
	v28 =	vor.u32 v28, v2;
	v3 =	vmin.f32 v3, v5;
	v5 =	vld [tilespmem:$0x1FE90]  }
0x16b: {  	v44 =	vmovc v32;
	v29 =	vor.u32 v29, v2;
	v30 =	vor.u32 v30, v2;
	v31 =	vor.u32 v31, v2  }
0x16c: {  	v32 =	vor.u32 v45, v2;
	v45 =	vmovc v33;
	v33 =	vor.u32 v46, v2;
	v46 =	vmov v34;
	v13 =	vld.idx.msk [tilespmem:v13+s16+$0x0], $0xffff  }
0x16d: {  	v34 =	vor.u32 v53, v2;
	v2 =	vor.u32 v54, v2;
	v54 =	vld.idx.msk [tilespmem:v11+s16+$0x0], $0xffff;
	v4 =	vsub.f32 v7, v4  }
0x16e: {  	v8 =	vld.idx.msk [tilespmem:v14+s16+$0x0], $0xffff;
	v6 =	vsub.f32 v10, v6  }
0x16f: {  	v3 =	vmin.f32 v3, v4;
	v4 =	vld [tilespmem:$0x1FEA0];
	v5 =	vsub.f32 v12, v5  }
0x170: {  	v3 =	vmin.f32 v3, v6;
	v6 =	vld [tilespmem:$0x1FEB0]  }
0x171: {  	v3 =	vmin.f32 v3, v5;
	v5 =	vld [tilespmem:$0x1FEC0];
	_ =	sdelay $0x1  }
0x172: {  	v53 =	vld.idx.msk [tilespmem:v18+s16+$0x0], $0xffff  }
0x173: {  	v7 =	vld.idx.msk [tilespmem:v16+s16+$0x0], $0xffff;
	v4 =	vsub.f32 v13, v4  }
0x174: {  	v10 =	vld.idx.msk [tilespmem:v17+s16+$0x0], $0xffff;
	v6 =	vsub.f32 v8, v6  }
0x175: {  	v3 =	vmin.f32 v3, v4;
	v4 =	vld [tilespmem:$0x1FED0];
	v5 =	vsub.f32 v54, v5  }
0x176: {  	v3 =	vmin.f32 v3, v6;
	v6 =	vld [tilespmem:$0x1FEE0]  }
0x177: {  	v3 =	vmin.f32 v3, v5;
	v5 =	vld [tilespmem:$0x1FEF0];
	_ =	sdelay $0x1  }
0x178: {  	v12 =	vld.idx.msk [tilespmem:v19+s16+$0x0], $0xffff  }
0x179: {  	v8 =	vld.idx.msk [tilespmem:v20+s16+$0x0], $0xffff;
	v4 =	vsub.f32 v7, v4  }
0x17a: {  	v54 =	vld.idx.msk [tilespmem:v21+s16+$0x0], $0xffff;
	v6 =	vsub.f32 v10, v6  }
0x17b: {  	v3 =	vmin.f32 v3, v4;
	v4 =	vld [tilespmem:$0x1FF00];
	v5 =	vsub.f32 v53, v5  }
0x17c: {  	v3 =	vmin.f32 v3, v6;
	v6 =	vld [tilespmem:$0x1FF10]  }
0x17d: {  	v3 =	vmin.f32 v3, v5;
	v5 =	vld [tilespmem:$0x1FF20];
	_ =	sdelay $0x1  }
0x17e: {  	v7 =	vld.idx.msk [tilespmem:v22+s16+$0x0], $0xffff  }
0x17f: {  	v10 =	vld.idx.msk [tilespmem:v23+s16+$0x0], $0xffff;
	v4 =	vsub.f32 v12, v4  }
0x180: {  	v53 =	vld.idx.msk [tilespmem:v24+s16+$0x0], $0xffff;
	v6 =	vsub.f32 v8, v6  }
0x181: {  	v3 =	vmin.f32 v3, v4;
	v4 =	vld [tilespmem:$0x1FF30];
	v5 =	vsub.f32 v54, v5  }
0x182: {  	v3 =	vmin.f32 v3, v6;
	v6 =	vld [tilespmem:$0x1FF40]  }
0x183: {  	v3 =	vmin.f32 v3, v5;
	v5 =	vld [tilespmem:$0x1FF50]  }
0x184: {  	v18 =	vld [tilespmem:$0x1FE00]  }
0x185: {  	v12 =	vld.idx.msk [tilespmem:v25+s16+$0x0], $0xffff  }
0x186: {  	v8 =	vld.idx.msk [tilespmem:v26+s16+$0x0], $0xffff;
	v4 =	vsub.f32 v7, v4  }
0x187: {  	v54 =	vld.idx.msk [tilespmem:v27+s16+$0x0], $0xffff;
	v6 =	vsub.f32 v10, v6  }
0x188: {  	v3 =	vmin.f32 v3, v4;
	v4 =	vld [tilespmem:$0x1FF60];
	v5 =	vsub.f32 v53, v5  }
0x189: {  	v3 =	vmin.f32 v3, v6;
	v6 =	vld [tilespmem:$0x1FF70]  }
0x18a: {  	v3 =	vmin.f32 v3, v5;
	v5 =	vld [tilespmem:$0x1FF80]  }
0x18b: {  	v7 =	vld.idx.msk [tilespmem:v28+s16+$0x0], $0xffff  }
0x18c: {  	v10 =	vld.idx.msk [tilespmem:v29+s16+$0x0], $0xffff  }
0x18d: {  	v53 =	vld.idx.msk [tilespmem:v30+s16+$0x0], $0xffff;
	v4 =	vsub.f32 v12, v4  }
0x18e: {  	v12 =	vld.idx.msk [tilespmem:v31+s16+$0x0], $0xffff;
	v6 =	vsub.f32 v8, v6  }
0x18f: {  	v8 =	vld.idx.msk [tilespmem:v32+s16+$0x0], $0xffff;
	v3 =	vmin.f32 v3, v4;
	v5 =	vsub.f32 v54, v5  }
0x190: {  	v4 =	vsub.f32 v7, v0;
	v3 =	vmin.f32 v3, v6  }
0x191: {  	v6 =	vsub.f32 v10, v47;
	v3 =	vmin.f32 v3, v5  }
0x192: {  	v5 =	vsub.f32 v53, v18;
	v3 =	vmin.f32 v3, v4  }
0x193: {  	v2 =	vld.idx.msk [tilespmem:v2+s16+$0x0], $0xffff;
	v4 =	vsub.f32 v12, v49;
	v3 =	vmin.f32 v3, v6  }
0x194: {  	v54 =	vld.idx.msk [tilespmem:v33+s16+$0x0], $0xffff;
	v6 =	vsub.f32 v8, v50;
	v3 =	vmin.f32 v3, v5  }
0x195: {  	v7 =	vld.idx.msk [tilespmem:v34+s16+$0x0], $0xffff;
	v3 =	vmin.f32 v3, v4  }
0x196: {  	v3 =	vmin.f32 v3, v6;
	v6 =	vld [tilespmem:$0x1FE50]  }
0x197: {  	s14 =	smov.u32 s0  }
0x198: {  	p1 =	sne.s32 s0, $0x30;
	v21 =	vmovc v47;
	v23 =	vmov v35;
	v24 =	vmov v36;
	v8 =	vmov s14  }
.Ltmp1:
0x199: {  	v25 =	vmovc v37;
	v26 =	vmovc v38;
	v27 =	vmov v39;
	v5 =	vsub.f32 v54, v51;
	v8 =	vshll.u32 v8, $0x8;
	(pc) =	sbr.rel @p1 .LBB2_5-.Ltmp1, $4  }
0x19a: {  	v28 =	vmovc v40;
	v29 =	vmovc v41;
	v30 =	vmov v42;
	v4 =	vsub.f32 v7, v52;
	v7 =	vor.u32 v35, v8  }
0x19b: {  	v31 =	vmovc v43;
	v32 =	vmovc v44;
	v5 =	vmin.f32 v3, v5;
	v8 =	vsub.f32 v2, v6;
	v2 =	vand.u32 $0x3800, v7  }
0x19c: {  	s25 =	sadd.s32 $0x10, s25;
	v34 =	vmovc v46;
	v7 =	vmin.f32 v5, v4;
	v6 =	vor.u32 v48, v2;
	v3 =	vor.u32 v36, v2  }
0x19d: {  	s0 =	sadd.s32 $0x10, s0;
	s2 =	smov.u32 s25;
	v33 =	vmovc v45;
	v5 =	vor.u32 v37, v2;
	v4 =	vor.u32 v38, v2;
	v7 =	vmin.f32 v7, v8  }
0x19e: {  	v19 =	vld [tilespmem:$0x1FE60]  }
0x19f: {  	v54 =	vld [tilespmem:$0x1FE70]  }
0x1a0: {  	v16 =	vor.u32 v55, v2;
	v55 =	vld [tilespmem:$0x1FE80]  }
0x1a1: {  	vm0 =	vgt.f32 v7, $0.0e+00;
	v7 =	vimm.s32 $0x0;
	v22 =	vld [tilespmem:$0x1FDD0]  }
0x1a2: {  	v53 =	vld [tilespmem:$0x1FE90];
	v7 =	vsel vm0, $0x1, v7  }
0x1a3: {  	v8 =	vor.u32 v27, v2;
	v20 =	vld [tilespmem:$0x1FDC0];
	[tilespmem:s2+$0x0] =	vst v7  }
0x1a4: {  	v9 =	vor.u32 v29, v2;
	v6 =	vld.idx.msk [tilespmem:v6+s16+$0x0], $0xffff  }
0x1a5: {  	v10 =	vor.u32 v30, v2;
	v3 =	vld.idx.msk [tilespmem:v3+s16+$0x0], $0xffff  }
0x1a6: {  	v11 =	vor.u32 v31, v2;
	v5 =	vld.idx.msk [tilespmem:v5+s16+$0x0], $0xffff  }
0x1a7: {  	v12 =	vor.u32 v32, v2;
	v4 =	vld.idx.msk [tilespmem:v4+s16+$0x0], $0xffff  }
0x1a8: {  	v13 =	vor.u32 v33, v2;
	v8 =	vld.idx.msk [tilespmem:v8+s16+$0x0], $0xffff  }
0x1a9: {  	v7 =	vor.u32 v28, v2;
	v9 =	vld.idx.msk [tilespmem:v9+s16+$0x0], $0xffff  }
0x1aa: {  	v14 =	vor.u32 v34, v2;
	v10 =	vld.idx.msk [tilespmem:v10+s16+$0x0], $0xffff  }
0x1ab: {  	v11 =	vld.idx.msk [tilespmem:v11+s16+$0x0], $0xffff  }
0x1ac: {  	v12 =	vld.idx.msk [tilespmem:v12+s16+$0x0], $0xffff  }
0x1ad: {  	v13 =	vld.idx.msk [tilespmem:v13+s16+$0x0], $0xffff  }
0x1ae: {  	v7 =	vld.idx.msk [tilespmem:v7+s16+$0x0], $0xffff;
	v6 =	vsub.f32 v6, v56;
	v3 =	vsub.f32 v3, v57  }
0x1af: {  	v14 =	vld.idx.msk [tilespmem:v14+s16+$0x0], $0xffff  }
0x1b0: {  	v16 =	vld.idx.msk [tilespmem:v16+s16+$0x0], $0xffff;
	v5 =	vsub.f32 v5, v58;
	v3 =	vmin.f32 v6, v3;
	v6 =	vor.u32 v59, v2  }
0x1b1: {  	v4 =	vsub.f32 v4, v60;
	v9 =	vsub.f32 v9, v54;
	v54 =	vld [tilespmem:$0x1FDE0]  }
0x1b2: {  	v8 =	vsub.f32 v8, v61;
	v10 =	vsub.f32 v10, v55;
	v55 =	vld [tilespmem:$0x1FEA0];
	v3 =	vmin.f32 v3, v5  }
0x1b3: {  	v11 =	vsub.f32 v11, v53;
	v53 =	vld [tilespmem:$0x1FEC0];
	v3 =	vmin.f32 v3, v4;
	v7 =	vsub.f32 v7, v19  }
0x1b4: {  	v5 =	vor.u32 v1, v2;
	v19 =	vld [tilespmem:$0x1FD60];
	v3 =	vmin.f32 v3, v8  }
0x1b5: {  	v3 =	vmin.f32 v3, v7;
	v6 =	vld.idx.msk [tilespmem:v6+s16+$0x0], $0xffff  }
0x1b6: {  	v4 =	vor.u32 v15, v2;
	v3 =	vmin.f32 v3, v9;
	v9 =	vor.u32 v22, v2;
	v22 =	vld [tilespmem:$0x1FEB0]  }
0x1b7: {  	v8 =	vor.u32 v63, v2;
	v12 =	vsub.f32 v12, v55;
	v55 =	vld [tilespmem:$0x1FEE0]  }
0x1b8: {  	v14 =	vsub.f32 v14, v53;
	v53 =	vld [tilespmem:$0x1FF10]  }
0x1b9: {  	v5 =	vld.idx.msk [tilespmem:v5+s16+$0x0], $0xffff  }
0x1ba: {  	v7 =	vor.u32 v62, v2;
	v3 =	vmin.f32 v3, v10;
	v10 =	vor.u32 v54, v2;
	v54 =	vld [tilespmem:$0x1FED0]  }
0x1bb: {  	v4 =	vld.idx.msk [tilespmem:v4+s16+$0x0], $0xffff  }
0x1bc: {  	v8 =	vld.idx.msk [tilespmem:v8+s16+$0x0], $0xffff  }
0x1bd: {  	v3 =	vmin.f32 v3, v11;
	v11 =	vor.u32 v20, v2;
	v20 =	vld [tilespmem:$0x1FF00]  }
0x1be: {  	v3 =	vmin.f32 v3, v12;
	v12 =	vld [tilespmem:$0x1FDB0]  }
0x1bf: {  	v7 =	vld.idx.msk [tilespmem:v7+s16+$0x0], $0xffff  }
0x1c0: {  	v9 =	vld.idx.msk [tilespmem:v9+s16+$0x0], $0xffff  }
0x1c1: {  	v8 =	vsub.f32 v8, v53;
	v53 =	vld [tilespmem:$0x1FF30]  }
0x1c2: {  	v13 =	vsub.f32 v13, v22;
	v22 =	vld [tilespmem:$0x1FEF0]  }
0x1c3: {  	v6 =	vsub.f32 v6, v55;
	v55 =	vld [tilespmem:$0x1FD40]  }
0x1c4: {  	v10 =	vld.idx.msk [tilespmem:v10+s16+$0x0], $0xffff  }
0x1c5: {  	v16 =	vsub.f32 v16, v54;
	v54 =	vld [tilespmem:$0x1FF20]  }
0x1c6: {  	v9 =	vsub.f32 v9, v53;
	v53 =	vld [tilespmem:$0x1FF40]  }
0x1c7: {  	v3 =	vmin.f32 v3, v13;
	v13 =	vld [tilespmem:$0x1FDA0]  }
0x1c8: {  	v11 =	vld.idx.msk [tilespmem:v11+s16+$0x0], $0xffff  }
0x1c9: {  	v4 =	vsub.f32 v4, v20;
	v20 =	vld [tilespmem:$0x1FD30]  }
0x1ca: {  	v3 =	vmin.f32 v3, v14;
	v14 =	vld [tilespmem:$0x1FD90]  }
0x1cb: {  	v10 =	vsub.f32 v10, v53;
	v53 =	vld [tilespmem:$0x1FF50]  }
0x1cc: {  	v3 =	vmin.f32 v3, v16;
	v16 =	vld [tilespmem:$0x1FD80]  }
0x1cd: {  	v5 =	vsub.f32 v5, v22;
	v22 =	vld [tilespmem:$0x1FD20]  }
0x1ce: {  	v3 =	vmin.f32 v3, v6;
	v7 =	vsub.f32 v7, v54;
	v54 =	vld [tilespmem:$0x1FD50]  }
0x1cf: {  	v12 =	vor.u32 v12, v2;
	v3 =	vmin.f32 v3, v5;
	v5 =	vld [tilespmem:$0x1FD70]  }
0x1d0: {  	v11 =	vsub.f32 v11, v53;
	v53 =	vld [tilespmem:$0x1FD10]  }
0x1d1: {  	v6 =	vor.u32 v19, v2;
	v3 =	vmin.f32 v3, v4  }
0x1d2: {  	v13 =	vor.u32 v13, v2;
	v14 =	vor.u32 v14, v2;
	v3 =	vmin.f32 v3, v8  }
0x1d3: {  	v4 =	vor.u32 v55, v2;
	v16 =	vor.u32 v16, v2;
	v3 =	vmin.f32 v3, v7  }
0x1d4: {  	v12 =	vld.idx.msk [tilespmem:v12+s16+$0x0], $0xffff;
	v7 =	vor.u32 v22, v2;
	v8 =	vor.u32 v54, v2;
	v3 =	vmin.f32 v3, v9  }
0x1d5: {  	v9 =	vor.u32 v20, v2;
	v5 =	vor.u32 v5, v2;
	v2 =	vor.u32 v53, v2;
	v53 =	vld [tilespmem:$0x1FF60];
	_ =	sdelay $0x3  }
0x1d6: {  	v13 =	vld.idx.msk [tilespmem:v13+s16+$0x0], $0xffff  }
0x1d7: {  	v12 =	vsub.f32 v12, v53;
	v53 =	vld [tilespmem:$0x1FF70];
	_ =	sdelay $0x3  }
0x1d8: {  	v14 =	vld.idx.msk [tilespmem:v14+s16+$0x0], $0xffff  }
0x1d9: {  	v3 =	vmin.f32 v3, v10;
	v10 =	vsub.f32 v13, v53;
	v53 =	vld [tilespmem:$0x1FF80]  }
0x1da: {  	v16 =	vld.idx.msk [tilespmem:v16+s16+$0x0], $0xffff  }
0x1db: {  	v6 =	vld.idx.msk [tilespmem:v6+s16+$0x0], $0xffff  }
0x1dc: {  	v5 =	vld.idx.msk [tilespmem:v5+s16+$0x0], $0xffff  }
0x1dd: {  	v4 =	vld.idx.msk [tilespmem:v4+s16+$0x0], $0xffff;
	v3 =	vmin.f32 v3, v11  }
0x1de: {  	v8 =	vld.idx.msk [tilespmem:v8+s16+$0x0], $0xffff;
	v3 =	vmin.f32 v3, v12;
	v11 =	vsub.f32 v14, v53  }
0x1df: {  	v12 =	vsub.f32 v16, v0;
	v3 =	vmin.f32 v3, v10  }
0x1e0: {  	v6 =	vsub.f32 v6, v21;
	v3 =	vmin.f32 v3, v11  }
0x1e1: {  	v5 =	vsub.f32 v5, v18;
	v3 =	vmin.f32 v3, v12  }
0x1e2: {  	v7 =	vld.idx.msk [tilespmem:v7+s16+$0x0], $0xffff;
	v4 =	vsub.f32 v4, v49;
	v3 =	vmin.f32 v3, v6  }
0x1e3: {  	v9 =	vld.idx.msk [tilespmem:v9+s16+$0x0], $0xffff;
	v6 =	vsub.f32 v8, v50;
	v3 =	vmin.f32 v3, v5  }
0x1e4: {  	v2 =	vld.idx.msk [tilespmem:v2+s16+$0x0], $0xffff;
	v3 =	vmin.f32 v3, v4  }
0x1e5: {  	v3 =	vmin.f32 v3, v6;
	v6 =	vld [tilespmem:$0x1FE50];
	_ =	sdelay $0x2  }
0x1e6: {  	v5 =	vsub.f32 v7, v51  }
0x1e7: {  	v4 =	vsub.f32 v9, v52  }
0x1e8: {  	v3 =	vmin.f32 v3, v5;
	v2 =	vsub.f32 v2, v6  }
0x1e9: {  	s0 =	simm.s32 $0x0;
	v3 =	vmin.f32 v3, v4  }
0x1ea: {  	v2 =	vmin.f32 v3, v2;
	v3 =	vmov s0  }
0x1eb: {  	vm15 =	vgt.f32 v2, $0.0e+00;
	v2 =	vshll.u32 v3, $0x8  }
0x1ec: {  	v3 =	vimm.s32 $0x0;
	v2 =	vor.u32 v23, v2  }
0x1ed: {  	s14 =	sadd.s32 $0x10, s25;
	v3 =	vsel vm15, $0x1, v3;
	v2 =	vand.u32 $0x3800, v2  }
0x1ee: {  	[tilespmem:s14+$0x0] =	vst v3;
	v5 =	vor.u32 v25, v2  }
0x1ef: {  	s0 =	sadd.s32 @!p0 s31, s10;
	_ =	swait.ge [sflag:s21], $0x4000;
	v53 =	vor.u32 v30, v2  }
0x1f0: {  	s2 =	simm.s32 @!p0 $0x0;
	s0 =	sshrl.u32 @!p0 s0, $0x3;
	[sflag:s21] =	ssyncset.done $0x0  }
0x1f1: {  	s0 =	sadd.s32 @!p0 s1, s0;
	s14 =	simm.s32 @!p0 $0x4000;
	[sflag:s21] =	ssyncadd.s32 $0xFFFFC000  }
0x1f2: {  	[tilespmem:s14], [sflag:$0x2] =	stream.linear.gather @!p0 [hbm4b:s0+s2], $0x4000, $0x38;
	[tilespmem:$0x11400] =	vst v63  }
0x1f3: {  	v5 =	vld.idx.msk [tilespmem:v5+s17+$0x0], $0xffff  }
0x1f4: {  	v6 =	vor.u32 v26, v2;
	v10 =	vld.idx.msk [tilespmem:v53+s17+$0x0], $0xffff  }
0x1f5: {  	v53 =	vld [tilespmem:$0x1FFB0];
	_ =	sdelay $0x3  }
0x1f6: {  	v7 =	vor.u32 v27, v2;
	v6 =	vld.idx.msk [tilespmem:v6+s17+$0x0], $0xffff  }
0x1f7: {  	v5 =	vsub.f32 v5, v53;
	v53 =	vld [tilespmem:$0x1FFC0];
	_ =	sdelay $0x3  }
0x1f8: {  	v8 =	vor.u32 v28, v2;
	v7 =	vld.idx.msk [tilespmem:v7+s17+$0x0], $0xffff  }
0x1f9: {  	v6 =	vsub.f32 v6, v53;
	v53 =	vld [tilespmem:$0x1FFD0];
	_ =	sdelay $0x2  }
0x1fa: {  	v3 =	vor.u32 v48, v2  }
0x1fb: {  	v9 =	vor.u32 v29, v2;
	v8 =	vld.idx.msk [tilespmem:v8+s17+$0x0], $0xffff  }
0x1fc: {  	v7 =	vsub.f32 v7, v53;
	v53 =	vld [tilespmem:$0x1FE60];
	_ =	sdelay $0x1  }
0x1fd: {  	v4 =	vor.u32 v24, v2;
	v16 =	vld [tilespmem:$0x1FDF0]  }
0x1fe: {  	v3 =	vld.idx.msk [tilespmem:v3+s17+$0x0], $0xffff  }
0x1ff: {  	v9 =	vld.idx.msk [tilespmem:v9+s17+$0x0], $0xffff  }
0x200: {  	v8 =	vsub.f32 v8, v53;
	v53 =	vld [tilespmem:$0x1FE70];
	_ =	sdelay $0x1  }
0x201: {  	v4 =	vld.idx.msk [tilespmem:v4+s17+$0x0], $0xffff  }
0x202: {  	v3 =	vsub.f32 v3, v16;
	v16 =	vld [tilespmem:$0x1FFA0];
	_ =	sdelay $0x1  }
0x203: {  	v9 =	vsub.f32 v9, v53;
	v53 =	vld [tilespmem:$0x1FE80];
	_ =	sdelay $0x2  }
0x204: {  	v4 =	vsub.f32 v4, v16  }
0x205: {  	v11 =	vor.u32 v31, v2  }
0x206: {  	v3 =	vmin.f32 v3, v4;
	v10 =	vsub.f32 v10, v53;
	v53 =	vld [tilespmem:$0x1FDD0]  }
0x207: {  	v3 =	vmin.f32 v3, v5  }
0x208: {  	v3 =	vmin.f32 v3, v6  }
0x209: {  	v3 =	vmin.f32 v3, v7  }
0x20a: {  	v11 =	vld.idx.msk [tilespmem:v11+s17+$0x0], $0xffff;
	v3 =	vmin.f32 v3, v8  }
0x20b: {  	v3 =	vmin.f32 v3, v9;
	v9 =	vor.u32 v53, v2;
	v53 =	vld [tilespmem:$0x1FE90];
	_ =	sdelay $0x3  }
0x20c: {  	v12 =	vor.u32 v32, v2  }
0x20d: {  	v11 =	vsub.f32 v11, v53;
	v53 =	vld [tilespmem:$0x1FDE0];
	_ =	sdelay $0x3  }
0x20e: {  	v12 =	vld.idx.msk [tilespmem:v12+s17+$0x0], $0xffff  }
0x20f: {  	v3 =	vmin.f32 v3, v10;
	v10 =	vor.u32 v53, v2;
	v53 =	vld [tilespmem:$0x1FEA0];
	_ =	sdelay $0x2  }
0x210: {  	v13 =	vor.u32 v33, v2;
	_ =	sdelay $0x1  }
0x211: {  	v12 =	vsub.f32 v12, v53;
	v53 =	vld [tilespmem:$0x1FDC0];
	_ =	sdelay $0x2  }
0x212: {  	v14 =	vor.u32 v34, v2;
	v13 =	vld.idx.msk [tilespmem:v13+s17+$0x0], $0xffff  }
0x213: {  	v16 =	vld [tilespmem:$0x1FFE0]  }
0x214: {  	v3 =	vmin.f32 v3, v11;
	v11 =	vor.u32 v53, v2;
	v53 =	vld [tilespmem:$0x1FEB0];
	_ =	sdelay $0x2  }
0x215: {  	v14 =	vld.idx.msk [tilespmem:v14+s17+$0x0], $0xffff  }
0x216: {  	v4 =	vld [tilespmem:$0x1FFF0];
	v16 =	vor.u32 v16, v2  }
0x217: {  	v13 =	vsub.f32 v13, v53;
	v53 =	vld [tilespmem:$0x1FEC0];
	_ =	sdelay $0x3  }
0x218: {  	v4 =	vor.u32 v4, v2;
	v16 =	vld.idx.msk [tilespmem:v16+s17+$0x0], $0xffff  }
0x219: {  	v14 =	vsub.f32 v14, v53;
	v53 =	vld [tilespmem:$0x1FED0];
	_ =	sdelay $0x3  }
0x21a: {  	v5 =	vor.u32 v1, v2;
	v4 =	vld.idx.msk [tilespmem:v4+s17+$0x0], $0xffff  }
0x21b: {  	v16 =	vsub.f32 v16, v53;
	v53 =	vld [tilespmem:$0x1FEE0];
	_ =	sdelay $0x3  }
0x21c: {  	v6 =	vor.u32 v15, v2;
	v5 =	vld.idx.msk [tilespmem:v5+s17+$0x0], $0xffff  }
0x21d: {  	v4 =	vsub.f32 v4, v53;
	v53 =	vld [tilespmem:$0x1FEF0]  }
0x21e: {  	v7 =	vor.u32 v63, v2;
	_ =	sdelay $0x2  }
0x21f: {  	v6 =	vld.idx.msk [tilespmem:v6+s17+$0x0], $0xffff  }
0x220: {  	v5 =	vsub.f32 v5, v53;
	v53 =	vld [tilespmem:$0x1FF00]  }
0x221: {  	v8 =	vor.u32 v62, v2;
	v7 =	vld.idx.msk [tilespmem:v7+s17+$0x0], $0xffff  }
0x222: {  	v3 =	vmin.f32 v3, v12;
	v12 =	vld [tilespmem:$0x1FDB0]  }
0x223: {  	v3 =	vmin.f32 v3, v13;
	v13 =	vld [tilespmem:$0x1FDA0]  }
0x224: {  	v3 =	vmin.f32 v3, v14;
	v14 =	vld [tilespmem:$0x1FD90]  }
0x225: {  	v6 =	vsub.f32 v6, v53;
	v53 =	vld [tilespmem:$0x1FF10]  }
0x226: {  	v8 =	vld.idx.msk [tilespmem:v8+s17+$0x0], $0xffff  }
0x227: {  	v9 =	vld.idx.msk [tilespmem:v9+s17+$0x0], $0xffff  }
0x228: {  	v10 =	vld.idx.msk [tilespmem:v10+s17+$0x0], $0xffff;
	v12 =	vor.u32 v12, v2;
	v3 =	vmin.f32 v3, v16  }
0x229: {  	v11 =	vld.idx.msk [tilespmem:v11+s17+$0x0], $0xffff;
	v13 =	vor.u32 v13, v2;
	v3 =	vmin.f32 v3, v4  }
0x22a: {  	v14 =	vor.u32 v14, v2;
	v16 =	vld [tilespmem:$0x1FD80];
	v3 =	vmin.f32 v3, v5;
	v7 =	vsub.f32 v7, v53  }
0x22b: {  	v3 =	vmin.f32 v3, v6;
	v53 =	vld [tilespmem:$0x1FF20]  }
0x22c: {  	v3 =	vmin.f32 v3, v7;
	v7 =	vor.u32 v54, v2;
	v54 =	vld [tilespmem:$0x1FF30]  }
0x22d: {  	v12 =	vld.idx.msk [tilespmem:v12+s17+$0x0], $0xffff  }
0x22e: {  	v13 =	vld.idx.msk [tilespmem:v13+s17+$0x0], $0xffff  }
0x22f: {  	v14 =	vld.idx.msk [tilespmem:v14+s17+$0x0], $0xffff  }
0x230: {  	v8 =	vsub.f32 v8, v53;
	v53 =	vld [tilespmem:$0x1FF40]  }
0x231: {  	v16 =	vor.u32 v16, v2;
	v5 =	vld [tilespmem:$0x1FD70];
	v9 =	vsub.f32 v9, v54  }
0x232: {  	v4 =	vor.u32 v19, v2;
	v3 =	vmin.f32 v3, v8;
	v54 =	vld [tilespmem:$0x1FF50]  }
0x233: {  	v3 =	vmin.f32 v3, v9;
	v9 =	vor.u32 v20, v2;
	v20 =	vld [tilespmem:$0x1FF60]  }
0x234: {  	v8 =	vor.u32 v22, v2;
	v22 =	vld [tilespmem:$0x1FF70]  }
0x235: {  	v10 =	vsub.f32 v10, v53;
	v53 =	vld [tilespmem:$0x1FF80]  }
0x236: {  	v16 =	vld.idx.msk [tilespmem:v16+s17+$0x0], $0xffff  }
0x237: {  	v4 =	vld.idx.msk [tilespmem:v4+s17+$0x0], $0xffff;
	v11 =	vsub.f32 v11, v54  }
0x238: {  	v6 =	vor.u32 v55, v2;
	v3 =	vmin.f32 v3, v10;
	v10 =	vsub.f32 v12, v20  }
0x239: {  	v3 =	vmin.f32 v3, v11;
	v11 =	vsub.f32 v13, v22  }
0x23a: {  	v3 =	vmin.f32 v3, v10;
	v10 =	vsub.f32 v14, v53  }
0x23b: {  	v5 =	vor.u32 v5, v2;
	v54 =	vsub.f32 v16, v0;
	v3 =	vmin.f32 v3, v11  }
0x23c: {  	v19 =	vld [tilespmem:$0x1FD10];
	v4 =	vsub.f32 v4, v21;
	v3 =	vmin.f32 v3, v10  }
0x23d: {  	v6 =	vld.idx.msk [tilespmem:v6+s17+$0x0], $0xffff;
	v3 =	vmin.f32 v3, v54  }
0x23e: {  	v3 =	vmin.f32 v3, v4;
	v4 =	vld [tilespmem:$0x1FE10];
	_ =	sdelay $0x1  }
0x23f: {  	v5 =	vld.idx.msk [tilespmem:v5+s17+$0x0], $0xffff;
	_ =	sdelay $0x1  }
0x240: {  	v7 =	vld.idx.msk [tilespmem:v7+s17+$0x0], $0xffff;
	v2 =	vor.u32 v19, v2  }
0x241: {  	v4 =	vsub.f32 v6, v4;
	v6 =	vld [tilespmem:$0x1FE20];
	_ =	sdelay $0x1  }
0x242: {  	v5 =	vsub.f32 v5, v18;
	v8 =	vld.idx.msk [tilespmem:v8+s17+$0x0], $0xffff  }
0x243: {  	v9 =	vld.idx.msk [tilespmem:v9+s17+$0x0], $0xffff  }
0x244: {  	v2 =	vld.idx.msk [tilespmem:v2+s17+$0x0], $0xffff;
	v3 =	vmin.f32 v3, v5  }
0x245: {  	v3 =	vmin.f32 v3, v4;
	v4 =	vld [tilespmem:$0x1FE30];
	v6 =	vsub.f32 v7, v6  }
0x246: {  	v7 =	vld [tilespmem:$0x1FE40]  }
0x247: {  	v3 =	vmin.f32 v3, v6;
	v6 =	vld [tilespmem:$0x1FE50]  }
0x248: {  	s25 =	simm.s32 $0x10  }
0x249: {  	v5 =	vmov s25  }
0x24a: {  	v5 =	vshll.u32 v5, $0x8;
	v4 =	vsub.f32 v8, v4  }
0x24b: {  	v5 =	vor.u32 v23, v5;
	v7 =	vsub.f32 v9, v7  }
0x24c: {  	v4 =	vmin.f32 v3, v4;
	v8 =	vsub.f32 v2, v6;
	v2 =	vand.u32 $0x3800, v5  }
0x24d: {  	v4 =	vmin.f32 v4, v7;
	v6 =	vor.u32 v48, v2;
	v3 =	vor.u32 v24, v2  }
0x24e: {  	s0 =	simm.s32 $0x20;
	s2 =	smov.u32 s26;
	v55 =	vld [tilespmem:$0x1FFE0];
	v53 =	vmovc v21;
	s25 =	smov.u32 s26;
	v5 =	vor.u32 v25, v2;
	v7 =	vmin.f32 v4, v8;
	v4 =	vor.u32 v26, v2  }
.LBB2_7:
0x24f: {  	v22 =	vld [tilespmem:$0x1FDD0]  }
0x250: {  	v23 =	vld [tilespmem:$0x1FDE0]  }
0x251: {  	v24 =	vld [tilespmem:$0x1FDC0]  }
0x252: {  	v25 =	vld [tilespmem:$0x1FDB0]  }
0x253: {  	v26 =	vld [tilespmem:$0x1FDA0]  }
0x254: {  	v8 =	vor.u32 v27, v2;
	v27 =	vld [tilespmem:$0x1FD90]  }
0x255: {  	v9 =	vor.u32 v28, v2;
	v28 =	vld [tilespmem:$0x1FD80]  }
0x256: {  	vm0 =	vgt.f32 v7, $0.0e+00;
	v7 =	vor.u32 v29, v2;
	v11 =	vimm.s32 $0x0;
	v29 =	vld [tilespmem:$0x1FD60]  }
0x257: {  	v10 =	vor.u32 v30, v2;
	v30 =	vld [tilespmem:$0x1FD70];
	v11 =	vsel vm0, $0x1, v11  }
0x258: {  	v54 =	vld [tilespmem:$0x1FD50];
	[tilespmem:s2+$0x0] =	vst v11  }
0x259: {  	v6 =	vld.idx.msk [tilespmem:v6+s17+$0x0], $0xffff  }
0x25a: {  	v3 =	vld.idx.msk [tilespmem:v3+s17+$0x0], $0xffff  }
0x25b: {  	v5 =	vld.idx.msk [tilespmem:v5+s17+$0x0], $0xffff  }
0x25c: {  	v12 =	vor.u32 v31, v2;
	v31 =	vld [tilespmem:$0x1FD40]  }
0x25d: {  	v4 =	vld.idx.msk [tilespmem:v4+s17+$0x0], $0xffff  }
0x25e: {  	v13 =	vor.u32 v32, v2;
	v32 =	vor.u32 v54, v2;
	v54 =	vld [tilespmem:$0x1FD20]  }
0x25f: {  	v8 =	vld.idx.msk [tilespmem:v8+s17+$0x0], $0xffff;
	v6 =	vsub.f32 v6, v56;
	v3 =	vsub.f32 v3, v57  }
0x260: {  	v9 =	vld.idx.msk [tilespmem:v9+s17+$0x0], $0xffff;
	v5 =	vsub.f32 v5, v58  }
0x261: {  	v7 =	vld.idx.msk [tilespmem:v7+s17+$0x0], $0xffff;
	v3 =	vmin.f32 v6, v3  }
0x262: {  	v3 =	vmin.f32 v3, v5;
	v5 =	vld [tilespmem:$0x1FE60]  }
0x263: {  	v14 =	vor.u32 v33, v2;
	v33 =	vor.u32 v54, v2;
	v54 =	vld [tilespmem:$0x1FD30]  }
0x264: {  	v10 =	vld.idx.msk [tilespmem:v10+s17+$0x0], $0xffff;
	v4 =	vsub.f32 v4, v60  }
0x265: {  	v12 =	vld.idx.msk [tilespmem:v12+s17+$0x0], $0xffff;
	v6 =	vsub.f32 v8, v61  }
0x266: {  	v16 =	vor.u32 v55, v2;
	v17 =	vor.u32 v59, v2;
	v3 =	vmin.f32 v3, v4;
	v4 =	vld [tilespmem:$0x1FE70]  }
0x267: {  	v18 =	vor.u32 v1, v2;
	v3 =	vmin.f32 v3, v6;
	v6 =	vld [tilespmem:$0x1FE80];
	v5 =	vsub.f32 v9, v5  }
0x268: {  	v19 =	vor.u32 v15, v2;
	v11 =	vor.u32 v34, v2;
	v34 =	vor.u32 v54, v2;
	v54 =	vld [tilespmem:$0x1FD10]  }
0x269: {  	v20 =	vor.u32 v63, v2;
	v21 =	vor.u32 v62, v2;
	v3 =	vmin.f32 v3, v5;
	v5 =	vld [tilespmem:$0x1FE90]  }
0x26a: {  	v22 =	vor.u32 v22, v2;
	v23 =	vor.u32 v23, v2;
	v24 =	vor.u32 v24, v2  }
0x26b: {  	v25 =	vor.u32 v25, v2;
	v26 =	vor.u32 v26, v2;
	v13 =	vld.idx.msk [tilespmem:v13+s17+$0x0], $0xffff;
	v4 =	vsub.f32 v7, v4  }
0x26c: {  	v27 =	vor.u32 v27, v2;
	v28 =	vor.u32 v28, v2;
	v29 =	vor.u32 v29, v2;
	v8 =	vld.idx.msk [tilespmem:v14+s17+$0x0], $0xffff  }
0x26d: {  	v30 =	vor.u32 v30, v2;
	v6 =	vsub.f32 v10, v6;
	v3 =	vmin.f32 v3, v4;
	v4 =	vld [tilespmem:$0x1FEA0]  }
0x26e: {  	v31 =	vor.u32 v31, v2;
	v2 =	vor.u32 v54, v2;
	v54 =	vld.idx.msk [tilespmem:v11+s17+$0x0], $0xffff;
	v5 =	vsub.f32 v12, v5  }
0x26f: {  	v3 =	vmin.f32 v3, v6;
	v6 =	vld [tilespmem:$0x1FEB0]  }
0x270: {  	v3 =	vmin.f32 v3, v5;
	v5 =	vld [tilespmem:$0x1FEC0];
	_ =	sdelay $0x1  }
0x271: {  	v7 =	vld.idx.msk [tilespmem:v16+s17+$0x0], $0xffff  }
0x272: {  	v10 =	vld.idx.msk [tilespmem:v17+s17+$0x0], $0xffff;
	v4 =	vsub.f32 v13, v4  }
0x273: {  	v11 =	vld.idx.msk [tilespmem:v18+s17+$0x0], $0xffff;
	v6 =	vsub.f32 v8, v6  }
0x274: {  	v3 =	vmin.f32 v3, v4;
	v4 =	vld [tilespmem:$0x1FED0];
	v5 =	vsub.f32 v54, v5  }
0x275: {  	v3 =	vmin.f32 v3, v6;
	v6 =	vld [tilespmem:$0x1FEE0]  }
0x276: {  	v3 =	vmin.f32 v3, v5;
	v5 =	vld [tilespmem:$0x1FEF0];
	_ =	sdelay $0x1  }
0x277: {  	v12 =	vld.idx.msk [tilespmem:v19+s17+$0x0], $0xffff  }
0x278: {  	v8 =	vld.idx.msk [tilespmem:v20+s17+$0x0], $0xffff;
	v4 =	vsub.f32 v7, v4  }
0x279: {  	v54 =	vld.idx.msk [tilespmem:v21+s17+$0x0], $0xffff;
	v6 =	vsub.f32 v10, v6  }
0x27a: {  	v3 =	vmin.f32 v3, v4;
	v4 =	vld [tilespmem:$0x1FF00];
	v5 =	vsub.f32 v11, v5  }
0x27b: {  	v3 =	vmin.f32 v3, v6;
	v6 =	vld [tilespmem:$0x1FF10]  }
0x27c: {  	v3 =	vmin.f32 v3, v5;
	v5 =	vld [tilespmem:$0x1FF20];
	_ =	sdelay $0x1  }
0x27d: {  	v18 =	vld.idx.msk [tilespmem:v23+s17+$0x0], $0xffff  }
0x27e: {  	v19 =	vld.idx.msk [tilespmem:v24+s17+$0x0], $0xffff;
	v4 =	vsub.f32 v12, v4  }
0x27f: {  	v7 =	vld.idx.msk [tilespmem:v22+s17+$0x0], $0xffff;
	v6 =	vsub.f32 v8, v6  }
0x280: {  	v3 =	vmin.f32 v3, v4;
	v4 =	vld [tilespmem:$0x1FF30];
	v5 =	vsub.f32 v54, v5  }
0x281: {  	v3 =	vmin.f32 v3, v6;
	v6 =	vld [tilespmem:$0x1FF40]  }
0x282: {  	v3 =	vmin.f32 v3, v5;
	v5 =	vld [tilespmem:$0x1FF50]  }
0x283: {  	v22 =	vld [tilespmem:$0x1FE00]  }
0x284: {  	v12 =	vld.idx.msk [tilespmem:v25+s17+$0x0], $0xffff  }
0x285: {  	v8 =	vld.idx.msk [tilespmem:v26+s17+$0x0], $0xffff;
	v4 =	vsub.f32 v7, v4  }
0x286: {  	v54 =	vld.idx.msk [tilespmem:v27+s17+$0x0], $0xffff;
	v6 =	vsub.f32 v18, v6  }
0x287: {  	v3 =	vmin.f32 v3, v4;
	v4 =	vld [tilespmem:$0x1FF60];
	v5 =	vsub.f32 v19, v5  }
0x288: {  	v3 =	vmin.f32 v3, v6;
	v6 =	vld [tilespmem:$0x1FF70]  }
0x289: {  	v3 =	vmin.f32 v3, v5;
	v5 =	vld [tilespmem:$0x1FF80]  }
0x28a: {  	v7 =	vld.idx.msk [tilespmem:v28+s17+$0x0], $0xffff  }
0x28b: {  	v18 =	vld.idx.msk [tilespmem:v29+s17+$0x0], $0xffff  }
0x28c: {  	v19 =	vld.idx.msk [tilespmem:v30+s17+$0x0], $0xffff;
	v4 =	vsub.f32 v12, v4  }
0x28d: {  	v12 =	vld.idx.msk [tilespmem:v31+s17+$0x0], $0xffff;
	v6 =	vsub.f32 v8, v6  }
0x28e: {  	v8 =	vld.idx.msk [tilespmem:v32+s17+$0x0], $0xffff;
	v3 =	vmin.f32 v3, v4;
	v5 =	vsub.f32 v54, v5  }
0x28f: {  	v4 =	vsub.f32 v7, v0;
	v3 =	vmin.f32 v3, v6  }
0x290: {  	v6 =	vsub.f32 v18, v53;
	v3 =	vmin.f32 v3, v5  }
0x291: {  	v5 =	vsub.f32 v19, v22;
	v3 =	vmin.f32 v3, v4  }
0x292: {  	v2 =	vld.idx.msk [tilespmem:v2+s17+$0x0], $0xffff;
	v4 =	vsub.f32 v12, v49;
	v3 =	vmin.f32 v3, v6  }
0x293: {  	v54 =	vld.idx.msk [tilespmem:v33+s17+$0x0], $0xffff;
	v6 =	vsub.f32 v8, v50;
	v3 =	vmin.f32 v3, v5  }
0x294: {  	v7 =	vld.idx.msk [tilespmem:v34+s17+$0x0], $0xffff;
	v3 =	vmin.f32 v3, v4  }
0x295: {  	v3 =	vmin.f32 v3, v6;
	v6 =	vld [tilespmem:$0x1FE50]  }
0x296: {  	s14 =	smov.u32 s0  }
0x297: {  	p1 =	sne.s32 s0, $0x30;
	v8 =	vmov s14  }
.Ltmp2:
0x298: {  	v27 =	vmov v39;
	v5 =	vsub.f32 v54, v51;
	v8 =	vshll.u32 v8, $0x8;
	(pc) =	sbr.rel @p1 .LBB2_7-.Ltmp2, $4  }
0x299: {  	v28 =	vmovc v40;
	v29 =	vmovc v41;
	v30 =	vmov v42;
	v4 =	vsub.f32 v7, v52;
	v7 =	vor.u32 v35, v8  }
0x29a: {  	v31 =	vmovc v43;
	v32 =	vmovc v44;
	v5 =	vmin.f32 v3, v5;
	v8 =	vsub.f32 v2, v6;
	v2 =	vand.u32 $0x3800, v7  }
0x29b: {  	s25 =	sadd.s32 $0x10, s25;
	v34 =	vmovc v46;
	v7 =	vmin.f32 v5, v4;
	v6 =	vor.u32 v48, v2;
	v3 =	vor.u32 v36, v2  }
0x29c: {  	s0 =	sadd.s32 $0x10, s0;
	s2 =	smov.u32 s25;
	v33 =	vmovc v45;
	v5 =	vor.u32 v37, v2;
	v4 =	vor.u32 v38, v2;
	v7 =	vmin.f32 v7, v8  }
0x29d: {  	v23 =	vld [tilespmem:$0x1FE60]  }
0x29e: {  	v54 =	vld [tilespmem:$0x1FE70]  }
0x29f: {  	vm0 =	vgt.f32 v7, $0.0e+00;
	v7 =	vimm.s32 $0x0;
	v16 =	vor.u32 v55, v2;
	v55 =	vld [tilespmem:$0x1FE80]  }
0x2a0: {  	v18 =	vld [tilespmem:$0x1FDD0];
	v7 =	vsel vm0, $0x1, v7  }
0x2a1: {  	v8 =	vor.u32 v27, v2;
	v19 =	vld [tilespmem:$0x1FE90];
	[tilespmem:s2+$0x0] =	vst v7  }
0x2a2: {  	v9 =	vor.u32 v29, v2;
	v6 =	vld.idx.msk [tilespmem:v6+s17+$0x0], $0xffff  }
0x2a3: {  	v10 =	vor.u32 v30, v2;
	v3 =	vld.idx.msk [tilespmem:v3+s17+$0x0], $0xffff  }
0x2a4: {  	v11 =	vor.u32 v31, v2;
	v5 =	vld.idx.msk [tilespmem:v5+s17+$0x0], $0xffff  }
0x2a5: {  	v12 =	vor.u32 v32, v2;
	v4 =	vld.idx.msk [tilespmem:v4+s17+$0x0], $0xffff  }
0x2a6: {  	v7 =	vor.u32 v28, v2;
	v8 =	vld.idx.msk [tilespmem:v8+s17+$0x0], $0xffff  }
0x2a7: {  	v13 =	vor.u32 v33, v2;
	v9 =	vld.idx.msk [tilespmem:v9+s17+$0x0], $0xffff  }
0x2a8: {  	v14 =	vor.u32 v34, v2;
	v10 =	vld.idx.msk [tilespmem:v10+s17+$0x0], $0xffff  }
0x2a9: {  	v11 =	vld.idx.msk [tilespmem:v11+s17+$0x0], $0xffff  }
0x2aa: {  	v12 =	vld.idx.msk [tilespmem:v12+s17+$0x0], $0xffff  }
0x2ab: {  	v7 =	vld.idx.msk [tilespmem:v7+s17+$0x0], $0xffff;
	v6 =	vsub.f32 v6, v56;
	v3 =	vsub.f32 v3, v57  }
0x2ac: {  	v13 =	vld.idx.msk [tilespmem:v13+s17+$0x0], $0xffff  }
0x2ad: {  	v14 =	vld.idx.msk [tilespmem:v14+s17+$0x0], $0xffff;
	v5 =	vsub.f32 v5, v58;
	v3 =	vmin.f32 v6, v3;
	v6 =	vor.u32 v59, v2  }
0x2ae: {  	v16 =	vld.idx.msk [tilespmem:v16+s17+$0x0], $0xffff;
	v4 =	vsub.f32 v4, v60  }
0x2af: {  	v8 =	vsub.f32 v8, v61;
	v9 =	vsub.f32 v9, v54;
	v54 =	vld [tilespmem:$0x1FEA0];
	v3 =	vmin.f32 v3, v5  }
0x2b0: {  	v11 =	vsub.f32 v11, v19;
	v19 =	vld [tilespmem:$0x1FEC0];
	v3 =	vmin.f32 v3, v4;
	v7 =	vsub.f32 v7, v23  }
0x2b1: {  	v10 =	vsub.f32 v10, v55;
	v55 =	vld [tilespmem:$0x1FDC0];
	v5 =	vor.u32 v1, v2;
	v3 =	vmin.f32 v3, v8  }
0x2b2: {  	v3 =	vmin.f32 v3, v7;
	v6 =	vld.idx.msk [tilespmem:v6+s17+$0x0], $0xffff  }
0x2b3: {  	v3 =	vmin.f32 v3, v9;
	v9 =	vor.u32 v18, v2;
	v18 =	vld [tilespmem:$0x1FEB0]  }
0x2b4: {  	v4 =	vor.u32 v15, v2;
	v12 =	vsub.f32 v12, v54;
	v54 =	vld [tilespmem:$0x1FED0]  }
0x2b5: {  	v14 =	vsub.f32 v14, v19;
	v19 =	vld [tilespmem:$0x1FF00]  }
0x2b6: {  	v3 =	vmin.f32 v3, v10;
	v5 =	vld.idx.msk [tilespmem:v5+s17+$0x0], $0xffff  }
0x2b7: {  	v3 =	vmin.f32 v3, v11;
	v11 =	vor.u32 v55, v2;
	v55 =	vld [tilespmem:$0x1FEE0]  }
0x2b8: {  	v13 =	vsub.f32 v13, v18;
	v18 =	vld [tilespmem:$0x1FEF0]  }
0x2b9: {  	v4 =	vld.idx.msk [tilespmem:v4+s17+$0x0], $0xffff  }
0x2ba: {  	v7 =	vor.u32 v62, v2;
	v3 =	vmin.f32 v3, v12  }
0x2bb: {  	v16 =	vsub.f32 v16, v54;
	v3 =	vmin.f32 v3, v13  }
0x2bc: {  	v6 =	vsub.f32 v6, v55;
	v3 =	vmin.f32 v3, v14  }
0x2bd: {  	v3 =	vmin.f32 v3, v16;
	v5 =	vsub.f32 v5, v18  }
0x2be: {  	v23 =	vld [tilespmem:$0x1FDE0];
	v8 =	vor.u32 v63, v2;
	v4 =	vsub.f32 v4, v19;
	v3 =	vmin.f32 v3, v6  }
0x2bf: {  	v7 =	vld.idx.msk [tilespmem:v7+s17+$0x0], $0xffff;
	v3 =	vmin.f32 v3, v5  }
0x2c0: {  	v3 =	vmin.f32 v3, v4;
	v4 =	vld [tilespmem:$0x1FF20];
	_ =	sdelay $0x1  }
0x2c1: {  	v26 =	vld [tilespmem:$0x1FD50]  }
0x2c2: {  	v8 =	vld.idx.msk [tilespmem:v8+s17+$0x0], $0xffff  }
0x2c3: {  	v10 =	vor.u32 v23, v2;
	v9 =	vld.idx.msk [tilespmem:v9+s17+$0x0], $0xffff  }
0x2c4: {  	v7 =	vsub.f32 v7, v4;
	v4 =	vld [tilespmem:$0x1FF30]  }
0x2c5: {  	v54 =	vld [tilespmem:$0x1FF10]  }
0x2c6: {  	v25 =	vld [tilespmem:$0x1FD20]  }
0x2c7: {  	v24 =	vld [tilespmem:$0x1FD30]  }
0x2c8: {  	v10 =	vld.idx.msk [tilespmem:v10+s17+$0x0], $0xffff  }
0x2c9: {  	v9 =	vsub.f32 v9, v4;
	v4 =	vld [tilespmem:$0x1FF40]  }
0x2ca: {  	v12 =	vld [tilespmem:$0x1FDB0];
	v8 =	vsub.f32 v8, v54  }
0x2cb: {  	v13 =	vld [tilespmem:$0x1FDA0]  }
0x2cc: {  	v55 =	vld [tilespmem:$0x1FD60];
	v3 =	vmin.f32 v3, v8  }
0x2cd: {  	v11 =	vld.idx.msk [tilespmem:v11+s17+$0x0], $0xffff;
	v3 =	vmin.f32 v3, v7  }
0x2ce: {  	v10 =	vsub.f32 v10, v4;
	v4 =	vmin.f32 v3, v9;
	v3 =	vld [tilespmem:$0x1FF50]  }
0x2cf: {  	v14 =	vld [tilespmem:$0x1FD90]  }
0x2d0: {  	v16 =	vld [tilespmem:$0x1FD80]  }
0x2d1: {  	v12 =	vor.u32 v12, v2;
	v54 =	vld [tilespmem:$0x1FD40]  }
0x2d2: {  	v13 =	vor.u32 v13, v2;
	v5 =	vld [tilespmem:$0x1FD70]  }
0x2d3: {  	v11 =	vsub.f32 v11, v3;
	v3 =	vld [tilespmem:$0x1FD10]  }
0x2d4: {  	v20 =	vld [tilespmem:$0x1FF80];
	v6 =	vor.u32 v55, v2  }
0x2d5: {  	v19 =	vld [tilespmem:$0x1FF70];
	v14 =	vor.u32 v14, v2  }
0x2d6: {  	v12 =	vld.idx.msk [tilespmem:v12+s17+$0x0], $0xffff;
	v16 =	vor.u32 v16, v2  }
0x2d7: {  	v18 =	vor.u32 v24, v2;
	v8 =	vor.u32 v26, v2;
	v23 =	vor.u32 v54, v2;
	v13 =	vld.idx.msk [tilespmem:v13+s17+$0x0], $0xffff  }
0x2d8: {  	v5 =	vor.u32 v5, v2;
	v7 =	vor.u32 v25, v2;
	v2 =	vor.u32 v3, v2;
	v3 =	vld [tilespmem:$0x1FF60]  }
0x2d9: {  	v6 =	vld.idx.msk [tilespmem:v6+s17+$0x0], $0xffff  }
0x2da: {  	v14 =	vld.idx.msk [tilespmem:v14+s17+$0x0], $0xffff  }
0x2db: {  	v16 =	vld.idx.msk [tilespmem:v16+s17+$0x0], $0xffff  }
0x2dc: {  	v8 =	vld.idx.msk [tilespmem:v8+s17+$0x0], $0xffff  }
0x2dd: {  	v5 =	vld.idx.msk [tilespmem:v5+s17+$0x0], $0xffff;
	v12 =	vsub.f32 v12, v3;
	v3 =	vmin.f32 v4, v10  }
0x2de: {  	v4 =	vld.idx.msk [tilespmem:v23+s17+$0x0], $0xffff;
	v10 =	vsub.f32 v13, v19;
	v3 =	vmin.f32 v3, v11  }
0x2df: {  	v6 =	vsub.f32 v6, v53;
	v53 =	vld [tilespmem:$0x1FE50];
	v11 =	vsub.f32 v14, v20;
	v3 =	vmin.f32 v3, v12  }
0x2e0: {  	v7 =	vld.idx.msk [tilespmem:v7+s17+$0x0], $0xffff;
	v12 =	vsub.f32 v16, v0;
	v3 =	vmin.f32 v3, v10  }
0x2e1: {  	v9 =	vld.idx.msk [tilespmem:v18+s17+$0x0], $0xffff;
	v3 =	vmin.f32 v3, v11  }
0x2e2: {  	v5 =	vsub.f32 v5, v22;
	v2 =	vld.idx.msk [tilespmem:v2+s17+$0x0], $0xffff;
	v3 =	vmin.f32 v3, v12  }
0x2e3: {  	v4 =	vsub.f32 v4, v49;
	v3 =	vmin.f32 v3, v6  }
0x2e4: {  	v6 =	vsub.f32 v8, v50;
	v3 =	vmin.f32 v3, v5  }
0x2e5: {  	v5 =	vsub.f32 v7, v51;
	v3 =	vmin.f32 v3, v4  }
0x2e6: {  	v4 =	vsub.f32 v9, v52;
	v3 =	vmin.f32 v3, v6  }
0x2e7: {  	v2 =	vsub.f32 v2, v53;
	v3 =	vmin.f32 v3, v5  }
0x2e8: {  	s0 =	simm.s32 $0x0;
	v3 =	vmin.f32 v3, v4  }
0x2e9: {  	v2 =	vmin.f32 v3, v2;
	v3 =	vmov s0  }
0x2ea: {  	vm15 =	vgt.f32 v2, $0.0e+00;
	v2 =	vshll.u32 v3, $0x8;
	v3 =	vimm.s32 $0x0  }
0x2eb: {  	s25 =	sadd.s32 $0x10, s25;
	v3 =	vsel vm15, $0x1, v3;
	v2 =	vor.u32 v35, v2  }
0x2ec: {  	[tilespmem:s25+$0x0] =	vst v3;
	v2 =	vand.u32 $0x3800, v2  }
0x2ed: {  	_ =	swait.ge [sflag:s22], $0x4000;
	v3 =	vor.u32 v48, v2  }
0x2ee: {  	s0 =	sadd.s32 @!p0 s31, s11;
	v4 =	vor.u32 v36, v2;
	v16 =	vld [tilespmem:$0x1FDF0]  }
0x2ef: {  	s14 =	simm.s32 @!p0 $0x8000;
	s0 =	sshrl.u32 @!p0 s0, $0x3;
	v5 =	vor.u32 v37, v2;
	[sflag:s22] =	ssyncset.done $0x0;
	v18 =	vld [tilespmem:$0x1FFB0]  }
0x2f0: {  	s2 =	simm.s32 @!p0 $0x0;
	s0 =	sadd.s32 @!p0 s1, s0;
	v6 =	vor.u32 v38, v2;
	v19 =	vld [tilespmem:$0x1FFC0];
	[sflag:s22] =	ssyncadd.s32 $0xFFFFC000  }
0x2f1: {  	v7 =	vor.u32 v27, v2;
	v20 =	vld [tilespmem:$0x1FF60];
	[tilespmem:s14], [sflag:$0x3] =	stream.linear.gather @!p0 [hbm4b:s0+s2], $0x4000, $0x38  }
0x2f2: {  	v8 =	vor.u32 v28, v2;
	v3 =	vld.idx.msk [tilespmem:v3+s19+$0x0], $0xffff  }
0x2f3: {  	v21 =	vor.u32 v29, v2;
	v4 =	vld.idx.msk [tilespmem:v4+s19+$0x0], $0xffff  }
0x2f4: {  	v5 =	vld.idx.msk [tilespmem:v5+s19+$0x0], $0xffff  }
0x2f5: {  	v23 =	vor.u32 v30, v2;
	v6 =	vld.idx.msk [tilespmem:v6+s19+$0x0], $0xffff  }
0x2f6: {  	v7 =	vld.idx.msk [tilespmem:v7+s19+$0x0], $0xffff  }
0x2f7: {  	v8 =	vld.idx.msk [tilespmem:v8+s19+$0x0], $0xffff  }
0x2f8: {  	v11 =	vor.u32 v31, v2;
	v9 =	vld.idx.msk [tilespmem:v21+s19+$0x0], $0xffff  }
0x2f9: {  	v5 =	vsub.f32 v5, v18;
	v18 =	vld [tilespmem:$0x1FFD0]  }
0x2fa: {  	v12 =	vor.u32 v32, v2;
	v10 =	vld.idx.msk [tilespmem:v23+s19+$0x0], $0xffff  }
0x2fb: {  	v13 =	vor.u32 v33, v2;
	v3 =	vsub.f32 v3, v16;
	v16 =	vld [tilespmem:$0x1FFA0]  }
0x2fc: {  	v6 =	vsub.f32 v6, v19;
	v19 =	vld [tilespmem:$0x1FE60]  }
0x2fd: {  	v14 =	vor.u32 v34, v2;
	v11 =	vld.idx.msk [tilespmem:v11+s19+$0x0], $0xffff  }
0x2fe: {  	v7 =	vsub.f32 v7, v18;
	v18 =	vld [tilespmem:$0x1FE70]  }
0x2ff: {  	v12 =	vld.idx.msk [tilespmem:v12+s19+$0x0], $0xffff  }
0x300: {  	v13 =	vld.idx.msk [tilespmem:v13+s19+$0x0], $0xffff  }
0x301: {  	v4 =	vsub.f32 v4, v16;
	v8 =	vsub.f32 v8, v19;
	v19 =	vld [tilespmem:$0x1FE80]  }
0x302: {  	v14 =	vld.idx.msk [tilespmem:v14+s19+$0x0], $0xffff  }
0x303: {  	v3 =	vmin.f32 v3, v4;
	v9 =	vsub.f32 v9, v18;
	v18 =	vld [tilespmem:$0x1FDD0]  }
0x304: {  	v16 =	vld [tilespmem:$0x1FFE0];
	v3 =	vmin.f32 v3, v5  }
0x305: {  	v21 =	vld [tilespmem:$0x1FF70];
	v5 =	vor.u32 v1, v2;
	v3 =	vmin.f32 v3, v6  }
0x306: {  	v3 =	vmin.f32 v3, v7;
	v10 =	vsub.f32 v10, v19;
	v19 =	vld [tilespmem:$0x1FE90]  }
0x307: {  	v23 =	vld [tilespmem:$0x1FF80];
	v6 =	vor.u32 v15, v2;
	v3 =	vmin.f32 v3, v8  }
0x308: {  	v3 =	vmin.f32 v3, v9;
	v9 =	vor.u32 v18, v2;
	v18 =	vld [tilespmem:$0x1FDE0]  }
0x309: {  	v4 =	vld [tilespmem:$0x1FFF0];
	v16 =	vor.u32 v16, v2  }
0x30a: {  	v7 =	vor.u32 v63, v2;
	v5 =	vld.idx.msk [tilespmem:v5+s19+$0x0], $0xffff  }
0x30b: {  	v11 =	vsub.f32 v11, v19;
	v19 =	vld [tilespmem:$0x1FEA0]  }
0x30c: {  	v8 =	vor.u32 v62, v2;
	v6 =	vld.idx.msk [tilespmem:v6+s19+$0x0], $0xffff  }
0x30d: {  	v3 =	vmin.f32 v3, v10;
	v10 =	vor.u32 v18, v2;
	v18 =	vld [tilespmem:$0x1FDC0]  }
0x30e: {  	v16 =	vld.idx.msk [tilespmem:v16+s19+$0x0], $0xffff  }
0x30f: {  	v4 =	vor.u32 v4, v2;
	v7 =	vld.idx.msk [tilespmem:v7+s19+$0x0], $0xffff  }
0x310: {  	v12 =	vsub.f32 v12, v19;
	v19 =	vld [tilespmem:$0x1FEB0]  }
0x311: {  	v8 =	vld.idx.msk [tilespmem:v8+s19+$0x0], $0xffff  }
0x312: {  	v3 =	vmin.f32 v3, v11;
	v11 =	vor.u32 v18, v2;
	v18 =	vld [tilespmem:$0x1FEC0]  }
0x313: {  	v3 =	vmin.f32 v3, v12;
	v12 =	vld [tilespmem:$0x1FDB0]  }
0x314: {  	v4 =	vld.idx.msk [tilespmem:v4+s19+$0x0], $0xffff  }
0x315: {  	v13 =	vsub.f32 v13, v19;
	v19 =	vld [tilespmem:$0x1FED0]  }
0x316: {  	v9 =	vld.idx.msk [tilespmem:v9+s19+$0x0], $0xffff  }
0x317: {  	v14 =	vsub.f32 v14, v18;
	v18 =	vld [tilespmem:$0x1FEE0]  }
0x318: {  	v10 =	vld.idx.msk [tilespmem:v10+s19+$0x0], $0xffff;
	v12 =	vor.u32 v12, v2  }
0x319: {  	v3 =	vmin.f32 v3, v13;
	v13 =	vld [tilespmem:$0x1FDA0]  }
0x31a: {  	v16 =	vsub.f32 v16, v19;
	v19 =	vld [tilespmem:$0x1FEF0]  }
0x31b: {  	v11 =	vld.idx.msk [tilespmem:v11+s19+$0x0], $0xffff  }
0x31c: {  	v3 =	vmin.f32 v3, v14;
	v14 =	vld [tilespmem:$0x1FD90];
	v4 =	vsub.f32 v4, v18  }
0x31d: {  	v12 =	vld.idx.msk [tilespmem:v12+s19+$0x0], $0xffff;
	v3 =	vmin.f32 v3, v16  }
0x31e: {  	v13 =	vor.u32 v13, v2;
	v3 =	vmin.f32 v3, v4;
	v4 =	vor.u32 v55, v2;
	v55 =	vld [tilespmem:$0x1FF00]  }
0x31f: {  	v18 =	vld [tilespmem:$0x1FF10]  }
0x320: {  	v16 =	vld [tilespmem:$0x1FD80];
	v5 =	vsub.f32 v5, v19  }
0x321: {  	v19 =	vld [tilespmem:$0x1FF20]  }
0x322: {  	v3 =	vmin.f32 v3, v5;
	v5 =	vld [tilespmem:$0x1FD70]  }
0x323: {  	v14 =	vor.u32 v14, v2;
	v13 =	vld.idx.msk [tilespmem:v13+s19+$0x0], $0xffff;
	v6 =	vsub.f32 v6, v55  }
0x324: {  	v7 =	vsub.f32 v7, v18;
	v18 =	vor.u32 v24, v2;
	v24 =	vld [tilespmem:$0x1FF50]  }
0x325: {  	v16 =	vor.u32 v16, v2;
	v3 =	vmin.f32 v3, v6;
	v6 =	vor.u32 v54, v2;
	v54 =	vld [tilespmem:$0x1FF30]  }
0x326: {  	v55 =	vld [tilespmem:$0x1FF40]  }
0x327: {  	v8 =	vsub.f32 v8, v19;
	v19 =	vld [tilespmem:$0x1FD10];
	v5 =	vor.u32 v5, v2  }
0x328: {  	v14 =	vld.idx.msk [tilespmem:v14+s19+$0x0], $0xffff  }
0x329: {  	v4 =	vld.idx.msk [tilespmem:v4+s19+$0x0], $0xffff;
	v3 =	vmin.f32 v3, v7;
	v7 =	vor.u32 v26, v2  }
0x32a: {  	v16 =	vld.idx.msk [tilespmem:v16+s19+$0x0], $0xffff;
	v9 =	vsub.f32 v9, v54  }
0x32b: {  	v3 =	vmin.f32 v3, v8;
	v8 =	vor.u32 v25, v2;
	v10 =	vsub.f32 v10, v55;
	v55 =	vld [tilespmem:$0x1FF90]  }
0x32c: {  	v11 =	vsub.f32 v11, v24;
	v2 =	vor.u32 v19, v2;
	v5 =	vld.idx.msk [tilespmem:v5+s19+$0x0], $0xffff;
	v3 =	vmin.f32 v3, v9  }
0x32d: {  	v6 =	vld.idx.msk [tilespmem:v6+s19+$0x0], $0xffff;
	v3 =	vmin.f32 v3, v10;
	v10 =	vsub.f32 v12, v20  }
0x32e: {  	v7 =	vld.idx.msk [tilespmem:v7+s19+$0x0], $0xffff;
	v3 =	vmin.f32 v3, v11;
	v11 =	vsub.f32 v13, v21  }
0x32f: {  	v9 =	vld.idx.msk [tilespmem:v18+s19+$0x0], $0xffff;
	v3 =	vmin.f32 v3, v10;
	v10 =	vsub.f32 v14, v23  }
0x330: {  	v54 =	vsub.f32 v16, v0;
	v8 =	vld.idx.msk [tilespmem:v8+s19+$0x0], $0xffff;
	v3 =	vmin.f32 v3, v11  }
0x331: {  	v2 =	vld.idx.msk [tilespmem:v2+s19+$0x0], $0xffff;
	v4 =	vsub.f32 v4, v55;
	v3 =	vmin.f32 v3, v10  }
0x332: {  	v5 =	vsub.f32 v5, v22;
	v3 =	vmin.f32 v3, v54  }
0x333: {  	s31 =	simm.s32 $0x10;
	v3 =	vmin.f32 v3, v4;
	v4 =	vsub.f32 v6, v49;
	v6 =	vsub.f32 v7, v50  }
0x334: {  	v7 =	vsub.f32 v9, v52;
	v3 =	vmin.f32 v3, v5;
	v5 =	vmov s31  }
0x335: {  	v3 =	vmin.f32 v3, v4;
	v4 =	vsub.f32 v8, v51;
	v5 =	vshll.u32 v5, $0x8  }
0x336: {  	v55 =	vmovc v53;
	v8 =	vsub.f32 v2, v53;
	v5 =	vor.u32 v35, v5;
	v3 =	vmin.f32 v3, v6  }
0x337: {  	v53 =	vmovc v52;
	v52 =	vmovc v51;
	v51 =	vmov v50;
	v2 =	vand.u32 $0x3800, v5;
	v4 =	vmin.f32 v3, v4  }
0x338: {  	v50 =	vmovc v49;
	v6 =	vor.u32 v48, v2;
	v3 =	vor.u32 v36, v2;
	v4 =	vmin.f32 v4, v7  }
0x339: {  	s25 =	smov.u32 s28;
	s0 =	simm.s32 $0x20;
	s2 =	smov.u32 s28;
	v49 =	vmovc v22;
	v5 =	vor.u32 v37, v2;
	v7 =	vmin.f32 v4, v8;
	v4 =	vor.u32 v38, v2  }
.LBB2_9:
0x33a: {  	v16 =	vld [tilespmem:$0x1FFE0]  }
0x33b: {  	v22 =	vld [tilespmem:$0x1FDD0]  }
0x33c: {  	v23 =	vld [tilespmem:$0x1FDE0]  }
0x33d: {  	v24 =	vld [tilespmem:$0x1FDC0]  }
0x33e: {  	v25 =	vld [tilespmem:$0x1FDB0]  }
0x33f: {  	v26 =	vld [tilespmem:$0x1FDA0]  }
0x340: {  	v8 =	vor.u32 v27, v2;
	v27 =	vld [tilespmem:$0x1FD90]  }
0x341: {  	v9 =	vor.u32 v28, v2;
	vm0 =	vgt.f32 v7, $0.0e+00;
	v11 =	vimm.s32 $0x0;
	v28 =	vld [tilespmem:$0x1FD80]  }
0x342: {  	v7 =	vor.u32 v29, v2;
	v29 =	vld [tilespmem:$0x1FD60];
	v11 =	vsel vm0, $0x1, v11  }
0x343: {  	v10 =	vor.u32 v30, v2;
	v30 =	vld [tilespmem:$0x1FD70];
	[tilespmem:s2+$0x0] =	vst v11  }
0x344: {  	v6 =	vld.idx.msk [tilespmem:v6+s19+$0x0], $0xffff  }
0x345: {  	v3 =	vld.idx.msk [tilespmem:v3+s19+$0x0], $0xffff  }
0x346: {  	v5 =	vld.idx.msk [tilespmem:v5+s19+$0x0], $0xffff  }
0x347: {  	v54 =	vld [tilespmem:$0x1FD50]  }
0x348: {  	v12 =	vor.u32 v31, v2;
	v31 =	vld [tilespmem:$0x1FD40]  }
0x349: {  	v4 =	vld.idx.msk [tilespmem:v4+s19+$0x0], $0xffff  }
0x34a: {  	v8 =	vld.idx.msk [tilespmem:v8+s19+$0x0], $0xffff;
	v6 =	vsub.f32 v6, v56;
	v3 =	vsub.f32 v3, v57  }
0x34b: {  	v9 =	vld.idx.msk [tilespmem:v9+s19+$0x0], $0xffff;
	v5 =	vsub.f32 v5, v58  }
0x34c: {  	v13 =	vor.u32 v32, v2;
	v32 =	vor.u32 v54, v2;
	v54 =	vld [tilespmem:$0x1FD20];
	v3 =	vmin.f32 v6, v3  }
0x34d: {  	v3 =	vmin.f32 v3, v5;
	v5 =	vld [tilespmem:$0x1FE60]  }
0x34e: {  	v7 =	vld.idx.msk [tilespmem:v7+s19+$0x0], $0xffff  }
0x34f: {  	v10 =	vld.idx.msk [tilespmem:v10+s19+$0x0], $0xffff  }
0x350: {  	v12 =	vld.idx.msk [tilespmem:v12+s19+$0x0], $0xffff;
	v4 =	vsub.f32 v4, v60  }
0x351: {  	v14 =	vor.u32 v33, v2;
	v33 =	vor.u32 v54, v2;
	v54 =	vld [tilespmem:$0x1FD30];
	v6 =	vsub.f32 v8, v61  }
0x352: {  	v3 =	vmin.f32 v3, v4;
	v4 =	vld [tilespmem:$0x1FE70];
	v5 =	vsub.f32 v9, v5  }
0x353: {  	v11 =	vor.u32 v34, v2;
	v3 =	vmin.f32 v3, v6;
	v6 =	vld [tilespmem:$0x1FE80]  }
0x354: {  	v3 =	vmin.f32 v3, v5;
	v5 =	vld [tilespmem:$0x1FE90]  }
0x355: {  	v13 =	vld.idx.msk [tilespmem:v13+s19+$0x0], $0xffff  }
0x356: {  	v8 =	vld.idx.msk [tilespmem:v14+s19+$0x0], $0xffff  }
0x357: {  	v34 =	vor.u32 v54, v2;
	v54 =	vld [tilespmem:$0x1FD10];
	v4 =	vsub.f32 v7, v4  }
0x358: {  	v17 =	vor.u32 v59, v2;
	v16 =	vor.u32 v16, v2;
	v9 =	vld.idx.msk [tilespmem:v11+s19+$0x0], $0xffff;
	v6 =	vsub.f32 v10, v6  }
0x359: {  	v18 =	vor.u32 v1, v2;
	v3 =	vmin.f32 v3, v4;
	v4 =	vld [tilespmem:$0x1FEA0];
	v5 =	vsub.f32 v12, v5  }
0x35a: {  	v19 =	vor.u32 v15, v2;
	v20 =	vor.u32 v63, v2;
	v3 =	vmin.f32 v3, v6;
	v6 =	vld [tilespmem:$0x1FEB0]  }
0x35b: {  	v21 =	vor.u32 v62, v2;
	v22 =	vor.u32 v22, v2;
	v3 =	vmin.f32 v3, v5;
	v5 =	vld [tilespmem:$0x1FEC0]  }
0x35c: {  	v23 =	vor.u32 v23, v2;
	v24 =	vor.u32 v24, v2;
	v25 =	vor.u32 v25, v2  }
0x35d: {  	v26 =	vor.u32 v26, v2;
	v27 =	vor.u32 v27, v2;
	v28 =	vor.u32 v28, v2;
	v7 =	vld.idx.msk [tilespmem:v16+s19+$0x0], $0xffff  }
0x35e: {  	v29 =	vor.u32 v29, v2;
	v30 =	vor.u32 v30, v2;
	v10 =	vld.idx.msk [tilespmem:v17+s19+$0x0], $0xffff;
	v4 =	vsub.f32 v13, v4  }
0x35f: {  	v31 =	vor.u32 v31, v2;
	v2 =	vor.u32 v54, v2;
	v54 =	vld.idx.msk [tilespmem:v18+s19+$0x0], $0xffff;
	v6 =	vsub.f32 v8, v6  }
0x360: {  	v3 =	vmin.f32 v3, v4;
	v4 =	vld [tilespmem:$0x1FED0];
	v5 =	vsub.f32 v9, v5  }
0x361: {  	v3 =	vmin.f32 v3, v6;
	v6 =	vld [tilespmem:$0x1FEE0]  }
0x362: {  	v3 =	vmin.f32 v3, v5;
	v5 =	vld [tilespmem:$0x1FEF0];
	_ =	sdelay $0x1  }
0x363: {  	v18 =	vld.idx.msk [tilespmem:v21+s19+$0x0], $0xffff  }
0x364: {  	v12 =	vld.idx.msk [tilespmem:v19+s19+$0x0], $0xffff;
	v4 =	vsub.f32 v7, v4  }
0x365: {  	v8 =	vld.idx.msk [tilespmem:v20+s19+$0x0], $0xffff;
	v6 =	vsub.f32 v10, v6  }
0x366: {  	v3 =	vmin.f32 v3, v4;
	v4 =	vld [tilespmem:$0x1FF00];
	v5 =	vsub.f32 v54, v5  }
0x367: {  	v3 =	vmin.f32 v3, v6;
	v6 =	vld [tilespmem:$0x1FF10]  }
0x368: {  	v3 =	vmin.f32 v3, v5;
	v5 =	vld [tilespmem:$0x1FF20];
	_ =	sdelay $0x1  }
0x369: {  	v19 =	vld.idx.msk [tilespmem:v23+s19+$0x0], $0xffff  }
0x36a: {  	v20 =	vld.idx.msk [tilespmem:v24+s19+$0x0], $0xffff;
	v4 =	vsub.f32 v12, v4  }
0x36b: {  	v7 =	vld.idx.msk [tilespmem:v22+s19+$0x0], $0xffff;
	v6 =	vsub.f32 v8, v6  }
0x36c: {  	v3 =	vmin.f32 v3, v4;
	v4 =	vld [tilespmem:$0x1FF30];
	v5 =	vsub.f32 v18, v5  }
0x36d: {  	v3 =	vmin.f32 v3, v6;
	v6 =	vld [tilespmem:$0x1FF40]  }
0x36e: {  	v3 =	vmin.f32 v3, v5;
	v5 =	vld [tilespmem:$0x1FF50];
	_ =	sdelay $0x1  }
0x36f: {  	v21 =	vld.idx.msk [tilespmem:v27+s19+$0x0], $0xffff  }
0x370: {  	v12 =	vld.idx.msk [tilespmem:v25+s19+$0x0], $0xffff;
	v4 =	vsub.f32 v7, v4  }
0x371: {  	v8 =	vld.idx.msk [tilespmem:v26+s19+$0x0], $0xffff;
	v6 =	vsub.f32 v19, v6  }
0x372: {  	v3 =	vmin.f32 v3, v4;
	v4 =	vld [tilespmem:$0x1FF60];
	v5 =	vsub.f32 v20, v5  }
0x373: {  	v3 =	vmin.f32 v3, v6;
	v6 =	vld [tilespmem:$0x1FF70]  }
0x374: {  	v3 =	vmin.f32 v3, v5;
	v5 =	vld [tilespmem:$0x1FF80]  }
0x375: {  	v7 =	vld.idx.msk [tilespmem:v28+s19+$0x0], $0xffff  }
0x376: {  	v22 =	vld.idx.msk [tilespmem:v29+s19+$0x0], $0xffff  }
0x377: {  	v23 =	vld.idx.msk [tilespmem:v30+s19+$0x0], $0xffff;
	v4 =	vsub.f32 v12, v4  }
0x378: {  	v12 =	vld.idx.msk [tilespmem:v31+s19+$0x0], $0xffff;
	v6 =	vsub.f32 v8, v6  }
0x379: {  	v8 =	vld.idx.msk [tilespmem:v32+s19+$0x0], $0xffff;
	v3 =	vmin.f32 v3, v4;
	v5 =	vsub.f32 v21, v5  }
0x37a: {  	v54 =	vld.idx.msk [tilespmem:v33+s19+$0x0], $0xffff;
	v4 =	vsub.f32 v7, v0;
	v3 =	vmin.f32 v3, v6  }
0x37b: {  	v7 =	vld.idx.msk [tilespmem:v34+s19+$0x0], $0xffff;
	v6 =	vsub.f32 v22, v47;
	v3 =	vmin.f32 v3, v5  }
0x37c: {  	v2 =	vld.idx.msk [tilespmem:v2+s19+$0x0], $0xffff;
	v5 =	vsub.f32 v23, v49;
	v3 =	vmin.f32 v3, v4  }
0x37d: {  	s14 =	smov.u32 s0;
	v4 =	vsub.f32 v12, v50;
	v3 =	vmin.f32 v3, v6  }
0x37e: {  	p0 =	sne.s32 s0, $0x30;
	v27 =	vmovc v39;
	v6 =	vsub.f32 v8, v51;
	v8 =	vmov s14;
	v3 =	vmin.f32 v3, v5  }
.Ltmp3:
0x37f: {  	v30 =	vmovc v42;
	v29 =	vmovc v41;
	v5 =	vsub.f32 v54, v52;
	v8 =	vshll.u32 v8, $0x8;
	v3 =	vmin.f32 v3, v4;
	(pc) =	sbr.rel @p0 .LBB2_9-.Ltmp3, $4  }
0x380: {  	v33 =	vmovc v45;
	v4 =	vsub.f32 v7, v53;
	v7 =	vor.u32 v35, v8;
	v3 =	vmin.f32 v3, v6  }
0x381: {  	v28 =	vmovc v40;
	v31 =	vmovc v43;
	v8 =	vsub.f32 v2, v55;
	v2 =	vand.u32 $0x3800, v7;
	v5 =	vmin.f32 v3, v5  }
0x382: {  	s25 =	sadd.s32 $0x10, s25;
	v32 =	vmovc v44;
	v6 =	vor.u32 v48, v2;
	v3 =	vor.u32 v36, v2;
	v7 =	vmin.f32 v5, v4  }
0x383: {  	s0 =	sadd.s32 $0x10, s0;
	s2 =	smov.u32 s25;
	v34 =	vmovc v46;
	v5 =	vor.u32 v37, v2;
	v4 =	vor.u32 v38, v2;
	v7 =	vmin.f32 v7, v8  }
0x384: {  	v17 =	vld [tilespmem:$0x1FFE0]  }
0x385: {  	v40 =	vor.u32 v15, v2;
	v15 =	vld [tilespmem:$0x1FE60]  }
0x386: {  	v19 =	vld [tilespmem:$0x1FE70]  }
0x387: {  	v42 =	vld [tilespmem:$0x1FDD0]  }
0x388: {  	v43 =	vld [tilespmem:$0x1FDE0]  }
0x389: {  	v24 =	vmov v36;
	v36 =	vld [tilespmem:$0x1FEA0]  }
0x38a: {  	v44 =	vld [tilespmem:$0x1FDC0]  }
0x38b: {  	v25 =	vmov v37;
	v37 =	vld [tilespmem:$0x1FEB0]  }
0x38c: {  	v23 =	vmov v35;
	vm0 =	vgt.f32 v7, $0.0e+00;
	v35 =	vimm.s32 $0x0;
	v45 =	vld [tilespmem:$0x1FDB0]  }
0x38d: {  	v26 =	vmov v38;
	v38 =	vld [tilespmem:$0x1FEC0];
	v7 =	vsel vm0, $0x1, v35  }
0x38e: {  	v8 =	vor.u32 v27, v2;
	v39 =	vld [tilespmem:$0x1FEE0];
	[tilespmem:s2+$0x0] =	vst v7  }
0x38f: {  	v46 =	vor.u32 v28, v2;
	v6 =	vld.idx.msk [tilespmem:v6+s19+$0x0], $0xffff  }
0x390: {  	v9 =	vor.u32 v29, v2;
	v3 =	vld.idx.msk [tilespmem:v3+s19+$0x0], $0xffff  }
0x391: {  	v10 =	vor.u32 v30, v2;
	v5 =	vld.idx.msk [tilespmem:v5+s19+$0x0], $0xffff  }
0x392: {  	v11 =	vor.u32 v31, v2;
	v4 =	vld.idx.msk [tilespmem:v4+s19+$0x0], $0xffff  }
0x393: {  	v12 =	vor.u32 v32, v2;
	v8 =	vld.idx.msk [tilespmem:v8+s19+$0x0], $0xffff  }
0x394: {  	v13 =	vor.u32 v33, v2;
	v7 =	vld.idx.msk [tilespmem:v46+s19+$0x0], $0xffff  }
0x395: {  	v14 =	vor.u32 v34, v2;
	v9 =	vld.idx.msk [tilespmem:v9+s19+$0x0], $0xffff  }
0x396: {  	v16 =	vor.u32 v17, v2;
	v10 =	vld.idx.msk [tilespmem:v10+s19+$0x0], $0xffff  }
0x397: {  	v11 =	vld.idx.msk [tilespmem:v11+s19+$0x0], $0xffff  }
0x398: {  	v21 =	vmov v47;
	v47 =	vor.u32 v59, v2;
	v54 =	vld.idx.msk [tilespmem:v12+s19+$0x0], $0xffff  }
0x399: {  	v12 =	vld.idx.msk [tilespmem:v13+s19+$0x0], $0xffff  }
0x39a: {  	v13 =	vld.idx.msk [tilespmem:v14+s19+$0x0], $0xffff  }
0x39b: {  	v1 =	vor.u32 v1, v2;
	v6 =	vsub.f32 v6, v56;
	v3 =	vsub.f32 v3, v57;
	v14 =	vld.idx.msk [tilespmem:v16+s19+$0x0], $0xffff  }
0x39c: {  	v16 =	vld [tilespmem:$0x1FE80]  }
0x39d: {  	v5 =	vsub.f32 v5, v58;
	v3 =	vmin.f32 v6, v3;
	v6 =	vld.idx.msk [tilespmem:v47+s19+$0x0], $0xffff  }
0x39e: {  	v4 =	vsub.f32 v4, v60;
	v47 =	vld [tilespmem:$0x1FE90]  }
0x39f: {  	v41 =	vor.u32 v62, v2;
	v62 =	vld [tilespmem:$0x1FD60];
	v8 =	vsub.f32 v8, v61;
	v3 =	vmin.f32 v3, v5  }
0x3a0: {  	v1 =	vld.idx.msk [tilespmem:v1+s19+$0x0], $0xffff;
	v7 =	vsub.f32 v7, v15;
	v3 =	vmin.f32 v3, v4  }
0x3a1: {  	v18 =	vmov v58;
	v58 =	vld [tilespmem:$0x1FD90];
	v9 =	vsub.f32 v9, v19;
	v3 =	vmin.f32 v3, v8  }
0x3a2: {  	v5 =	vsub.f32 v54, v36;
	v54 =	vld [tilespmem:$0x1FDA0];
	v3 =	vmin.f32 v3, v7;
	v10 =	vsub.f32 v10, v16  }
0x3a3: {  	v4 =	vld.idx.msk [tilespmem:v40+s19+$0x0], $0xffff;
	v3 =	vmin.f32 v3, v9;
	v11 =	vsub.f32 v11, v47  }
0x3a4: {  	v12 =	vsub.f32 v12, v37;
	v40 =	vld [tilespmem:$0x1FEF0];
	v3 =	vmin.f32 v3, v10  }
0x3a5: {  	v8 =	vor.u32 v63, v2;
	v63 =	vor.u32 v62, v2;
	v62 =	vld [tilespmem:$0x1FF50];
	v3 =	vmin.f32 v3, v11  }
0x3a6: {  	v7 =	vld.idx.msk [tilespmem:v41+s19+$0x0], $0xffff;
	v3 =	vmin.f32 v3, v5  }
0x3a7: {  	v46 =	vor.u32 v45, v2;
	v3 =	vmin.f32 v3, v12;
	v12 =	vor.u32 v54, v2;
	v54 =	vld [tilespmem:$0x1FED0]  }
0x3a8: {  	v41 =	vld [tilespmem:$0x1FF00]  }
0x3a9: {  	v9 =	vor.u32 v42, v2;
	v42 =	vld [tilespmem:$0x1FF10]  }
0x3aa: {  	v8 =	vld.idx.msk [tilespmem:v8+s19+$0x0], $0xffff  }
0x3ab: {  	v13 =	vsub.f32 v13, v38;
	v10 =	vor.u32 v43, v2;
	v11 =	vor.u32 v44, v2;
	v44 =	vld [tilespmem:$0x1FD70]  }
0x3ac: {  	v5 =	vld.idx.msk [tilespmem:v46+s19+$0x0], $0xffff;
	v14 =	vsub.f32 v14, v54  }
0x3ad: {  	v6 =	vsub.f32 v6, v39;
	v46 =	vld [tilespmem:$0x1FD50];
	v3 =	vmin.f32 v3, v13  }
0x3ae: {  	v1 =	vsub.f32 v1, v40;
	v43 =	vld [tilespmem:$0x1FF20];
	v3 =	vmin.f32 v3, v14  }
0x3af: {  	v4 =	vsub.f32 v4, v41;
	v9 =	vld.idx.msk [tilespmem:v9+s19+$0x0], $0xffff;
	v3 =	vmin.f32 v3, v6  }
0x3b0: {  	v10 =	vld.idx.msk [tilespmem:v10+s19+$0x0], $0xffff;
	v8 =	vsub.f32 v8, v42;
	v1 =	vmin.f32 v3, v1  }
0x3b1: {  	v3 =	vor.u32 v44, v2;
	v44 =	vld [tilespmem:$0x1FF30];
	v1 =	vmin.f32 v1, v4  }
0x3b2: {  	v1 =	vmin.f32 v1, v8;
	v8 =	vor.u32 v46, v2;
	v46 =	vld [tilespmem:$0x1FF40]  }
0x3b3: {  	v11 =	vld.idx.msk [tilespmem:v11+s19+$0x0], $0xffff  }
0x3b4: {  	v56 =	vmov v59;
	v59 =	vmov v61;
	v61 =	vld [tilespmem:$0x1FD80]  }
0x3b5: {  	v7 =	vsub.f32 v7, v43  }
0x3b6: {  	v45 =	vld [tilespmem:$0x1FD40];
	v9 =	vsub.f32 v9, v44  }
0x3b7: {  	v13 =	vor.u32 v58, v2;
	v58 =	vld [tilespmem:$0x1FD20];
	v1 =	vmin.f32 v1, v7;
	v10 =	vsub.f32 v10, v46  }
0x3b8: {  	v12 =	vld.idx.msk [tilespmem:v12+s19+$0x0], $0xffff;
	v11 =	vsub.f32 v11, v62;
	v1 =	vmin.f32 v1, v9  }
0x3b9: {  	v14 =	vor.u32 v61, v2;
	v61 =	vld [tilespmem:$0x1FD30];
	v1 =	vmin.f32 v1, v10  }
0x3ba: {  	v1 =	vmin.f32 v1, v11;
	v11 =	vld [tilespmem:$0x1FF70]  }
0x3bb: {  	v6 =	vld.idx.msk [tilespmem:v63+s19+$0x0], $0xffff  }
0x3bc: {  	v63 =	vld [tilespmem:$0x1FD10]  }
0x3bd: {  	v46 =	vld [tilespmem:$0x1FF60]  }
0x3be: {  	v13 =	vld.idx.msk [tilespmem:v13+s19+$0x0], $0xffff;
	v4 =	vor.u32 v45, v2  }
0x3bf: {  	v10 =	vsub.f32 v12, v11;
	v12 =	vld [tilespmem:$0x1FF80]  }
0x3c0: {  	v7 =	vor.u32 v58, v2;
	v14 =	vld.idx.msk [tilespmem:v14+s19+$0x0], $0xffff  }
0x3c1: {  	v9 =	vor.u32 v61, v2  }
0x3c2: {  	v45 =	vor.u32 v63, v2;
	v3 =	vld.idx.msk [tilespmem:v3+s19+$0x0], $0xffff;
	v5 =	vsub.f32 v5, v46  }
0x3c3: {  	v4 =	vld.idx.msk [tilespmem:v4+s19+$0x0], $0xffff  }
0x3c4: {  	v22 =	vmov v0;
	v58 =	vld.idx.msk [tilespmem:v8+s19+$0x0], $0xffff;
	v1 =	vmin.f32 v1, v5;
	v8 =	vsub.f32 v13, v12  }
0x3c5: {  	v7 =	vld.idx.msk [tilespmem:v7+s19+$0x0], $0xffff;
	v1 =	vmin.f32 v1, v10;
	v10 =	vsub.f32 v14, v22  }
0x3c6: {  	v6 =	vsub.f32 v6, v21;
	v1 =	vmin.f32 v1, v8;
	v8 =	vld.idx.msk [tilespmem:v9+s19+$0x0], $0xffff  }
0x3c7: {  	v2 =	vld.idx.msk [tilespmem:v45+s19+$0x0], $0xffff;
	v3 =	vsub.f32 v3, v49;
	v1 =	vmin.f32 v1, v10  }
0x3c8: {  	v4 =	vsub.f32 v4, v50;
	v1 =	vmin.f32 v1, v6  }
0x3c9: {  	v61 =	vsub.f32 v58, v51;
	v1 =	vmin.f32 v1, v3  }
0x3ca: {  	v62 =	vsub.f32 v7, v52;
	v1 =	vmin.f32 v1, v4  }
0x3cb: {  	s30 =	sadd.s32 $0x1, s30;
	v1 =	vmin.f32 v1, v61;
	v63 =	vsub.f32 v8, v53  }
0x3cc: {  	p0 =	sne.s32 s30, $0x13;
	v2 =	vsub.f32 v2, v55;
	v1 =	vmin.f32 v1, v62  }
.Ltmp4:
0x3cd: {  	v1 =	vmin.f32 v1, v63;
	(pc) =	sbr.rel @p0 .LBB2_2-.Ltmp4, $4  }
0x3ce: {  	v1 =	vmin.f32 v1, v2  }
0x3cf: {  	vm15 =	vgt.f32 v1, $0.0e+00  }
0x3d0: {  	s0 =	sadd.s32 $0x10, s25;
	s29 =	sadd.s32 $0x100, s29;
	v49 =	vmov v41;
	v50 =	vmov v60;
	v1 =	vsel vm15, $0x1, v35  }
0x3d1: {  	s3 =	sadd.s32 $0x100, s3;
	s26 =	sadd.s32 $0x100, s26;
	s28 =	sadd.s32 $0x100, s28;
	v51 =	vmovc v17;
	v9 =	vmovc v42;
	v61 =	vmov v18;
	v18 =	vmov v59;
	v53 =	vmov v44;
	[tilespmem:s0+$0x0] =	vst v1  }
0x3d2: {  	s24 =	sadd.s32 $0x1, s24  }
0x3d3: {  	p0 =	sne.s32 s24, s13  }
.Ltmp5:
0x3d4: {  	_ = 	snop;
	(pc) =	sbr.rel @p0 .LBB2_1-.Ltmp5, $4  }
0x3d5: {  	[hbm4b:s12+s4] =	stream.linear.scatter [tilespmem:s23], [sflag:$0x5], $0x1300, $0x38;
	[tilespmem:$0x11400] =	vst v63  }
0x3d6: {  	_ =	swait.ge [sflag:s15], $0x1300  }
0x3d7: {  	[sflag:s15] =	ssyncset.done $0x0  }
0x3d8: {  	[sflag:s15] =	ssyncadd.s32 $0xFFFFED00  }
0x3d9: {  	_ =	sfence.sel $0x180000  }
0x3da: {  	[bflag:$0x0] =	sbarrier.arrive $0xFFFF  }
0x3db: {  	_ =	strace $0x90000047  }
0x3dc: {  	s0 =	stileid.u32;
	[bflag:$0x2] =	sbarrier.arrive $0xFFFF  }
0x3dd: {  	p0 =	sne.s32 s0, $0x0;
	s0 =	rddreg [dreg:$0x3]  }
0x3de: {  	s0 =	sadd.s32 @!p0 $0x100000, s0  }
0x3df: {  	[sflag:s0] =	ssyncadd.tile.s32 @!p0 $0x1;
	_ =	shalt  }
.Lfunc_end2:
_tile_overlayer_lowered:
.L_overlay_start_2:
0x3e0: {  	(tag) =	ssettag $0x2  }
0x3e1: {  	s0 =	rddreg [dreg:$0x0];
	s2 =	stileid.u32  }
0x3e2: {  	s1 =	rddreg [dreg:$0x1];
	p0 =	sne.s32 s2, $0x0  }
0x3e3: {  	s3 =	rddreg [dreg:$0x2];
	[bflag:$0x3] =	sbarrier.arrive $0xFFFF;
	s2 =	simm.s32 @!p0 $0x1C05  }
0x3e4: {  	[timem:s3], [sflag:s2] =	dma.local @!p0 [hbm:s0], s1  }
0x3e5: {  	s0 =	simm.s32 @!p0 $0x5  }
0x3e6: {  	_ =	swait.ge @!p0 [sflag:s0], s1  }
0x3e7: {  	s1 =	ssub.s32 @!p0 $0x0, s1;
	[sflag:s0] =	ssyncset.done @!p0 $0x0  }
0x3e8: {  	[sflag:s0] =	ssyncadd.s32 @!p0 s1  }
0x3e9: {  	[bflag:$0x3] =	sbarrier.arrive $0xFFFF  }
0x3ea: {  	_ =	shalt  }

</sc_bundles>
